<compile_context>
chip_gen: v7x
topology: tpu7x:2x2x1
jax: 0.10.2.dev20260603
libtpu: 0.0.44.dev20260713+nightly
codegen_flags: <defaults>
</compile_context>

<pallas_src>
import functools

import jax
import jax.numpy as jnp
from jax import lax
from jax.experimental import pallas as pl
from jax.experimental.pallas import tpu as pltpu
from jax.experimental.pallas import tpu_sc as plsc

N = 10000
E = 160000
G = 256
H = 128

NC = 2
NS = 16
NW = NC * NS
EW = E // NW
CHUNK = 40
NFULL = EW // CHUNK
DUMP = (N // NS) // 8 * 8
DUMP_TAIL = N - NS * DUMP

TN = 1000
TE = 4000


def _prep_body(nf_ref, g_ref, b_ref, whi_ref, whj_ref, lat_ref, wlat_ref,
               h_ref, a_ref, b2_ref, lp_ref):
    x = nf_ref[...]
    mu = jnp.mean(x, axis=-1, keepdims=True)
    var = jnp.mean((x - mu) * (x - mu), axis=-1, keepdims=True)
    h = (x - mu) * lax.rsqrt(var + 1e-5) * g_ref[...] + b_ref[...]
    h_ref[...] = h
    a_ref[...] = jnp.dot(h, whi_ref[...], preferred_element_type=jnp.float32)
    b2_ref[...] = jnp.dot(h, whj_ref[...], preferred_element_type=jnp.float32)
    lp_ref[...] = jnp.dot(lat_ref[...], wlat_ref[...],
                          preferred_element_type=jnp.float32)


def _prep(nf, ln_g, ln_b, w_hi, w_hj, lat_p, w_lat_p):
    grid = (N // TN,)
    return pl.pallas_call(
        _prep_body,
        grid=grid,
        in_specs=[
            pl.BlockSpec((TN, H), lambda i: (i, 0)),
            pl.BlockSpec((1, H), lambda i: (0, 0)),
            pl.BlockSpec((1, H), lambda i: (0, 0)),
            pl.BlockSpec((H, H), lambda i: (0, 0)),
            pl.BlockSpec((H, H), lambda i: (0, 0)),
            pl.BlockSpec((G, 8), lambda i: (0, 0)),
            pl.BlockSpec((8, H), lambda i: (0, 0)),
        ],
        out_specs=[
            pl.BlockSpec((TN, H), lambda i: (i, 0)),
            pl.BlockSpec((TN, H), lambda i: (i, 0)),
            pl.BlockSpec((TN, H), lambda i: (i, 0)),
            pl.BlockSpec((G, H), lambda i: (0, 0)),
        ],
        out_shape=[
            jax.ShapeDtypeStruct((N, H), jnp.float32),
            jax.ShapeDtypeStruct((N, H), jnp.float32),
            jax.ShapeDtypeStruct((N, H), jnp.float32),
            jax.ShapeDtypeStruct((G, H), jnp.float32),
        ],
    )(nf, ln_g, ln_b, w_hi, w_hj, lat_p, w_lat_p)


SLOTS = 5
NOUT = NFULL // SLOTS


def _gather_kernel_body(a_hbm, b_hbm, idx0_hbm, idx1_hbm, ga_hbm, gb_hbm,
                        idx0_v, idx1_v, bufa_v, bufb_v, semi, semg, semw):
    cid = lax.axis_index("c")
    sid = lax.axis_index("s")
    wid = cid * NS + sid
    start = wid * EW

    def issue_idx(j, b):
        base = start + j * CHUNK
        pltpu.async_copy(idx0_hbm.at[pl.ds(base, CHUNK)], idx0_v[b], semi[b])
        pltpu.async_copy(idx1_hbm.at[pl.ds(base, CHUNK)], idx1_v[b], semi[b])

    def wait_idx(b):
        pltpu.make_async_copy(idx0_hbm.at[pl.ds(0, CHUNK)], idx0_v[b],
                              semi[b]).wait()
        pltpu.make_async_copy(idx1_hbm.at[pl.ds(0, CHUNK)], idx1_v[b],
                              semi[b]).wait()

    def issue_gather(b):
        pltpu.async_copy(a_hbm.at[idx0_v[b]], bufa_v[b], semg[b])
        pltpu.async_copy(b_hbm.at[idx1_v[b]], bufb_v[b], semg[b])

    def wait_gather(b):
        pltpu.make_async_copy(a_hbm.at[pl.ds(0, CHUNK)], bufa_v[b],
                              semg[b]).wait()
        pltpu.make_async_copy(b_hbm.at[pl.ds(0, CHUNK)], bufb_v[b],
                              semg[b]).wait()

    def issue_wb(j, b):
        base = start + j * CHUNK
        pltpu.async_copy(bufa_v[b], ga_hbm.at[pl.ds(base, CHUNK)], semw[b])
        pltpu.async_copy(bufb_v[b], gb_hbm.at[pl.ds(base, CHUNK)], semw[b])

    def wait_wb(b):
        pltpu.make_async_copy(bufa_v[b], ga_hbm.at[pl.ds(0, CHUNK)],
                              semw[b]).wait()
        pltpu.make_async_copy(bufb_v[b], gb_hbm.at[pl.ds(0, CHUNK)],
                              semw[b]).wait()

    for b in range(SLOTS):
        issue_idx(b, b)

    def outer(jo, carry):
        for b in range(SLOTS):
            j = jo * SLOTS + b

            @pl.when(jo > 0)
            def _():
                wait_wb(b)
            wait_idx(b)
            issue_gather(b)

            p = (b - 3) % SLOTS
            jc = j - 3

            @pl.when(jc >= 0)
            def _():
                wait_gather(p)
                issue_wb(jc, p)

                @pl.when(jc + SLOTS < NFULL)
                def _():
                    issue_idx(jc + SLOTS, p)
        return carry

    lax.fori_loop(0, NOUT, outer, 0)

    for jc in (NFULL - 3, NFULL - 2, NFULL - 1):
        p = jc % SLOTS
        wait_gather(p)
        issue_wb(jc, p)
    for b in range(SLOTS):
        wait_wb(b)


def _gather(a, b, idx0, idx1):
    mesh = plsc.VectorSubcoreMesh(core_axis_name="c", subcore_axis_name="s")
    k = pl.kernel(
        _gather_kernel_body,
        out_type=[
            jax.ShapeDtypeStruct((E, H), jnp.float32),
            jax.ShapeDtypeStruct((E, H), jnp.float32),
        ],
        mesh=mesh,
        scratch_types=[
            [pltpu.VMEM((CHUNK,), jnp.int32)] * SLOTS,
            [pltpu.VMEM((CHUNK,), jnp.int32)] * SLOTS,
            [pltpu.VMEM((CHUNK, H), jnp.float32)] * SLOTS,
            [pltpu.VMEM((CHUNK, H), jnp.float32)] * SLOTS,
            [pltpu.SemaphoreType.DMA] * SLOTS,
            [pltpu.SemaphoreType.DMA] * SLOTS,
            [pltpu.SemaphoreType.DMA] * SLOTS,
        ],
    )
    return k(a, b, idx0, idx1)


def _edge_body(ga_ref, gb_ref, ef_ref, fd_ref, e2g_ref, lp_ref, wef_ref,
               wfd_ref, eb1_ref, ew2_ref, eb2_ref, out_ref):
    pre = ga_ref[...] + gb_ref[...]
    pre += jnp.dot(ef_ref[...], wef_ref[...], preferred_element_type=jnp.float32)
    pre += jnp.dot(fd_ref[...], wfd_ref[...], preferred_element_type=jnp.float32)
    e2g = e2g_ref[0, 0, :]
    onehot = (e2g[:, None] == lax.broadcasted_iota(jnp.int32, (TE, G), 1))
    pre += jnp.dot(onehot.astype(jnp.float32), lp_ref[...],
                   preferred_element_type=jnp.float32)
    pre += eb1_ref[...]
    m = pre * jax.nn.sigmoid(pre)
    m2 = jnp.dot(m, ew2_ref[...], preferred_element_type=jnp.float32) + eb2_ref[...]
    out_ref[...] = m2 * jax.nn.sigmoid(m2)


def _edge_mlp(ga, gb, ef, fd_p, e2g3, lp, w_ef, w_fd_p, eb1, eW2, eb2):
    grid = (E // TE,)
    return pl.pallas_call(
        _edge_body,
        grid=grid,
        in_specs=[
            pl.BlockSpec((TE, H), lambda i: (i, 0)),
            pl.BlockSpec((TE, H), lambda i: (i, 0)),
            pl.BlockSpec((TE, H), lambda i: (i, 0)),
            pl.BlockSpec((TE, 8), lambda i: (i, 0)),
            pl.BlockSpec((1, 1, TE), lambda i: (i, 0, 0)),
            pl.BlockSpec((G, H), lambda i: (0, 0)),
            pl.BlockSpec((H, H), lambda i: (0, 0)),
            pl.BlockSpec((8, H), lambda i: (0, 0)),
            pl.BlockSpec((1, H), lambda i: (0, 0)),
            pl.BlockSpec((H, H), lambda i: (0, 0)),
            pl.BlockSpec((1, H), lambda i: (0, 0)),
        ],
        out_specs=pl.BlockSpec((TE, H), lambda i: (i, 0)),
        out_shape=jax.ShapeDtypeStruct((E, H), jnp.float32),
    )(ga, gb, ef, fd_p, e2g3, lp, w_ef, w_fd_p, eb1, eW2, eb2)


def _scatter_kernel_body(m2_hbm, idx0_hbm, zrow_hbm, zcnt_hbm, ones_hbm,
                         ar_hbm, rows_out, cnt_out, idx_v, val_v, cnt_v,
                         ones_v, iota_v, iota_rem_v, iota_tail_v, val_rem_v,
                         val_tail_v, cnt_rem_v, cnt_tail_v, semi, sems,
                         row_acc, cnt_acc):
    cid = lax.axis_index("c")
    sid = lax.axis_index("s")
    wid = cid * NS + sid
    start = wid * EW
    rem = DUMP - (DUMP // CHUNK) * CHUNK

    pltpu.sync_copy(ones_hbm, ones_v)

    def zbody(j, carry):
        zb = sid * DUMP + j * CHUNK
        pltpu.sync_copy(ar_hbm.at[pl.ds(zb, CHUNK)], iota_v)
        pltpu.sync_copy(zrow_hbm.at[pl.ds(zb, CHUNK)], val_v[0])
        pltpu.sync_copy(val_v[0], row_acc.at[iota_v])
        pltpu.sync_copy(zcnt_hbm.at[pl.ds(zb, CHUNK)], cnt_v)
        pltpu.sync_copy(cnt_v, cnt_acc.at[iota_v])
        return carry

    lax.fori_loop(0, DUMP // CHUNK, zbody, 0)
    zb = sid * DUMP + (DUMP // CHUNK) * CHUNK
    pltpu.sync_copy(ar_hbm.at[pl.ds(zb, rem)], iota_rem_v)
    pltpu.sync_copy(zrow_hbm.at[pl.ds(zb, rem)], val_rem_v)
    pltpu.sync_copy(val_rem_v, row_acc.at[iota_rem_v])
    pltpu.sync_copy(zcnt_hbm.at[pl.ds(zb, rem)], cnt_rem_v)
    pltpu.sync_copy(cnt_rem_v, cnt_acc.at[iota_rem_v])

    @pl.when(sid == 0)
    def _init_tail():
        tb = NS * DUMP
        pltpu.sync_copy(ar_hbm.at[pl.ds(tb, DUMP_TAIL)], iota_tail_v)
        pltpu.sync_copy(zrow_hbm.at[pl.ds(tb, DUMP_TAIL)], val_tail_v)
        pltpu.sync_copy(val_tail_v, row_acc.at[iota_tail_v])
        pltpu.sync_copy(zcnt_hbm.at[pl.ds(tb, DUMP_TAIL)], cnt_tail_v)
        pltpu.sync_copy(cnt_tail_v, cnt_acc.at[iota_tail_v])

    plsc.subcore_barrier()

    def issue_loads(j, b):
        base = start + j * CHUNK
        pltpu.async_copy(idx0_hbm.at[pl.ds(base, CHUNK)], idx_v[b], semi[b])
        pltpu.async_copy(m2_hbm.at[pl.ds(base, CHUNK)], val_v[b], semi[b])

    def wait_loads(b):
        pltpu.make_async_copy(idx0_hbm.at[pl.ds(0, CHUNK)], idx_v[b],
                              semi[b]).wait()
        pltpu.make_async_copy(m2_hbm.at[pl.ds(0, CHUNK)], val_v[b],
                              semi[b]).wait()

    def issue_scats(b):
        pltpu.async_copy(val_v[b], row_acc.at[idx_v[b]], sems[b], add=True)
        pltpu.async_copy(ones_v, cnt_acc.at[idx_v[b]], sems[b], add=True)

    def wait_scats(b):
        pltpu.make_async_copy(val_v[b], row_acc.at[idx_v[b]], sems[b]).wait()
        pltpu.make_async_copy(ones_v, cnt_acc.at[idx_v[b]], sems[b]).wait()

    for b in range(SLOTS):
        issue_loads(b, b)

    def outer(jo, carry):
        for b in range(SLOTS):
            j = jo * SLOTS + b
            wait_loads(b)
            issue_scats(b)
            pc = (b - 3) % SLOTS
            jc = j - 3

            @pl.when(jc >= 0)
            def _():
                wait_scats(pc)

                @pl.when(jc + SLOTS < NFULL)
                def _():
                    issue_loads(jc + SLOTS, pc)
        return carry

    lax.fori_loop(0, NFULL // SLOTS, outer, 0)
    for jc in (NFULL - 3, NFULL - 2, NFULL - 1):
        wait_scats(jc % SLOTS)

    plsc.subcore_barrier()

    def dbody(j, carry):
        db = sid * DUMP + j * CHUNK
        pltpu.sync_copy(ar_hbm.at[pl.ds(db, CHUNK)], iota_v)
        pltpu.sync_copy(row_acc.at[iota_v], val_v[0])
        pltpu.sync_copy(val_v[0], rows_out.at[pl.ds(cid * N + db, CHUNK)])
        pltpu.sync_copy(cnt_acc.at[iota_v], cnt_v)
        pltpu.sync_copy(cnt_v, cnt_out.at[pl.ds(cid * N + db, CHUNK)])
        return carry

    lax.fori_loop(0, DUMP // CHUNK, dbody, 0)
    db = sid * DUMP + (DUMP // CHUNK) * CHUNK
    pltpu.sync_copy(ar_hbm.at[pl.ds(db, rem)], iota_rem_v)
    pltpu.sync_copy(row_acc.at[iota_rem_v], val_rem_v)
    pltpu.sync_copy(val_rem_v, rows_out.at[pl.ds(cid * N + db, rem)])
    pltpu.sync_copy(cnt_acc.at[iota_rem_v], cnt_rem_v)
    pltpu.sync_copy(cnt_rem_v, cnt_out.at[pl.ds(cid * N + db, rem)])

    @pl.when(sid == 0)
    def _dump_tail():
        tb = NS * DUMP
        pltpu.sync_copy(ar_hbm.at[pl.ds(tb, DUMP_TAIL)], iota_tail_v)
        pltpu.sync_copy(row_acc.at[iota_tail_v], val_tail_v)
        pltpu.sync_copy(val_tail_v, rows_out.at[pl.ds(cid * N + tb, DUMP_TAIL)])
        pltpu.sync_copy(cnt_acc.at[iota_tail_v], cnt_tail_v)
        pltpu.sync_copy(cnt_tail_v, cnt_out.at[pl.ds(cid * N + tb, DUMP_TAIL)])


def _scatter(m2, idx0, zrow, zcnt, ones1, ar):
    mesh = plsc.VectorSubcoreMesh(core_axis_name="c", subcore_axis_name="s")
    k = pl.kernel(
        _scatter_kernel_body,
        out_type=[
            jax.ShapeDtypeStruct((NC * N, H), jnp.float32),
            jax.ShapeDtypeStruct((NC * N,), jnp.float32),
        ],
        mesh=mesh,
        scratch_types=[
            [pltpu.VMEM((CHUNK,), jnp.int32)] * SLOTS,
            [pltpu.VMEM((CHUNK, H), jnp.float32)] * SLOTS,
            pltpu.VMEM((CHUNK,), jnp.float32),
            pltpu.VMEM((CHUNK,), jnp.float32),
            pltpu.VMEM((CHUNK,), jnp.int32),
            pltpu.VMEM((24,), jnp.int32),
            pltpu.VMEM((DUMP_TAIL,), jnp.int32),
            pltpu.VMEM((24, H), jnp.float32),
            pltpu.VMEM((DUMP_TAIL, H), jnp.float32),
            pltpu.VMEM((24,), jnp.float32),
            pltpu.VMEM((DUMP_TAIL,), jnp.float32),
            [pltpu.SemaphoreType.DMA] * SLOTS,
            [pltpu.SemaphoreType.DMA] * SLOTS,
            pltpu.VMEM_SHARED((N, H), jnp.float32),
            pltpu.VMEM_SHARED((N,), jnp.float32),
        ],
    )
    return k(m2, idx0, zrow, zcnt, ones1, ar)


def _node_body(nf_ref, h_ref, rp0_ref, rp1_ref, cp0_ref, cp1_ref, wh_ref,
               wa_ref, nb1_ref, nw2_ref, nb2_ref, out_ref):
    aggsum = rp0_ref[...] + rp1_ref[...]
    cnt = (cp0_ref[0, 0, :] + cp1_ref[0, 0, :])[:, None]
    agg = aggsum / jnp.maximum(cnt, 1.0)
    t = (jnp.dot(h_ref[...], wh_ref[...], preferred_element_type=jnp.float32)
         + jnp.dot(agg, wa_ref[...], preferred_element_type=jnp.float32)
         + nb1_ref[...])
    t = t * jax.nn.sigmoid(t)
    o = jnp.dot(t, nw2_ref[...], preferred_element_type=jnp.float32) + nb2_ref[...]
    out_ref[...] = nf_ref[...] + o * jax.nn.sigmoid(o)


def _node_mlp(nf, h, rows, cnts3, w_h, w_a, nb1, nW2, nb2):
    grid = (N // TN,)
    nblk = N // TN
    return pl.pallas_call(
        _node_body,
        grid=grid,
        in_specs=[
            pl.BlockSpec((TN, H), lambda i: (i, 0)),
            pl.BlockSpec((TN, H), lambda i: (i, 0)),
            pl.BlockSpec((TN, H), lambda i: (i, 0)),
            pl.BlockSpec((TN, H), lambda i: (i + nblk, 0)),
            pl.BlockSpec((1, 1, TN), lambda i: (i, 0, 0)),
            pl.BlockSpec((1, 1, TN), lambda i: (i + nblk, 0, 0)),
            pl.BlockSpec((H, H), lambda i: (0, 0)),
            pl.BlockSpec((H, H), lambda i: (0, 0)),
            pl.BlockSpec((1, H), lambda i: (0, 0)),
            pl.BlockSpec((H, H), lambda i: (0, 0)),
            pl.BlockSpec((1, H), lambda i: (0, 0)),
        ],
        out_specs=pl.BlockSpec((TN, H), lambda i: (i, 0)),
        out_shape=jax.ShapeDtypeStruct((N, H), jnp.float32),
    )(nf, h, rows, rows, cnts3, cnts3, w_h, w_a, nb1, nW2, nb2)


def kernel(node_features, lattices, edge_index, edge2graph, frac_diff,
           edge_feats, ln_g, ln_b, eW1, eb1, eW2, eb2, nW1, nb1, nW2, nb2):
    w_ef = eW1[0:H]
    w_hi = eW1[H:2 * H]
    w_hj = eW1[2 * H:3 * H]
    w_lat = eW1[3 * H:3 * H + 6]
    w_fd = eW1[3 * H + 6:]

    lat_p = jnp.pad(lattices.reshape(G, 6), ((0, 0), (0, 2)))
    w_lat_p = jnp.pad(w_lat, ((0, 2), (0, 0)))
    fd_p = jnp.pad(frac_diff, ((0, 0), (0, 5)))
    w_fd_p = jnp.pad(w_fd, ((0, 5), (0, 0)))

    h, a, b, lp = _prep(node_features, ln_g.reshape(1, H), ln_b.reshape(1, H),
                        w_hi, w_hj, lat_p, w_lat_p)

    idx0 = edge_index[0]
    idx1 = edge_index[1]
    ga, gb = _gather(a, b, idx0, idx1)

    e2g3 = edge2graph.reshape(E // TE, 1, TE)
    m2 = _edge_mlp(ga, gb, edge_feats, fd_p, e2g3, lp, w_ef, w_fd_p,
                   eb1.reshape(1, H), eW2, eb2.reshape(1, H))

    zrow = jnp.zeros((N, H), jnp.float32)
    zcnt = jnp.zeros((N,), jnp.float32)
    ones1 = jnp.ones((CHUNK,), jnp.float32)
    ar = jnp.arange(N, dtype=jnp.int32)
    rows, cnts = _scatter(m2, idx0, zrow, zcnt, ones1, ar)
    cnts3 = cnts.reshape(NC * N // TN, 1, TN)

    return _node_mlp(node_features, h, rows, cnts3, nW1[0:H],
                     nW1[H:], nb1.reshape(1, H), nW2, nb2.reshape(1, H))

# --- scband reference (transcript-rebuilt; emitter-appended) ---
"""Pipeline reference for scband-projected-conjugated-cspnet-37572373905433 (READ-ONLY COPY).

The authoritative reference and input builder live on the scoring server;
editing this copy changes nothing except your own understanding.
"""

import jax, jax.numpy as jnp
import numpy as np

N = 10000
E = 160000
G = 256
H = 128
EDGE_IN = 3 * H + 6 + 3
NODE_IN = 2 * H


def _linear(key, fi, fo):
    k1, k2 = jax.random.split(key)
    b = 1.0 / np.sqrt(fi)
    W = jax.random.uniform(k1, (fi, fo), minval=-b, maxval=b, dtype=jnp.float32)
    bias = jax.random.uniform(k2, (fo,), minval=-b, maxval=b, dtype=jnp.float32)
    return W, bias


def setup_inputs(seed: int = 0) -> dict:
    key = jax.random.key(seed)
    ks = jax.random.split(key, 12)
    node_features = jax.random.normal(ks[0], (N, H), dtype=jnp.float32)
    lattices = jax.random.normal(ks[1], (G, 6), dtype=jnp.float32)
    edge_index = jax.random.randint(ks[2], (2, E), 0, N, dtype=jnp.int32)
    edge2graph = jnp.sort(jax.random.randint(ks[3], (E,), 0, G, dtype=jnp.int32))
    frac_diff = jax.random.normal(ks[4], (E, 3), dtype=jnp.float32)
    edge_feats = jax.random.normal(ks[5], (E, H), dtype=jnp.float32)
    eW1, eb1 = _linear(ks[6], EDGE_IN, H)
    eW2, eb2 = _linear(ks[7], H, H)
    nW1, nb1 = _linear(ks[8], NODE_IN, H)
    nW2, nb2 = _linear(ks[9], H, H)
    ln_g = jnp.ones((H,), dtype=jnp.float32)
    ln_b = jnp.zeros((H,), dtype=jnp.float32)
    return {
        'node_features': node_features, 'lattices': lattices,
        'edge_index': edge_index, 'edge2graph': edge2graph,
        'frac_diff': frac_diff, 'edge_feats': edge_feats,
        'ln_g': ln_g, 'ln_b': ln_b,
        'eW1': eW1, 'eb1': eb1, 'eW2': eW2, 'eb2': eb2,
        'nW1': nW1, 'nb1': nb1, 'nW2': nW2, 'nb2': nb2,
    }


def reference(node_features, lattices, edge_index, edge2graph, frac_diff, edge_feats,
              ln_g, ln_b, eW1, eb1, eW2, eb2, nW1, nb1, nW2, nb2):
    node_input = node_features
    # LayerNorm (ln=True)
    mu = jnp.mean(node_features, axis=-1, keepdims=True)
    var = jnp.var(node_features, axis=-1, keepdims=True)
    h = (node_features - mu) / jnp.sqrt(var + 1e-5) * ln_g + ln_b
    # edge model: gather endpoint features + per-graph lattice params + frac_diff (dis_emb=None path)
    hi = jnp.take(h, edge_index[0], axis=0)
    hj = jnp.take(h, edge_index[1], axis=0)
    lattices_flat = lattices.reshape(lattices.shape[0], -1)
    lattices_flat_edges = jnp.take(lattices_flat, edge2graph, axis=0)
    ef = jnp.concatenate([edge_feats, hi, hj, lattices_flat_edges, frac_diff], axis=1)
    m = jax.nn.silu(ef @ eW1 + eb1)
    m = jax.nn.silu(m @ eW2 + eb2)
    # node model: scatter-mean over destination index, concat, node MLP (DiffCSP CSPLayer)
    seg = edge_index[0]
    agg_sum = jax.ops.segment_sum(m, seg, num_segments=node_features.shape[0])
    cnt = jax.ops.segment_sum(jnp.ones((m.shape[0], 1), dtype=m.dtype), seg, num_segments=node_features.shape[0])
    agg = agg_sum / jnp.clip(cnt, 1.0, None)
    nin = jnp.concatenate([h, agg], axis=1)
    out = jax.nn.silu(nin @ nW1 + nb1)
    out = jax.nn.silu(out @ nW2 + nb2)
    return node_input + out

if __name__ == "__main__":
    import jax
    _d = setup_inputs()
    print(jax.jit(kernel)(*tuple(_d.values())))

</pallas_src>

<mosaic_0001>
#map = affine_map<(d0, d1) -> (0, 0)>
#map1 = affine_map<(d0, d1) -> (0)>
module attributes {stable_mosaic.version = 14 : i64} {
  func.func @_gather_kernel_body(%arg0: i32, %arg1: i32, %arg2: memref<10000x128xf32, #tpu.memory_space<hbm>>, %arg3: memref<10000x128xf32, #tpu.memory_space<hbm>>, %arg4: memref<160000xi32, #tpu.memory_space<hbm>>, %arg5: memref<160000xi32, #tpu.memory_space<hbm>>, %arg6: memref<160000x128xf32, #tpu.memory_space<hbm>>, %arg7: memref<160000x128xf32, #tpu.memory_space<hbm>>, %arg8: memref<40xi32, #tpu.memory_space<vmem>>, %arg9: memref<40xi32, #tpu.memory_space<vmem>>, %arg10: memref<40xi32, #tpu.memory_space<vmem>>, %arg11: memref<40xi32, #tpu.memory_space<vmem>>, %arg12: memref<40xi32, #tpu.memory_space<vmem>>, %arg13: memref<40xi32, #tpu.memory_space<vmem>>, %arg14: memref<40xi32, #tpu.memory_space<vmem>>, %arg15: memref<40xi32, #tpu.memory_space<vmem>>, %arg16: memref<40xi32, #tpu.memory_space<vmem>>, %arg17: memref<40xi32, #tpu.memory_space<vmem>>, %arg18: memref<40x128xf32, #tpu.memory_space<vmem>>, %arg19: memref<40x128xf32, #tpu.memory_space<vmem>>, %arg20: memref<40x128xf32, #tpu.memory_space<vmem>>, %arg21: memref<40x128xf32, #tpu.memory_space<vmem>>, %arg22: memref<40x128xf32, #tpu.memory_space<vmem>>, %arg23: memref<40x128xf32, #tpu.memory_space<vmem>>, %arg24: memref<40x128xf32, #tpu.memory_space<vmem>>, %arg25: memref<40x128xf32, #tpu.memory_space<vmem>>, %arg26: memref<40x128xf32, #tpu.memory_space<vmem>>, %arg27: memref<40x128xf32, #tpu.memory_space<vmem>>, %arg28: memref<!tpu.dma_semaphore, #tpu.memory_space<semaphore_mem>>, %arg29: memref<!tpu.dma_semaphore, #tpu.memory_space<semaphore_mem>>, %arg30: memref<!tpu.dma_semaphore, #tpu.memory_space<semaphore_mem>>, %arg31: memref<!tpu.dma_semaphore, #tpu.memory_space<semaphore_mem>>, %arg32: memref<!tpu.dma_semaphore, #tpu.memory_space<semaphore_mem>>, %arg33: memref<!tpu.dma_semaphore, #tpu.memory_space<semaphore_mem>>, %arg34: memref<!tpu.dma_semaphore, #tpu.memory_space<semaphore_mem>>, %arg35: memref<!tpu.dma_semaphore, #tpu.memory_space<semaphore_mem>>, %arg36: memref<!tpu.dma_semaphore, #tpu.memory_space<semaphore_mem>>, %arg37: memref<!tpu.dma_semaphore, #tpu.memory_space<semaphore_mem>>, %arg38: memref<!tpu.dma_semaphore, #tpu.memory_space<semaphore_mem>>, %arg39: memref<!tpu.dma_semaphore, #tpu.memory_space<semaphore_mem>>, %arg40: memref<!tpu.dma_semaphore, #tpu.memory_space<semaphore_mem>>, %arg41: memref<!tpu.dma_semaphore, #tpu.memory_space<semaphore_mem>>, %arg42: memref<!tpu.dma_semaphore, #tpu.memory_space<semaphore_mem>>) attributes {dimension_semantics = [#tpu.dimension_semantics<core_parallel>, #tpu.dimension_semantics<subcore_parallel>], iteration_bounds = array<i64: 2, 16>, scalar_prefetch = 0 : i64, scratch_operands = 35 : i64, tpu.core_type = #tpu.core_type<sc_vector_subcore>, window_params = [{transform_indices = #map}, {transform_indices = #map}, {transform_indices = #map1}, {transform_indices = #map1}, {transform_indices = #map}, {transform_indices = #map}]} {
    %mul3A = arith.constant 16 : i32
    %mul3A_0 = arith.muli %arg0, %mul3A : i32
    %add3A = arith.addi %mul3A_0, %arg1 : i32
    %mul3A_1 = arith.constant 5000 : i32
    %mul3A_2 = arith.muli %add3A, %mul3A_1 : i32
    %add3A_3 = arith.constant 0 : i32
    %add3A_4 = arith.addi %mul3A_2, %add3A_3 : i32
    %dma_start3A = tpu.memref_slice %arg4[%add3A_4] : memref<160000xi32, #tpu.memory_space<hbm>> -> memref<40xi32, #tpu.memory_space<hbm>>
    %dma_start3A_5 = tpu.memref_slice %arg4[%add3A_4] : memref<160000xi32, #tpu.memory_space<hbm>> -> memref<40xi32, #tpu.memory_space<hbm>>
    tpu.enqueue_dma source(%dma_start3A_5 : memref<40xi32, #tpu.memory_space<hbm>>) target(%arg8 : memref<40xi32, #tpu.memory_space<vmem>>) target_semaphore(%arg28 : memref<!tpu.dma_semaphore, #tpu.memory_space<semaphore_mem>>)
    %dma_start3A_6 = tpu.memref_slice %arg5[%add3A_4] : memref<160000xi32, #tpu.memory_space<hbm>> -> memref<40xi32, #tpu.memory_space<hbm>>
    %dma_start3A_7 = tpu.memref_slice %arg5[%add3A_4] : memref<160000xi32, #tpu.memory_space<hbm>> -> memref<40xi32, #tpu.memory_space<hbm>>
    tpu.enqueue_dma source(%dma_start3A_7 : memref<40xi32, #tpu.memory_space<hbm>>) target(%arg13 : memref<40xi32, #tpu.memory_space<vmem>>) target_semaphore(%arg28 : memref<!tpu.dma_semaphore, #tpu.memory_space<semaphore_mem>>)
    %add3A_8 = arith.constant 40 : i32
    %add3A_9 = arith.addi %mul3A_2, %add3A_8 : i32
    %dma_start3A_10 = tpu.memref_slice %arg4[%add3A_9] : memref<160000xi32, #tpu.memory_space<hbm>> -> memref<40xi32, #tpu.memory_space<hbm>>
    %dma_start3A_11 = tpu.memref_slice %arg4[%add3A_9] : memref<160000xi32, #tpu.memory_space<hbm>> -> memref<40xi32, #tpu.memory_space<hbm>>
    tpu.enqueue_dma source(%dma_start3A_11 : memref<40xi32, #tpu.memory_space<hbm>>) target(%arg9 : memref<40xi32, #tpu.memory_space<vmem>>) target_semaphore(%arg29 : memref<!tpu.dma_semaphore, #tpu.memory_space<semaphore_mem>>)
    %dma_start3A_12 = tpu.memref_slice %arg5[%add3A_9] : memref<160000xi32, #tpu.memory_space<hbm>> -> memref<40xi32, #tpu.memory_space<hbm>>
    %dma_start3A_13 = tpu.memref_slice %arg5[%add3A_9] : memref<160000xi32, #tpu.memory_space<hbm>> -> memref<40xi32, #tpu.memory_space<hbm>>
    tpu.enqueue_dma source(%dma_start3A_13 : memref<40xi32, #tpu.memory_space<hbm>>) target(%arg14 : memref<40xi32, #tpu.memory_space<vmem>>) target_semaphore(%arg29 : memref<!tpu.dma_semaphore, #tpu.memory_space<semaphore_mem>>)
    %add3A_14 = arith.constant 80 : i32
    %add3A_15 = arith.addi %mul3A_2, %add3A_14 : i32
    %dma_start3A_16 = tpu.memref_slice %arg4[%add3A_15] : memref<160000xi32, #tpu.memory_space<hbm>> -> memref<40xi32, #tpu.memory_space<hbm>>
    %dma_start3A_17 = tpu.memref_slice %arg4[%add3A_15] : memref<160000xi32, #tpu.memory_space<hbm>> -> memref<40xi32, #tpu.memory_space<hbm>>
    tpu.enqueue_dma source(%dma_start3A_17 : memref<40xi32, #tpu.memory_space<hbm>>) target(%arg10 : memref<40xi32, #tpu.memory_space<vmem>>) target_semaphore(%arg30 : memref<!tpu.dma_semaphore, #tpu.memory_space<semaphore_mem>>)
    %dma_start3A_18 = tpu.memref_slice %arg5[%add3A_15] : memref<160000xi32, #tpu.memory_space<hbm>> -> memref<40xi32, #tpu.memory_space<hbm>>
    %dma_start3A_19 = tpu.memref_slice %arg5[%add3A_15] : memref<160000xi32, #tpu.memory_space<hbm>> -> memref<40xi32, #tpu.memory_space<hbm>>
    tpu.enqueue_dma source(%dma_start3A_19 : memref<40xi32, #tpu.memory_space<hbm>>) target(%arg15 : memref<40xi32, #tpu.memory_space<vmem>>) target_semaphore(%arg30 : memref<!tpu.dma_semaphore, #tpu.memory_space<semaphore_mem>>)
    %add3A_20 = arith.constant 120 : i32
    %add3A_21 = arith.addi %mul3A_2, %add3A_20 : i32
    %dma_start3A_22 = tpu.memref_slice %arg4[%add3A_21] : memref<160000xi32, #tpu.memory_space<hbm>> -> memref<40xi32, #tpu.memory_space<hbm>>
    %dma_start3A_23 = tpu.memref_slice %arg4[%add3A_21] : memref<160000xi32, #tpu.memory_space<hbm>> -> memref<40xi32, #tpu.memory_space<hbm>>
    tpu.enqueue_dma source(%dma_start3A_23 : memref<40xi32, #tpu.memory_space<hbm>>) target(%arg11 : memref<40xi32, #tpu.memory_space<vmem>>) target_semaphore(%arg31 : memref<!tpu.dma_semaphore, #tpu.memory_space<semaphore_mem>>)
    %dma_start3A_24 = tpu.memref_slice %arg5[%add3A_21] : memref<160000xi32, #tpu.memory_space<hbm>> -> memref<40xi32, #tpu.memory_space<hbm>>
    %dma_start3A_25 = tpu.memref_slice %arg5[%add3A_21] : memref<160000xi32, #tpu.memory_space<hbm>> -> memref<40xi32, #tpu.memory_space<hbm>>
    tpu.enqueue_dma source(%dma_start3A_25 : memref<40xi32, #tpu.memory_space<hbm>>) target(%arg16 : memref<40xi32, #tpu.memory_space<vmem>>) target_semaphore(%arg31 : memref<!tpu.dma_semaphore, #tpu.memory_space<semaphore_mem>>)
    %add3A_26 = arith.constant 160 : i32
    %add3A_27 = arith.addi %mul3A_2, %add3A_26 : i32
    %dma_start3A_28 = tpu.memref_slice %arg4[%add3A_27] : memref<160000xi32, #tpu.memory_space<hbm>> -> memref<40xi32, #tpu.memory_space<hbm>>
    %dma_start3A_29 = tpu.memref_slice %arg4[%add3A_27] : memref<160000xi32, #tpu.memory_space<hbm>> -> memref<40xi32, #tpu.memory_space<hbm>>
    tpu.enqueue_dma source(%dma_start3A_29 : memref<40xi32, #tpu.memory_space<hbm>>) target(%arg12 : memref<40xi32, #tpu.memory_space<vmem>>) target_semaphore(%arg32 : memref<!tpu.dma_semaphore, #tpu.memory_space<semaphore_mem>>)
    %dma_start3A_30 = tpu.memref_slice %arg5[%add3A_27] : memref<160000xi32, #tpu.memory_space<hbm>> -> memref<40xi32, #tpu.memory_space<hbm>>
    %dma_start3A_31 = tpu.memref_slice %arg5[%add3A_27] : memref<160000xi32, #tpu.memory_space<hbm>> -> memref<40xi32, #tpu.memory_space<hbm>>
    tpu.enqueue_dma source(%dma_start3A_31 : memref<40xi32, #tpu.memory_space<hbm>>) target(%arg17 : memref<40xi32, #tpu.memory_space<vmem>>) target_semaphore(%arg32 : memref<!tpu.dma_semaphore, #tpu.memory_space<semaphore_mem>>)
    %scan3A = arith.constant 0 : i32
    %scan3A_32 = arith.constant 0 : i32
    %scan3A_33 = arith.constant 25 : i32
    %scan3A_34 = arith.addi %scan3A_32, %scan3A_33 : i32
    %scan3A_35 = arith.constant 1 : i32
    scf.for %scan3A_162 = %scan3A_32 to %scan3A_34 step %scan3A_35  : i32 {
      %mul3A_163 = arith.constant 5 : i32
      %mul3A_164 = arith.muli %scan3A_162, %mul3A_163 : i32
      %add3A_165 = arith.constant 0 : i32
      %add3A_166 = arith.addi %mul3A_164, %add3A_165 : i32
      %gt3A = arith.constant 0 : i32
      %gt3A_167 = arith.cmpi sgt, %scan3A_162, %gt3A : i32
      %convert_element_type3A = arith.extui %gt3A_167 : i1 to i32
      %cond3A = arith.constant 0 : i32
      %cond3A_168 = arith.cmpi ne, %convert_element_type3A, %cond3A : i32
      scf.if %cond3A_168 {
        %dma_wait3A_308 = arith.constant 0 : i32
        %dma_wait3A_309 = arith.constant 0 : i32
        %dma_wait3A_310 = tpu.memref_slice %arg6[%dma_wait3A_308, %dma_wait3A_309] : memref<160000x128xf32, #tpu.memory_space<hbm>> -> memref<40x128xf32, #tpu.memory_space<hbm>>
        %dma_wait3A_311 = arith.constant 0 : i32
        %dma_wait3A_312 = arith.constant 0 : i32
        %dma_wait3A_313 = tpu.memref_slice %arg6[%dma_wait3A_311, %dma_wait3A_312] : memref<160000x128xf32, #tpu.memory_space<hbm>> -> memref<40x128xf32, #tpu.memory_space<hbm>>
        tpu.wait_dma2 semaphore(%arg38 : memref<!tpu.dma_semaphore, #tpu.memory_space<semaphore_mem>>) src(%arg18 : memref<40x128xf32, #tpu.memory_space<vmem>>) dst(%dma_wait3A_313 : memref<40x128xf32, #tpu.memory_space<hbm>>)
        %dma_wait3A_314 = arith.constant 0 : i32
        %dma_wait3A_315 = arith.constant 0 : i32
        %dma_wait3A_316 = tpu.memref_slice %arg7[%dma_wait3A_314, %dma_wait3A_315] : memref<160000x128xf32, #tpu.memory_space<hbm>> -> memref<40x128xf32, #tpu.memory_space<hbm>>
        %dma_wait3A_317 = arith.constant 0 : i32
        %dma_wait3A_318 = arith.constant 0 : i32
        %dma_wait3A_319 = tpu.memref_slice %arg7[%dma_wait3A_317, %dma_wait3A_318] : memref<160000x128xf32, #tpu.memory_space<hbm>> -> memref<40x128xf32, #tpu.memory_space<hbm>>
        tpu.wait_dma2 semaphore(%arg38 : memref<!tpu.dma_semaphore, #tpu.memory_space<semaphore_mem>>) src(%arg23 : memref<40x128xf32, #tpu.memory_space<vmem>>) dst(%dma_wait3A_319 : memref<40x128xf32, #tpu.memory_space<hbm>>)
      } else {
      }
      %dma_wait3A_169 = arith.constant 0 : i32
      %dma_wait3A_170 = tpu.memref_slice %arg4[%dma_wait3A_169] : memref<160000xi32, #tpu.memory_space<hbm>> -> memref<40xi32, #tpu.memory_space<hbm>>
      %dma_wait3A_171 = arith.constant 0 : i32
      %dma_wait3A_172 = tpu.memref_slice %arg4[%dma_wait3A_171] : memref<160000xi32, #tpu.memory_space<hbm>> -> memref<40xi32, #tpu.memory_space<hbm>>
      tpu.wait_dma2 semaphore(%arg28 : memref<!tpu.dma_semaphore, #tpu.memory_space<semaphore_mem>>) src(%dma_wait3A_172 : memref<40xi32, #tpu.memory_space<hbm>>) dst(%arg8 : memref<40xi32, #tpu.memory_space<vmem>>)
      %dma_wait3A_173 = arith.constant 0 : i32
      %dma_wait3A_174 = tpu.memref_slice %arg5[%dma_wait3A_173] : memref<160000xi32, #tpu.memory_space<hbm>> -> memref<40xi32, #tpu.memory_space<hbm>>
      %dma_wait3A_175 = arith.constant 0 : i32
      %dma_wait3A_176 = tpu.memref_slice %arg5[%dma_wait3A_175] : memref<160000xi32, #tpu.memory_space<hbm>> -> memref<40xi32, #tpu.memory_space<hbm>>
      tpu.wait_dma2 semaphore(%arg28 : memref<!tpu.dma_semaphore, #tpu.memory_space<semaphore_mem>>) src(%dma_wait3A_176 : memref<40xi32, #tpu.memory_space<hbm>>) dst(%arg13 : memref<40xi32, #tpu.memory_space<vmem>>)
      %dma_start3A_177 = arith.constant 0 : i32
      %dma_start3A_178 = arith.constant 0 : i32
      %dma_start3A_179 = tpu.memref_slice %arg2[%dma_start3A_177, %dma_start3A_178] : memref<10000x128xf32, #tpu.memory_space<hbm>> -> memref<10000x128xf32, #tpu.memory_space<hbm>>
      tpu.enqueue_indirect_dma source(%dma_start3A_179 : memref<10000x128xf32, #tpu.memory_space<hbm>>) target(%arg18 : memref<40x128xf32, #tpu.memory_space<vmem>>) offsets(%arg8 : memref<40xi32, #tpu.memory_space<vmem>>) semaphore(%arg33 : memref<!tpu.dma_semaphore, #tpu.memory_space<semaphore_mem>>)
      %dma_start3A_180 = arith.constant 0 : i32
      %dma_start3A_181 = arith.constant 0 : i32
      %dma_start3A_182 = tpu.memref_slice %arg3[%dma_start3A_180, %dma_start3A_181] : memref<10000x128xf32, #tpu.memory_space<hbm>> -> memref<10000x128xf32, #tpu.memory_space<hbm>>
      tpu.enqueue_indirect_dma source(%dma_start3A_182 : memref<10000x128xf32, #tpu.memory_space<hbm>>) target(%arg23 : memref<40x128xf32, #tpu.memory_space<vmem>>) offsets(%arg13 : memref<40xi32, #tpu.memory_space<vmem>>) semaphore(%arg33 : memref<!tpu.dma_semaphore, #tpu.memory_space<semaphore_mem>>)
      %sub3A = arith.constant 3 : i32
      %sub3A_183 = arith.subi %add3A_166, %sub3A : i32
      %ge3A = arith.constant 0 : i32
      %ge3A_184 = arith.cmpi sge, %sub3A_183, %ge3A : i32
      %convert_element_type3A_185 = arith.extui %ge3A_184 : i1 to i32
      %cond3A_186 = arith.constant 0 : i32
      %cond3A_187 = arith.cmpi ne, %convert_element_type3A_185, %cond3A_186 : i32
      scf.if %cond3A_187 {
        %dma_wait3A_308 = arith.constant 0 : i32
        %dma_wait3A_309 = arith.constant 0 : i32
        %dma_wait3A_310 = tpu.memref_slice %arg2[%dma_wait3A_308, %dma_wait3A_309] : memref<10000x128xf32, #tpu.memory_space<hbm>> -> memref<40x128xf32, #tpu.memory_space<hbm>>
        %dma_wait3A_311 = arith.constant 0 : i32
        %dma_wait3A_312 = arith.constant 0 : i32
        %dma_wait3A_313 = tpu.memref_slice %arg2[%dma_wait3A_311, %dma_wait3A_312] : memref<10000x128xf32, #tpu.memory_space<hbm>> -> memref<40x128xf32, #tpu.memory_space<hbm>>
        tpu.wait_dma2 semaphore(%arg35 : memref<!tpu.dma_semaphore, #tpu.memory_space<semaphore_mem>>) src(%dma_wait3A_313 : memref<40x128xf32, #tpu.memory_space<hbm>>) dst(%arg20 : memref<40x128xf32, #tpu.memory_space<vmem>>)
        %dma_wait3A_314 = arith.constant 0 : i32
        %dma_wait3A_315 = arith.constant 0 : i32
        %dma_wait3A_316 = tpu.memref_slice %arg3[%dma_wait3A_314, %dma_wait3A_315] : memref<10000x128xf32, #tpu.memory_space<hbm>> -> memref<40x128xf32, #tpu.memory_space<hbm>>
        %dma_wait3A_317 = arith.constant 0 : i32
        %dma_wait3A_318 = arith.constant 0 : i32
        %dma_wait3A_319 = tpu.memref_slice %arg3[%dma_wait3A_317, %dma_wait3A_318] : memref<10000x128xf32, #tpu.memory_space<hbm>> -> memref<40x128xf32, #tpu.memory_space<hbm>>
        tpu.wait_dma2 semaphore(%arg35 : memref<!tpu.dma_semaphore, #tpu.memory_space<semaphore_mem>>) src(%dma_wait3A_319 : memref<40x128xf32, #tpu.memory_space<hbm>>) dst(%arg25 : memref<40x128xf32, #tpu.memory_space<vmem>>)
        %mul3A_320 = arith.constant 40 : i32
        %mul3A_321 = arith.muli %sub3A_183, %mul3A_320 : i32
        %add3A_322 = arith.addi %mul3A_2, %mul3A_321 : i32
        %dma_start3A_323 = arith.constant 0 : i32
        %dma_start3A_324 = tpu.memref_slice %arg6[%add3A_322, %dma_start3A_323] : memref<160000x128xf32, #tpu.memory_space<hbm>> -> memref<40x128xf32, #tpu.memory_space<hbm>>
        %dma_start3A_325 = arith.constant 0 : i32
        %dma_start3A_326 = tpu.memref_slice %arg6[%add3A_322, %dma_start3A_325] : memref<160000x128xf32, #tpu.memory_space<hbm>> -> memref<40x128xf32, #tpu.memory_space<hbm>>
        tpu.enqueue_dma source(%arg20 : memref<40x128xf32, #tpu.memory_space<vmem>>) target(%dma_start3A_326 : memref<40x128xf32, #tpu.memory_space<hbm>>) target_semaphore(%arg40 : memref<!tpu.dma_semaphore, #tpu.memory_space<semaphore_mem>>)
        %dma_start3A_327 = arith.constant 0 : i32
        %dma_start3A_328 = tpu.memref_slice %arg7[%add3A_322, %dma_start3A_327] : memref<160000x128xf32, #tpu.memory_space<hbm>> -> memref<40x128xf32, #tpu.memory_space<hbm>>
        %dma_start3A_329 = arith.constant 0 : i32
        %dma_start3A_330 = tpu.memref_slice %arg7[%add3A_322, %dma_start3A_329] : memref<160000x128xf32, #tpu.memory_space<hbm>> -> memref<40x128xf32, #tpu.memory_space<hbm>>
        tpu.enqueue_dma source(%arg25 : memref<40x128xf32, #tpu.memory_space<vmem>>) target(%dma_start3A_330 : memref<40x128xf32, #tpu.memory_space<hbm>>) target_semaphore(%arg40 : memref<!tpu.dma_semaphore, #tpu.memory_space<semaphore_mem>>)
        %add3A_331 = arith.constant 5 : i32
        %add3A_332 = arith.addi %sub3A_183, %add3A_331 : i32
        %lt3A = arith.constant 125 : i32
        %lt3A_333 = arith.cmpi slt, %add3A_332, %lt3A : i32
        %convert_element_type3A_334 = arith.extui %lt3A_333 : i1 to i32
        %cond3A_335 = arith.constant 0 : i32
        %cond3A_336 = arith.cmpi ne, %convert_element_type3A_334, %cond3A_335 : i32
        scf.if %cond3A_336 {
          %add3A_337 = arith.constant 5 : i32
          %add3A_338 = arith.addi %sub3A_183, %add3A_337 : i32
          %mul3A_339 = arith.constant 40 : i32
          %mul3A_340 = arith.muli %add3A_338, %mul3A_339 : i32
          %add3A_341 = arith.addi %mul3A_2, %mul3A_340 : i32
          %dma_start3A_342 = tpu.memref_slice %arg4[%add3A_341] : memref<160000xi32, #tpu.memory_space<hbm>> -> memref<40xi32, #tpu.memory_space<hbm>>
          %dma_start3A_343 = tpu.memref_slice %arg4[%add3A_341] : memref<160000xi32, #tpu.memory_space<hbm>> -> memref<40xi32, #tpu.memory_space<hbm>>
          tpu.enqueue_dma source(%dma_start3A_343 : memref<40xi32, #tpu.memory_space<hbm>>) target(%arg10 : memref<40xi32, #tpu.memory_space<vmem>>) target_semaphore(%arg30 : memref<!tpu.dma_semaphore, #tpu.memory_space<semaphore_mem>>)
          %dma_start3A_344 = tpu.memref_slice %arg5[%add3A_341] : memref<160000xi32, #tpu.memory_space<hbm>> -> memref<40xi32, #tpu.memory_space<hbm>>
          %dma_start3A_345 = tpu.memref_slice %arg5[%add3A_341] : memref<160000xi32, #tpu.memory_space<hbm>> -> memref<40xi32, #tpu.memory_space<hbm>>
          tpu.enqueue_dma source(%dma_start3A_345 : memref<40xi32, #tpu.memory_space<hbm>>) target(%arg15 : memref<40xi32, #tpu.memory_space<vmem>>) target_semaphore(%arg30 : memref<!tpu.dma_semaphore, #tpu.memory_space<semaphore_mem>>)
        } else {
        }
      } else {
      }
      %mul3A_188 = arith.constant 5 : i32
      %mul3A_189 = arith.muli %scan3A_162, %mul3A_188 : i32
      %add3A_190 = arith.constant 1 : i32
      %add3A_191 = arith.addi %mul3A_189, %add3A_190 : i32
      %gt3A_192 = arith.constant 0 : i32
      %gt3A_193 = arith.cmpi sgt, %scan3A_162, %gt3A_192 : i32
      %convert_element_type3A_194 = arith.extui %gt3A_193 : i1 to i32
      %cond3A_195 = arith.constant 0 : i32
      %cond3A_196 = arith.cmpi ne, %convert_element_type3A_194, %cond3A_195 : i32
      scf.if %cond3A_196 {
        %dma_wait3A_308 = arith.constant 0 : i32
        %dma_wait3A_309 = arith.constant 0 : i32
        %dma_wait3A_310 = tpu.memref_slice %arg6[%dma_wait3A_308, %dma_wait3A_309] : memref<160000x128xf32, #tpu.memory_space<hbm>> -> memref<40x128xf32, #tpu.memory_space<hbm>>
        %dma_wait3A_311 = arith.constant 0 : i32
        %dma_wait3A_312 = arith.constant 0 : i32
        %dma_wait3A_313 = tpu.memref_slice %arg6[%dma_wait3A_311, %dma_wait3A_312] : memref<160000x128xf32, #tpu.memory_space<hbm>> -> memref<40x128xf32, #tpu.memory_space<hbm>>
        tpu.wait_dma2 semaphore(%arg39 : memref<!tpu.dma_semaphore, #tpu.memory_space<semaphore_mem>>) src(%arg19 : memref<40x128xf32, #tpu.memory_space<vmem>>) dst(%dma_wait3A_313 : memref<40x128xf32, #tpu.memory_space<hbm>>)
        %dma_wait3A_314 = arith.constant 0 : i32
        %dma_wait3A_315 = arith.constant 0 : i32
        %dma_wait3A_316 = tpu.memref_slice %arg7[%dma_wait3A_314, %dma_wait3A_315] : memref<160000x128xf32, #tpu.memory_space<hbm>> -> memref<40x128xf32, #tpu.memory_space<hbm>>
        %dma_wait3A_317 = arith.constant 0 : i32
        %dma_wait3A_318 = arith.constant 0 : i32
        %dma_wait3A_319 = tpu.memref_slice %arg7[%dma_wait3A_317, %dma_wait3A_318] : memref<160000x128xf32, #tpu.memory_space<hbm>> -> memref<40x128xf32, #tpu.memory_space<hbm>>
        tpu.wait_dma2 semaphore(%arg39 : memref<!tpu.dma_semaphore, #tpu.memory_space<semaphore_mem>>) src(%arg24 : memref<40x128xf32, #tpu.memory_space<vmem>>) dst(%dma_wait3A_319 : memref<40x128xf32, #tpu.memory_space<hbm>>)
      } else {
      }
      %dma_wait3A_197 = arith.constant 0 : i32
      %dma_wait3A_198 = tpu.memref_slice %arg4[%dma_wait3A_197] : memref<160000xi32, #tpu.memory_space<hbm>> -> memref<40xi32, #tpu.memory_space<hbm>>
      %dma_wait3A_199 = arith.constant 0 : i32
      %dma_wait3A_200 = tpu.memref_slice %arg4[%dma_wait3A_199] : memref<160000xi32, #tpu.memory_space<hbm>> -> memref<40xi32, #tpu.memory_space<hbm>>
      tpu.wait_dma2 semaphore(%arg29 : memref<!tpu.dma_semaphore, #tpu.memory_space<semaphore_mem>>) src(%dma_wait3A_200 : memref<40xi32, #tpu.memory_space<hbm>>) dst(%arg9 : memref<40xi32, #tpu.memory_space<vmem>>)
      %dma_wait3A_201 = arith.constant 0 : i32
      %dma_wait3A_202 = tpu.memref_slice %arg5[%dma_wait3A_201] : memref<160000xi32, #tpu.memory_space<hbm>> -> memref<40xi32, #tpu.memory_space<hbm>>
      %dma_wait3A_203 = arith.constant 0 : i32
      %dma_wait3A_204 = tpu.memref_slice %arg5[%dma_wait3A_203] : memref<160000xi32, #tpu.memory_space<hbm>> -> memref<40xi32, #tpu.memory_space<hbm>>
      tpu.wait_dma2 semaphore(%arg29 : memref<!tpu.dma_semaphore, #tpu.memory_space<semaphore_mem>>) src(%dma_wait3A_204 : memref<40xi32, #tpu.memory_space<hbm>>) dst(%arg14 : memref<40xi32, #tpu.memory_space<vmem>>)
      %dma_start3A_205 = arith.constant 0 : i32
      %dma_start3A_206 = arith.constant 0 : i32
      %dma_start3A_207 = tpu.memref_slice %arg2[%dma_start3A_205, %dma_start3A_206] : memref<10000x128xf32, #tpu.memory_space<hbm>> -> memref<10000x128xf32, #tpu.memory_space<hbm>>
      tpu.enqueue_indirect_dma source(%dma_start3A_207 : memref<10000x128xf32, #tpu.memory_space<hbm>>) target(%arg19 : memref<40x128xf32, #tpu.memory_space<vmem>>) offsets(%arg9 : memref<40xi32, #tpu.memory_space<vmem>>) semaphore(%arg34 : memref<!tpu.dma_semaphore, #tpu.memory_space<semaphore_mem>>)
      %dma_start3A_208 = arith.constant 0 : i32
      %dma_start3A_209 = arith.constant 0 : i32
      %dma_start3A_210 = tpu.memref_slice %arg3[%dma_start3A_208, %dma_start3A_209] : memref<10000x128xf32, #tpu.memory_space<hbm>> -> memref<10000x128xf32, #tpu.memory_space<hbm>>
      tpu.enqueue_indirect_dma source(%dma_start3A_210 : memref<10000x128xf32, #tpu.memory_space<hbm>>) target(%arg24 : memref<40x128xf32, #tpu.memory_space<vmem>>) offsets(%arg14 : memref<40xi32, #tpu.memory_space<vmem>>) semaphore(%arg34 : memref<!tpu.dma_semaphore, #tpu.memory_space<semaphore_mem>>)
      %sub3A_211 = arith.constant 3 : i32
      %sub3A_212 = arith.subi %add3A_191, %sub3A_211 : i32
      %ge3A_213 = arith.constant 0 : i32
      %ge3A_214 = arith.cmpi sge, %sub3A_212, %ge3A_213 : i32
      %convert_element_type3A_215 = arith.extui %ge3A_214 : i1 to i32
      %cond3A_216 = arith.constant 0 : i32
      %cond3A_217 = arith.cmpi ne, %convert_element_type3A_215, %cond3A_216 : i32
      scf.if %cond3A_217 {
        %dma_wait3A_308 = arith.constant 0 : i32
        %dma_wait3A_309 = arith.constant 0 : i32
        %dma_wait3A_310 = tpu.memref_slice %arg2[%dma_wait3A_308, %dma_wait3A_309] : memref<10000x128xf32, #tpu.memory_space<hbm>> -> memref<40x128xf32, #tpu.memory_space<hbm>>
        %dma_wait3A_311 = arith.constant 0 : i32
        %dma_wait3A_312 = arith.constant 0 : i32
        %dma_wait3A_313 = tpu.memref_slice %arg2[%dma_wait3A_311, %dma_wait3A_312] : memref<10000x128xf32, #tpu.memory_space<hbm>> -> memref<40x128xf32, #tpu.memory_space<hbm>>
        tpu.wait_dma2 semaphore(%arg36 : memref<!tpu.dma_semaphore, #tpu.memory_space<semaphore_mem>>) src(%dma_wait3A_313 : memref<40x128xf32, #tpu.memory_space<hbm>>) dst(%arg21 : memref<40x128xf32, #tpu.memory_space<vmem>>)
        %dma_wait3A_314 = arith.constant 0 : i32
        %dma_wait3A_315 = arith.constant 0 : i32
        %dma_wait3A_316 = tpu.memref_slice %arg3[%dma_wait3A_314, %dma_wait3A_315] : memref<10000x128xf32, #tpu.memory_space<hbm>> -> memref<40x128xf32, #tpu.memory_space<hbm>>
        %dma_wait3A_317 = arith.constant 0 : i32
        %dma_wait3A_318 = arith.constant 0 : i32
        %dma_wait3A_319 = tpu.memref_slice %arg3[%dma_wait3A_317, %dma_wait3A_318] : memref<10000x128xf32, #tpu.memory_space<hbm>> -> memref<40x128xf32, #tpu.memory_space<hbm>>
        tpu.wait_dma2 semaphore(%arg36 : memref<!tpu.dma_semaphore, #tpu.memory_space<semaphore_mem>>) src(%dma_wait3A_319 : memref<40x128xf32, #tpu.memory_space<hbm>>) dst(%arg26 : memref<40x128xf32, #tpu.memory_space<vmem>>)
        %mul3A_320 = arith.constant 40 : i32
        %mul3A_321 = arith.muli %sub3A_212, %mul3A_320 : i32
        %add3A_322 = arith.addi %mul3A_2, %mul3A_321 : i32
        %dma_start3A_323 = arith.constant 0 : i32
        %dma_start3A_324 = tpu.memref_slice %arg6[%add3A_322, %dma_start3A_323] : memref<160000x128xf32, #tpu.memory_space<hbm>> -> memref<40x128xf32, #tpu.memory_space<hbm>>
        %dma_start3A_325 = arith.constant 0 : i32
        %dma_start3A_326 = tpu.memref_slice %arg6[%add3A_322, %dma_start3A_325] : memref<160000x128xf32, #tpu.memory_space<hbm>> -> memref<40x128xf32, #tpu.memory_space<hbm>>
        tpu.enqueue_dma source(%arg21 : memref<40x128xf32, #tpu.memory_space<vmem>>) target(%dma_start3A_326 : memref<40x128xf32, #tpu.memory_space<hbm>>) target_semaphore(%arg41 : memref<!tpu.dma_semaphore, #tpu.memory_space<semaphore_mem>>)
        %dma_start3A_327 = arith.constant 0 : i32
        %dma_start3A_328 = tpu.memref_slice %arg7[%add3A_322, %dma_start3A_327] : memref<160000x128xf32, #tpu.memory_space<hbm>> -> memref<40x128xf32, #tpu.memory_space<hbm>>
        %dma_start3A_329 = arith.constant 0 : i32
        %dma_start3A_330 = tpu.memref_slice %arg7[%add3A_322, %dma_start3A_329] : memref<160000x128xf32, #tpu.memory_space<hbm>> -> memref<40x128xf32, #tpu.memory_space<hbm>>
        tpu.enqueue_dma source(%arg26 : memref<40x128xf32, #tpu.memory_space<vmem>>) target(%dma_start3A_330 : memref<40x128xf32, #tpu.memory_space<hbm>>) target_semaphore(%arg41 : memref<!tpu.dma_semaphore, #tpu.memory_space<semaphore_mem>>)
        %add3A_331 = arith.constant 5 : i32
        %add3A_332 = arith.addi %sub3A_212, %add3A_331 : i32
        %lt3A = arith.constant 125 : i32
        %lt3A_333 = arith.cmpi slt, %add3A_332, %lt3A : i32
        %convert_element_type3A_334 = arith.extui %lt3A_333 : i1 to i32
        %cond3A_335 = arith.constant 0 : i32
        %cond3A_336 = arith.cmpi ne, %convert_element_type3A_334, %cond3A_335 : i32
        scf.if %cond3A_336 {
          %add3A_337 = arith.constant 5 : i32
          %add3A_338 = arith.addi %sub3A_212, %add3A_337 : i32
          %mul3A_339 = arith.constant 40 : i32
          %mul3A_340 = arith.muli %add3A_338, %mul3A_339 : i32
          %add3A_341 = arith.addi %mul3A_2, %mul3A_340 : i32
          %dma_start3A_342 = tpu.memref_slice %arg4[%add3A_341] : memref<160000xi32, #tpu.memory_space<hbm>> -> memref<40xi32, #tpu.memory_space<hbm>>
          %dma_start3A_343 = tpu.memref_slice %arg4[%add3A_341] : memref<160000xi32, #tpu.memory_space<hbm>> -> memref<40xi32, #tpu.memory_space<hbm>>
          tpu.enqueue_dma source(%dma_start3A_343 : memref<40xi32, #tpu.memory_space<hbm>>) target(%arg11 : memref<40xi32, #tpu.memory_space<vmem>>) target_semaphore(%arg31 : memref<!tpu.dma_semaphore, #tpu.memory_space<semaphore_mem>>)
          %dma_start3A_344 = tpu.memref_slice %arg5[%add3A_341] : memref<160000xi32, #tpu.memory_space<hbm>> -> memref<40xi32, #tpu.memory_space<hbm>>
          %dma_start3A_345 = tpu.memref_slice %arg5[%add3A_341] : memref<160000xi32, #tpu.memory_space<hbm>> -> memref<40xi32, #tpu.memory_space<hbm>>
          tpu.enqueue_dma source(%dma_start3A_345 : memref<40xi32, #tpu.memory_space<hbm>>) target(%arg16 : memref<40xi32, #tpu.memory_space<vmem>>) target_semaphore(%arg31 : memref<!tpu.dma_semaphore, #tpu.memory_space<semaphore_mem>>)
        } else {
        }
      } else {
      }
      %mul3A_218 = arith.constant 5 : i32
      %mul3A_219 = arith.muli %scan3A_162, %mul3A_218 : i32
      %add3A_220 = arith.constant 2 : i32
      %add3A_221 = arith.addi %mul3A_219, %add3A_220 : i32
      %gt3A_222 = arith.constant 0 : i32
      %gt3A_223 = arith.cmpi sgt, %scan3A_162, %gt3A_222 : i32
      %convert_element_type3A_224 = arith.extui %gt3A_223 : i1 to i32
      %cond3A_225 = arith.constant 0 : i32
      %cond3A_226 = arith.cmpi ne, %convert_element_type3A_224, %cond3A_225 : i32
      scf.if %cond3A_226 {
        %dma_wait3A_308 = arith.constant 0 : i32
        %dma_wait3A_309 = arith.constant 0 : i32
        %dma_wait3A_310 = tpu.memref_slice %arg6[%dma_wait3A_308, %dma_wait3A_309] : memref<160000x128xf32, #tpu.memory_space<hbm>> -> memref<40x128xf32, #tpu.memory_space<hbm>>
        %dma_wait3A_311 = arith.constant 0 : i32
        %dma_wait3A_312 = arith.constant 0 : i32
        %dma_wait3A_313 = tpu.memref_slice %arg6[%dma_wait3A_311, %dma_wait3A_312] : memref<160000x128xf32, #tpu.memory_space<hbm>> -> memref<40x128xf32, #tpu.memory_space<hbm>>
        tpu.wait_dma2 semaphore(%arg40 : memref<!tpu.dma_semaphore, #tpu.memory_space<semaphore_mem>>) src(%arg20 : memref<40x128xf32, #tpu.memory_space<vmem>>) dst(%dma_wait3A_313 : memref<40x128xf32, #tpu.memory_space<hbm>>)
        %dma_wait3A_314 = arith.constant 0 : i32
        %dma_wait3A_315 = arith.constant 0 : i32
        %dma_wait3A_316 = tpu.memref_slice %arg7[%dma_wait3A_314, %dma_wait3A_315] : memref<160000x128xf32, #tpu.memory_space<hbm>> -> memref<40x128xf32, #tpu.memory_space<hbm>>
        %dma_wait3A_317 = arith.constant 0 : i32
        %dma_wait3A_318 = arith.constant 0 : i32
        %dma_wait3A_319 = tpu.memref_slice %arg7[%dma_wait3A_317, %dma_wait3A_318] : memref<160000x128xf32, #tpu.memory_space<hbm>> -> memref<40x128xf32, #tpu.memory_space<hbm>>
        tpu.wait_dma2 semaphore(%arg40 : memref<!tpu.dma_semaphore, #tpu.memory_space<semaphore_mem>>) src(%arg25 : memref<40x128xf32, #tpu.memory_space<vmem>>) dst(%dma_wait3A_319 : memref<40x128xf32, #tpu.memory_space<hbm>>)
      } else {
      }
      %dma_wait3A_227 = arith.constant 0 : i32
      %dma_wait3A_228 = tpu.memref_slice %arg4[%dma_wait3A_227] : memref<160000xi32, #tpu.memory_space<hbm>> -> memref<40xi32, #tpu.memory_space<hbm>>
      %dma_wait3A_229 = arith.constant 0 : i32
      %dma_wait3A_230 = tpu.memref_slice %arg4[%dma_wait3A_229] : memref<160000xi32, #tpu.memory_space<hbm>> -> memref<40xi32, #tpu.memory_space<hbm>>
      tpu.wait_dma2 semaphore(%arg30 : memref<!tpu.dma_semaphore, #tpu.memory_space<semaphore_mem>>) src(%dma_wait3A_230 : memref<40xi32, #tpu.memory_space<hbm>>) dst(%arg10 : memref<40xi32, #tpu.memory_space<vmem>>)
      %dma_wait3A_231 = arith.constant 0 : i32
      %dma_wait3A_232 = tpu.memref_slice %arg5[%dma_wait3A_231] : memref<160000xi32, #tpu.memory_space<hbm>> -> memref<40xi32, #tpu.memory_space<hbm>>
      %dma_wait3A_233 = arith.constant 0 : i32
      %dma_wait3A_234 = tpu.memref_slice %arg5[%dma_wait3A_233] : memref<160000xi32, #tpu.memory_space<hbm>> -> memref<40xi32, #tpu.memory_space<hbm>>
      tpu.wait_dma2 semaphore(%arg30 : memref<!tpu.dma_semaphore, #tpu.memory_space<semaphore_mem>>) src(%dma_wait3A_234 : memref<40xi32, #tpu.memory_space<hbm>>) dst(%arg15 : memref<40xi32, #tpu.memory_space<vmem>>)
      %dma_start3A_235 = arith.constant 0 : i32
      %dma_start3A_236 = arith.constant 0 : i32
      %dma_start3A_237 = tpu.memref_slice %arg2[%dma_start3A_235, %dma_start3A_236] : memref<10000x128xf32, #tpu.memory_space<hbm>> -> memref<10000x128xf32, #tpu.memory_space<hbm>>
      tpu.enqueue_indirect_dma source(%dma_start3A_237 : memref<10000x128xf32, #tpu.memory_space<hbm>>) target(%arg20 : memref<40x128xf32, #tpu.memory_space<vmem>>) offsets(%arg10 : memref<40xi32, #tpu.memory_space<vmem>>) semaphore(%arg35 : memref<!tpu.dma_semaphore, #tpu.memory_space<semaphore_mem>>)
      %dma_start3A_238 = arith.constant 0 : i32
      %dma_start3A_239 = arith.constant 0 : i32
      %dma_start3A_240 = tpu.memref_slice %arg3[%dma_start3A_238, %dma_start3A_239] : memref<10000x128xf32, #tpu.memory_space<hbm>> -> memref<10000x128xf32, #tpu.memory_space<hbm>>
      tpu.enqueue_indirect_dma source(%dma_start3A_240 : memref<10000x128xf32, #tpu.memory_space<hbm>>) target(%arg25 : memref<40x128xf32, #tpu.memory_space<vmem>>) offsets(%arg15 : memref<40xi32, #tpu.memory_space<vmem>>) semaphore(%arg35 : memref<!tpu.dma_semaphore, #tpu.memory_space<semaphore_mem>>)
      %sub3A_241 = arith.constant 3 : i32
      %sub3A_242 = arith.subi %add3A_221, %sub3A_241 : i32
      %ge3A_243 = arith.constant 0 : i32
      %ge3A_244 = arith.cmpi sge, %sub3A_242, %ge3A_243 : i32
      %convert_element_type3A_245 = arith.extui %ge3A_244 : i1 to i32
      %cond3A_246 = arith.constant 0 : i32
      %cond3A_247 = arith.cmpi ne, %convert_element_type3A_245, %cond3A_246 : i32
      scf.if %cond3A_247 {
        %dma_wait3A_308 = arith.constant 0 : i32
        %dma_wait3A_309 = arith.constant 0 : i32
        %dma_wait3A_310 = tpu.memref_slice %arg2[%dma_wait3A_308, %dma_wait3A_309] : memref<10000x128xf32, #tpu.memory_space<hbm>> -> memref<40x128xf32, #tpu.memory_space<hbm>>
        %dma_wait3A_311 = arith.constant 0 : i32
        %dma_wait3A_312 = arith.constant 0 : i32
        %dma_wait3A_313 = tpu.memref_slice %arg2[%dma_wait3A_311, %dma_wait3A_312] : memref<10000x128xf32, #tpu.memory_space<hbm>> -> memref<40x128xf32, #tpu.memory_space<hbm>>
        tpu.wait_dma2 semaphore(%arg37 : memref<!tpu.dma_semaphore, #tpu.memory_space<semaphore_mem>>) src(%dma_wait3A_313 : memref<40x128xf32, #tpu.memory_space<hbm>>) dst(%arg22 : memref<40x128xf32, #tpu.memory_space<vmem>>)
        %dma_wait3A_314 = arith.constant 0 : i32
        %dma_wait3A_315 = arith.constant 0 : i32
        %dma_wait3A_316 = tpu.memref_slice %arg3[%dma_wait3A_314, %dma_wait3A_315] : memref<10000x128xf32, #tpu.memory_space<hbm>> -> memref<40x128xf32, #tpu.memory_space<hbm>>
        %dma_wait3A_317 = arith.constant 0 : i32
        %dma_wait3A_318 = arith.constant 0 : i32
        %dma_wait3A_319 = tpu.memref_slice %arg3[%dma_wait3A_317, %dma_wait3A_318] : memref<10000x128xf32, #tpu.memory_space<hbm>> -> memref<40x128xf32, #tpu.memory_space<hbm>>
        tpu.wait_dma2 semaphore(%arg37 : memref<!tpu.dma_semaphore, #tpu.memory_space<semaphore_mem>>) src(%dma_wait3A_319 : memref<40x128xf32, #tpu.memory_space<hbm>>) dst(%arg27 : memref<40x128xf32, #tpu.memory_space<vmem>>)
        %mul3A_320 = arith.constant 40 : i32
        %mul3A_321 = arith.muli %sub3A_242, %mul3A_320 : i32
        %add3A_322 = arith.addi %mul3A_2, %mul3A_321 : i32
        %dma_start3A_323 = arith.constant 0 : i32
        %dma_start3A_324 = tpu.memref_slice %arg6[%add3A_322, %dma_start3A_323] : memref<160000x128xf32, #tpu.memory_space<hbm>> -> memref<40x128xf32, #tpu.memory_space<hbm>>
        %dma_start3A_325 = arith.constant 0 : i32
        %dma_start3A_326 = tpu.memref_slice %arg6[%add3A_322, %dma_start3A_325] : memref<160000x128xf32, #tpu.memory_space<hbm>> -> memref<40x128xf32, #tpu.memory_space<hbm>>
        tpu.enqueue_dma source(%arg22 : memref<40x128xf32, #tpu.memory_space<vmem>>) target(%dma_start3A_326 : memref<40x128xf32, #tpu.memory_space<hbm>>) target_semaphore(%arg42 : memref<!tpu.dma_semaphore, #tpu.memory_space<semaphore_mem>>)
        %dma_start3A_327 = arith.constant 0 : i32
        %dma_start3A_328 = tpu.memref_slice %arg7[%add3A_322, %dma_start3A_327] : memref<160000x128xf32, #tpu.memory_space<hbm>> -> memref<40x128xf32, #tpu.memory_space<hbm>>
        %dma_start3A_329 = arith.constant 0 : i32
        %dma_start3A_330 = tpu.memref_slice %arg7[%add3A_322, %dma_start3A_329] : memref<160000x128xf32, #tpu.memory_space<hbm>> -> memref<40x128xf32, #tpu.memory_space<hbm>>
        tpu.enqueue_dma source(%arg27 : memref<40x128xf32, #tpu.memory_space<vmem>>) target(%dma_start3A_330 : memref<40x128xf32, #tpu.memory_space<hbm>>) target_semaphore(%arg42 : memref<!tpu.dma_semaphore, #tpu.memory_space<semaphore_mem>>)
        %add3A_331 = arith.constant 5 : i32
        %add3A_332 = arith.addi %sub3A_242, %add3A_331 : i32
        %lt3A = arith.constant 125 : i32
        %lt3A_333 = arith.cmpi slt, %add3A_332, %lt3A : i32
        %convert_element_type3A_334 = arith.extui %lt3A_333 : i1 to i32
        %cond3A_335 = arith.constant 0 : i32
        %cond3A_336 = arith.cmpi ne, %convert_element_type3A_334, %cond3A_335 : i32
        scf.if %cond3A_336 {
          %add3A_337 = arith.constant 5 : i32
          %add3A_338 = arith.addi %sub3A_242, %add3A_337 : i32
          %mul3A_339 = arith.constant 40 : i32
          %mul3A_340 = arith.muli %add3A_338, %mul3A_339 : i32
          %add3A_341 = arith.addi %mul3A_2, %mul3A_340 : i32
          %dma_start3A_342 = tpu.memref_slice %arg4[%add3A_341] : memref<160000xi32, #tpu.memory_space<hbm>> -> memref<40xi32, #tpu.memory_space<hbm>>
          %dma_start3A_343 = tpu.memref_slice %arg4[%add3A_341] : memref<160000xi32, #tpu.memory_space<hbm>> -> memref<40xi32, #tpu.memory_space<hbm>>
          tpu.enqueue_dma source(%dma_start3A_343 : memref<40xi32, #tpu.memory_space<hbm>>) target(%arg12 : memref<40xi32, #tpu.memory_space<vmem>>) target_semaphore(%arg32 : memref<!tpu.dma_semaphore, #tpu.memory_space<semaphore_mem>>)
          %dma_start3A_344 = tpu.memref_slice %arg5[%add3A_341] : memref<160000xi32, #tpu.memory_space<hbm>> -> memref<40xi32, #tpu.memory_space<hbm>>
          %dma_start3A_345 = tpu.memref_slice %arg5[%add3A_341] : memref<160000xi32, #tpu.memory_space<hbm>> -> memref<40xi32, #tpu.memory_space<hbm>>
          tpu.enqueue_dma source(%dma_start3A_345 : memref<40xi32, #tpu.memory_space<hbm>>) target(%arg17 : memref<40xi32, #tpu.memory_space<vmem>>) target_semaphore(%arg32 : memref<!tpu.dma_semaphore, #tpu.memory_space<semaphore_mem>>)
        } else {
        }
      } else {
      }
      %mul3A_248 = arith.constant 5 : i32
      %mul3A_249 = arith.muli %scan3A_162, %mul3A_248 : i32
      %add3A_250 = arith.constant 3 : i32
      %add3A_251 = arith.addi %mul3A_249, %add3A_250 : i32
      %gt3A_252 = arith.constant 0 : i32
      %gt3A_253 = arith.cmpi sgt, %scan3A_162, %gt3A_252 : i32
      %convert_element_type3A_254 = arith.extui %gt3A_253 : i1 to i32
      %cond3A_255 = arith.constant 0 : i32
      %cond3A_256 = arith.cmpi ne, %convert_element_type3A_254, %cond3A_255 : i32
      scf.if %cond3A_256 {
        %dma_wait3A_308 = arith.constant 0 : i32
        %dma_wait3A_309 = arith.constant 0 : i32
        %dma_wait3A_310 = tpu.memref_slice %arg6[%dma_wait3A_308, %dma_wait3A_309] : memref<160000x128xf32, #tpu.memory_space<hbm>> -> memref<40x128xf32, #tpu.memory_space<hbm>>
        %dma_wait3A_311 = arith.constant 0 : i32
        %dma_wait3A_312 = arith.constant 0 : i32
        %dma_wait3A_313 = tpu.memref_slice %arg6[%dma_wait3A_311, %dma_wait3A_312] : memref<160000x128xf32, #tpu.memory_space<hbm>> -> memref<40x128xf32, #tpu.memory_space<hbm>>
        tpu.wait_dma2 semaphore(%arg41 : memref<!tpu.dma_semaphore, #tpu.memory_space<semaphore_mem>>) src(%arg21 : memref<40x128xf32, #tpu.memory_space<vmem>>) dst(%dma_wait3A_313 : memref<40x128xf32, #tpu.memory_space<hbm>>)
        %dma_wait3A_314 = arith.constant 0 : i32
        %dma_wait3A_315 = arith.constant 0 : i32
        %dma_wait3A_316 = tpu.memref_slice %arg7[%dma_wait3A_314, %dma_wait3A_315] : memref<160000x128xf32, #tpu.memory_space<hbm>> -> memref<40x128xf32, #tpu.memory_space<hbm>>
        %dma_wait3A_317 = arith.constant 0 : i32
        %dma_wait3A_318 = arith.constant 0 : i32
        %dma_wait3A_319 = tpu.memref_slice %arg7[%dma_wait3A_317, %dma_wait3A_318] : memref<160000x128xf32, #tpu.memory_space<hbm>> -> memref<40x128xf32, #tpu.memory_space<hbm>>
        tpu.wait_dma2 semaphore(%arg41 : memref<!tpu.dma_semaphore, #tpu.memory_space<semaphore_mem>>) src(%arg26 : memref<40x128xf32, #tpu.memory_space<vmem>>) dst(%dma_wait3A_319 : memref<40x128xf32, #tpu.memory_space<hbm>>)
      } else {
      }
      %dma_wait3A_257 = arith.constant 0 : i32
      %dma_wait3A_258 = tpu.memref_slice %arg4[%dma_wait3A_257] : memref<160000xi32, #tpu.memory_space<hbm>> -> memref<40xi32, #tpu.memory_space<hbm>>
      %dma_wait3A_259 = arith.constant 0 : i32
      %dma_wait3A_260 = tpu.memref_slice %arg4[%dma_wait3A_259] : memref<160000xi32, #tpu.memory_space<hbm>> -> memref<40xi32, #tpu.memory_space<hbm>>
      tpu.wait_dma2 semaphore(%arg31 : memref<!tpu.dma_semaphore, #tpu.memory_space<semaphore_mem>>) src(%dma_wait3A_260 : memref<40xi32, #tpu.memory_space<hbm>>) dst(%arg11 : memref<40xi32, #tpu.memory_space<vmem>>)
      %dma_wait3A_261 = arith.constant 0 : i32
      %dma_wait3A_262 = tpu.memref_slice %arg5[%dma_wait3A_261] : memref<160000xi32, #tpu.memory_space<hbm>> -> memref<40xi32, #tpu.memory_space<hbm>>
      %dma_wait3A_263 = arith.constant 0 : i32
      %dma_wait3A_264 = tpu.memref_slice %arg5[%dma_wait3A_263] : memref<160000xi32, #tpu.memory_space<hbm>> -> memref<40xi32, #tpu.memory_space<hbm>>
      tpu.wait_dma2 semaphore(%arg31 : memref<!tpu.dma_semaphore, #tpu.memory_space<semaphore_mem>>) src(%dma_wait3A_264 : memref<40xi32, #tpu.memory_space<hbm>>) dst(%arg16 : memref<40xi32, #tpu.memory_space<vmem>>)
      %dma_start3A_265 = arith.constant 0 : i32
      %dma_start3A_266 = arith.constant 0 : i32
      %dma_start3A_267 = tpu.memref_slice %arg2[%dma_start3A_265, %dma_start3A_266] : memref<10000x128xf32, #tpu.memory_space<hbm>> -> memref<10000x128xf32, #tpu.memory_space<hbm>>
      tpu.enqueue_indirect_dma source(%dma_start3A_267 : memref<10000x128xf32, #tpu.memory_space<hbm>>) target(%arg21 : memref<40x128xf32, #tpu.memory_space<vmem>>) offsets(%arg11 : memref<40xi32, #tpu.memory_space<vmem>>) semaphore(%arg36 : memref<!tpu.dma_semaphore, #tpu.memory_space<semaphore_mem>>)
      %dma_start3A_268 = arith.constant 0 : i32
      %dma_start3A_269 = arith.constant 0 : i32
      %dma_start3A_270 = tpu.memref_slice %arg3[%dma_start3A_268, %dma_start3A_269] : memref<10000x128xf32, #tpu.memory_space<hbm>> -> memref<10000x128xf32, #tpu.memory_space<hbm>>
      tpu.enqueue_indirect_dma source(%dma_start3A_270 : memref<10000x128xf32, #tpu.memory_space<hbm>>) target(%arg26 : memref<40x128xf32, #tpu.memory_space<vmem>>) offsets(%arg16 : memref<40xi32, #tpu.memory_space<vmem>>) semaphore(%arg36 : memref<!tpu.dma_semaphore, #tpu.memory_space<semaphore_mem>>)
      %sub3A_271 = arith.constant 3 : i32
      %sub3A_272 = arith.subi %add3A_251, %sub3A_271 : i32
      %ge3A_273 = arith.constant 0 : i32
      %ge3A_274 = arith.cmpi sge, %sub3A_272, %ge3A_273 : i32
      %convert_element_type3A_275 = arith.extui %ge3A_274 : i1 to i32
      %cond3A_276 = arith.constant 0 : i32
      %cond3A_277 = arith.cmpi ne, %convert_element_type3A_275, %cond3A_276 : i32
      scf.if %cond3A_277 {
        %dma_wait3A_308 = arith.constant 0 : i32
        %dma_wait3A_309 = arith.constant 0 : i32
        %dma_wait3A_310 = tpu.memref_slice %arg2[%dma_wait3A_308, %dma_wait3A_309] : memref<10000x128xf32, #tpu.memory_space<hbm>> -> memref<40x128xf32, #tpu.memory_space<hbm>>
        %dma_wait3A_311 = arith.constant 0 : i32
        %dma_wait3A_312 = arith.constant 0 : i32
        %dma_wait3A_313 = tpu.memref_slice %arg2[%dma_wait3A_311, %dma_wait3A_312] : memref<10000x128xf32, #tpu.memory_space<hbm>> -> memref<40x128xf32, #tpu.memory_space<hbm>>
        tpu.wait_dma2 semaphore(%arg33 : memref<!tpu.dma_semaphore, #tpu.memory_space<semaphore_mem>>) src(%dma_wait3A_313 : memref<40x128xf32, #tpu.memory_space<hbm>>) dst(%arg18 : memref<40x128xf32, #tpu.memory_space<vmem>>)
        %dma_wait3A_314 = arith.constant 0 : i32
        %dma_wait3A_315 = arith.constant 0 : i32
        %dma_wait3A_316 = tpu.memref_slice %arg3[%dma_wait3A_314, %dma_wait3A_315] : memref<10000x128xf32, #tpu.memory_space<hbm>> -> memref<40x128xf32, #tpu.memory_space<hbm>>
        %dma_wait3A_317 = arith.constant 0 : i32
        %dma_wait3A_318 = arith.constant 0 : i32
        %dma_wait3A_319 = tpu.memref_slice %arg3[%dma_wait3A_317, %dma_wait3A_318] : memref<10000x128xf32, #tpu.memory_space<hbm>> -> memref<40x128xf32, #tpu.memory_space<hbm>>
        tpu.wait_dma2 semaphore(%arg33 : memref<!tpu.dma_semaphore, #tpu.memory_space<semaphore_mem>>) src(%dma_wait3A_319 : memref<40x128xf32, #tpu.memory_space<hbm>>) dst(%arg23 : memref<40x128xf32, #tpu.memory_space<vmem>>)
        %mul3A_320 = arith.constant 40 : i32
        %mul3A_321 = arith.muli %sub3A_272, %mul3A_320 : i32
        %add3A_322 = arith.addi %mul3A_2, %mul3A_321 : i32
        %dma_start3A_323 = arith.constant 0 : i32
        %dma_start3A_324 = tpu.memref_slice %arg6[%add3A_322, %dma_start3A_323] : memref<160000x128xf32, #tpu.memory_space<hbm>> -> memref<40x128xf32, #tpu.memory_space<hbm>>
        %dma_start3A_325 = arith.constant 0 : i32
        %dma_start3A_326 = tpu.memref_slice %arg6[%add3A_322, %dma_start3A_325] : memref<160000x128xf32, #tpu.memory_space<hbm>> -> memref<40x128xf32, #tpu.memory_space<hbm>>
        tpu.enqueue_dma source(%arg18 : memref<40x128xf32, #tpu.memory_space<vmem>>) target(%dma_start3A_326 : memref<40x128xf32, #tpu.memory_space<hbm>>) target_semaphore(%arg38 : memref<!tpu.dma_semaphore, #tpu.memory_space<semaphore_mem>>)
        %dma_start3A_327 = arith.constant 0 : i32
        %dma_start3A_328 = tpu.memref_slice %arg7[%add3A_322, %dma_start3A_327] : memref<160000x128xf32, #tpu.memory_space<hbm>> -> memref<40x128xf32, #tpu.memory_space<hbm>>
        %dma_start3A_329 = arith.constant 0 : i32
        %dma_start3A_330 = tpu.memref_slice %arg7[%add3A_322, %dma_start3A_329] : memref<160000x128xf32, #tpu.memory_space<hbm>> -> memref<40x128xf32, #tpu.memory_space<hbm>>
        tpu.enqueue_dma source(%arg23 : memref<40x128xf32, #tpu.memory_space<vmem>>) target(%dma_start3A_330 : memref<40x128xf32, #tpu.memory_space<hbm>>) target_semaphore(%arg38 : memref<!tpu.dma_semaphore, #tpu.memory_space<semaphore_mem>>)
        %add3A_331 = arith.constant 5 : i32
        %add3A_332 = arith.addi %sub3A_272, %add3A_331 : i32
        %lt3A = arith.constant 125 : i32
        %lt3A_333 = arith.cmpi slt, %add3A_332, %lt3A : i32
        %convert_element_type3A_334 = arith.extui %lt3A_333 : i1 to i32
        %cond3A_335 = arith.constant 0 : i32
        %cond3A_336 = arith.cmpi ne, %convert_element_type3A_334, %cond3A_335 : i32
        scf.if %cond3A_336 {
          %add3A_337 = arith.constant 5 : i32
          %add3A_338 = arith.addi %sub3A_272, %add3A_337 : i32
          %mul3A_339 = arith.constant 40 : i32
          %mul3A_340 = arith.muli %add3A_338, %mul3A_339 : i32
          %add3A_341 = arith.addi %mul3A_2, %mul3A_340 : i32
          %dma_start3A_342 = tpu.memref_slice %arg4[%add3A_341] : memref<160000xi32, #tpu.memory_space<hbm>> -> memref<40xi32, #tpu.memory_space<hbm>>
          %dma_start3A_343 = tpu.memref_slice %arg4[%add3A_341] : memref<160000xi32, #tpu.memory_space<hbm>> -> memref<40xi32, #tpu.memory_space<hbm>>
          tpu.enqueue_dma source(%dma_start3A_343 : memref<40xi32, #tpu.memory_space<hbm>>) target(%arg8 : memref<40xi32, #tpu.memory_space<vmem>>) target_semaphore(%arg28 : memref<!tpu.dma_semaphore, #tpu.memory_space<semaphore_mem>>)
          %dma_start3A_344 = tpu.memref_slice %arg5[%add3A_341] : memref<160000xi32, #tpu.memory_space<hbm>> -> memref<40xi32, #tpu.memory_space<hbm>>
          %dma_start3A_345 = tpu.memref_slice %arg5[%add3A_341] : memref<160000xi32, #tpu.memory_space<hbm>> -> memref<40xi32, #tpu.memory_space<hbm>>
          tpu.enqueue_dma source(%dma_start3A_345 : memref<40xi32, #tpu.memory_space<hbm>>) target(%arg13 : memref<40xi32, #tpu.memory_space<vmem>>) target_semaphore(%arg28 : memref<!tpu.dma_semaphore, #tpu.memory_space<semaphore_mem>>)
        } else {
        }
      } else {
      }
      %mul3A_278 = arith.constant 5 : i32
      %mul3A_279 = arith.muli %scan3A_162, %mul3A_278 : i32
      %add3A_280 = arith.constant 4 : i32
      %add3A_281 = arith.addi %mul3A_279, %add3A_280 : i32
      %gt3A_282 = arith.constant 0 : i32
      %gt3A_283 = arith.cmpi sgt, %scan3A_162, %gt3A_282 : i32
      %convert_element_type3A_284 = arith.extui %gt3A_283 : i1 to i32
      %cond3A_285 = arith.constant 0 : i32
      %cond3A_286 = arith.cmpi ne, %convert_element_type3A_284, %cond3A_285 : i32
      scf.if %cond3A_286 {
        %dma_wait3A_308 = arith.constant 0 : i32
        %dma_wait3A_309 = arith.constant 0 : i32
        %dma_wait3A_310 = tpu.memref_slice %arg6[%dma_wait3A_308, %dma_wait3A_309] : memref<160000x128xf32, #tpu.memory_space<hbm>> -> memref<40x128xf32, #tpu.memory_space<hbm>>
        %dma_wait3A_311 = arith.constant 0 : i32
        %dma_wait3A_312 = arith.constant 0 : i32
        %dma_wait3A_313 = tpu.memref_slice %arg6[%dma_wait3A_311, %dma_wait3A_312] : memref<160000x128xf32, #tpu.memory_space<hbm>> -> memref<40x128xf32, #tpu.memory_space<hbm>>
        tpu.wait_dma2 semaphore(%arg42 : memref<!tpu.dma_semaphore, #tpu.memory_space<semaphore_mem>>) src(%arg22 : memref<40x128xf32, #tpu.memory_space<vmem>>) dst(%dma_wait3A_313 : memref<40x128xf32, #tpu.memory_space<hbm>>)
        %dma_wait3A_314 = arith.constant 0 : i32
        %dma_wait3A_315 = arith.constant 0 : i32
        %dma_wait3A_316 = tpu.memref_slice %arg7[%dma_wait3A_314, %dma_wait3A_315] : memref<160000x128xf32, #tpu.memory_space<hbm>> -> memref<40x128xf32, #tpu.memory_space<hbm>>
        %dma_wait3A_317 = arith.constant 0 : i32
        %dma_wait3A_318 = arith.constant 0 : i32
        %dma_wait3A_319 = tpu.memref_slice %arg7[%dma_wait3A_317, %dma_wait3A_318] : memref<160000x128xf32, #tpu.memory_space<hbm>> -> memref<40x128xf32, #tpu.memory_space<hbm>>
        tpu.wait_dma2 semaphore(%arg42 : memref<!tpu.dma_semaphore, #tpu.memory_space<semaphore_mem>>) src(%arg27 : memref<40x128xf32, #tpu.memory_space<vmem>>) dst(%dma_wait3A_319 : memref<40x128xf32, #tpu.memory_space<hbm>>)
      } else {
      }
      %dma_wait3A_287 = arith.constant 0 : i32
      %dma_wait3A_288 = tpu.memref_slice %arg4[%dma_wait3A_287] : memref<160000xi32, #tpu.memory_space<hbm>> -> memref<40xi32, #tpu.memory_space<hbm>>
      %dma_wait3A_289 = arith.constant 0 : i32
      %dma_wait3A_290 = tpu.memref_slice %arg4[%dma_wait3A_289] : memref<160000xi32, #tpu.memory_space<hbm>> -> memref<40xi32, #tpu.memory_space<hbm>>
      tpu.wait_dma2 semaphore(%arg32 : memref<!tpu.dma_semaphore, #tpu.memory_space<semaphore_mem>>) src(%dma_wait3A_290 : memref<40xi32, #tpu.memory_space<hbm>>) dst(%arg12 : memref<40xi32, #tpu.memory_space<vmem>>)
      %dma_wait3A_291 = arith.constant 0 : i32
      %dma_wait3A_292 = tpu.memref_slice %arg5[%dma_wait3A_291] : memref<160000xi32, #tpu.memory_space<hbm>> -> memref<40xi32, #tpu.memory_space<hbm>>
      %dma_wait3A_293 = arith.constant 0 : i32
      %dma_wait3A_294 = tpu.memref_slice %arg5[%dma_wait3A_293] : memref<160000xi32, #tpu.memory_space<hbm>> -> memref<40xi32, #tpu.memory_space<hbm>>
      tpu.wait_dma2 semaphore(%arg32 : memref<!tpu.dma_semaphore, #tpu.memory_space<semaphore_mem>>) src(%dma_wait3A_294 : memref<40xi32, #tpu.memory_space<hbm>>) dst(%arg17 : memref<40xi32, #tpu.memory_space<vmem>>)
      %dma_start3A_295 = arith.constant 0 : i32
      %dma_start3A_296 = arith.constant 0 : i32
      %dma_start3A_297 = tpu.memref_slice %arg2[%dma_start3A_295, %dma_start3A_296] : memref<10000x128xf32, #tpu.memory_space<hbm>> -> memref<10000x128xf32, #tpu.memory_space<hbm>>
      tpu.enqueue_indirect_dma source(%dma_start3A_297 : memref<10000x128xf32, #tpu.memory_space<hbm>>) target(%arg22 : memref<40x128xf32, #tpu.memory_space<vmem>>) offsets(%arg12 : memref<40xi32, #tpu.memory_space<vmem>>) semaphore(%arg37 : memref<!tpu.dma_semaphore, #tpu.memory_space<semaphore_mem>>)
      %dma_start3A_298 = arith.constant 0 : i32
      %dma_start3A_299 = arith.constant 0 : i32
      %dma_start3A_300 = tpu.memref_slice %arg3[%dma_start3A_298, %dma_start3A_299] : memref<10000x128xf32, #tpu.memory_space<hbm>> -> memref<10000x128xf32, #tpu.memory_space<hbm>>
      tpu.enqueue_indirect_dma source(%dma_start3A_300 : memref<10000x128xf32, #tpu.memory_space<hbm>>) target(%arg27 : memref<40x128xf32, #tpu.memory_space<vmem>>) offsets(%arg17 : memref<40xi32, #tpu.memory_space<vmem>>) semaphore(%arg37 : memref<!tpu.dma_semaphore, #tpu.memory_space<semaphore_mem>>)
      %sub3A_301 = arith.constant 3 : i32
      %sub3A_302 = arith.subi %add3A_281, %sub3A_301 : i32
      %ge3A_303 = arith.constant 0 : i32
      %ge3A_304 = arith.cmpi sge, %sub3A_302, %ge3A_303 : i32
      %convert_element_type3A_305 = arith.extui %ge3A_304 : i1 to i32
      %cond3A_306 = arith.constant 0 : i32
      %cond3A_307 = arith.cmpi ne, %convert_element_type3A_305, %cond3A_306 : i32
      scf.if %cond3A_307 {
        %dma_wait3A_308 = arith.constant 0 : i32
        %dma_wait3A_309 = arith.constant 0 : i32
        %dma_wait3A_310 = tpu.memref_slice %arg2[%dma_wait3A_308, %dma_wait3A_309] : memref<10000x128xf32, #tpu.memory_space<hbm>> -> memref<40x128xf32, #tpu.memory_space<hbm>>
        %dma_wait3A_311 = arith.constant 0 : i32
        %dma_wait3A_312 = arith.constant 0 : i32
        %dma_wait3A_313 = tpu.memref_slice %arg2[%dma_wait3A_311, %dma_wait3A_312] : memref<10000x128xf32, #tpu.memory_space<hbm>> -> memref<40x128xf32, #tpu.memory_space<hbm>>
        tpu.wait_dma2 semaphore(%arg34 : memref<!tpu.dma_semaphore, #tpu.memory_space<semaphore_mem>>) src(%dma_wait3A_313 : memref<40x128xf32, #tpu.memory_space<hbm>>) dst(%arg19 : memref<40x128xf32, #tpu.memory_space<vmem>>)
        %dma_wait3A_314 = arith.constant 0 : i32
        %dma_wait3A_315 = arith.constant 0 : i32
        %dma_wait3A_316 = tpu.memref_slice %arg3[%dma_wait3A_314, %dma_wait3A_315] : memref<10000x128xf32, #tpu.memory_space<hbm>> -> memref<40x128xf32, #tpu.memory_space<hbm>>
        %dma_wait3A_317 = arith.constant 0 : i32
        %dma_wait3A_318 = arith.constant 0 : i32
        %dma_wait3A_319 = tpu.memref_slice %arg3[%dma_wait3A_317, %dma_wait3A_318] : memref<10000x128xf32, #tpu.memory_space<hbm>> -> memref<40x128xf32, #tpu.memory_space<hbm>>
        tpu.wait_dma2 semaphore(%arg34 : memref<!tpu.dma_semaphore, #tpu.memory_space<semaphore_mem>>) src(%dma_wait3A_319 : memref<40x128xf32, #tpu.memory_space<hbm>>) dst(%arg24 : memref<40x128xf32, #tpu.memory_space<vmem>>)
        %mul3A_320 = arith.constant 40 : i32
        %mul3A_321 = arith.muli %sub3A_302, %mul3A_320 : i32
        %add3A_322 = arith.addi %mul3A_2, %mul3A_321 : i32
        %dma_start3A_323 = arith.constant 0 : i32
        %dma_start3A_324 = tpu.memref_slice %arg6[%add3A_322, %dma_start3A_323] : memref<160000x128xf32, #tpu.memory_space<hbm>> -> memref<40x128xf32, #tpu.memory_space<hbm>>
        %dma_start3A_325 = arith.constant 0 : i32
        %dma_start3A_326 = tpu.memref_slice %arg6[%add3A_322, %dma_start3A_325] : memref<160000x128xf32, #tpu.memory_space<hbm>> -> memref<40x128xf32, #tpu.memory_space<hbm>>
        tpu.enqueue_dma source(%arg19 : memref<40x128xf32, #tpu.memory_space<vmem>>) target(%dma_start3A_326 : memref<40x128xf32, #tpu.memory_space<hbm>>) target_semaphore(%arg39 : memref<!tpu.dma_semaphore, #tpu.memory_space<semaphore_mem>>)
        %dma_start3A_327 = arith.constant 0 : i32
        %dma_start3A_328 = tpu.memref_slice %arg7[%add3A_322, %dma_start3A_327] : memref<160000x128xf32, #tpu.memory_space<hbm>> -> memref<40x128xf32, #tpu.memory_space<hbm>>
        %dma_start3A_329 = arith.constant 0 : i32
        %dma_start3A_330 = tpu.memref_slice %arg7[%add3A_322, %dma_start3A_329] : memref<160000x128xf32, #tpu.memory_space<hbm>> -> memref<40x128xf32, #tpu.memory_space<hbm>>
        tpu.enqueue_dma source(%arg24 : memref<40x128xf32, #tpu.memory_space<vmem>>) target(%dma_start3A_330 : memref<40x128xf32, #tpu.memory_space<hbm>>) target_semaphore(%arg39 : memref<!tpu.dma_semaphore, #tpu.memory_space<semaphore_mem>>)
        %add3A_331 = arith.constant 5 : i32
        %add3A_332 = arith.addi %sub3A_302, %add3A_331 : i32
        %lt3A = arith.constant 125 : i32
        %lt3A_333 = arith.cmpi slt, %add3A_332, %lt3A : i32
        %convert_element_type3A_334 = arith.extui %lt3A_333 : i1 to i32
        %cond3A_335 = arith.constant 0 : i32
        %cond3A_336 = arith.cmpi ne, %convert_element_type3A_334, %cond3A_335 : i32
        scf.if %cond3A_336 {
          %add3A_337 = arith.constant 5 : i32
          %add3A_338 = arith.addi %sub3A_302, %add3A_337 : i32
          %mul3A_339 = arith.constant 40 : i32
          %mul3A_340 = arith.muli %add3A_338, %mul3A_339 : i32
          %add3A_341 = arith.addi %mul3A_2, %mul3A_340 : i32
          %dma_start3A_342 = tpu.memref_slice %arg4[%add3A_341] : memref<160000xi32, #tpu.memory_space<hbm>> -> memref<40xi32, #tpu.memory_space<hbm>>
          %dma_start3A_343 = tpu.memref_slice %arg4[%add3A_341] : memref<160000xi32, #tpu.memory_space<hbm>> -> memref<40xi32, #tpu.memory_space<hbm>>
          tpu.enqueue_dma source(%dma_start3A_343 : memref<40xi32, #tpu.memory_space<hbm>>) target(%arg9 : memref<40xi32, #tpu.memory_space<vmem>>) target_semaphore(%arg29 : memref<!tpu.dma_semaphore, #tpu.memory_space<semaphore_mem>>)
          %dma_start3A_344 = tpu.memref_slice %arg5[%add3A_341] : memref<160000xi32, #tpu.memory_space<hbm>> -> memref<40xi32, #tpu.memory_space<hbm>>
          %dma_start3A_345 = tpu.memref_slice %arg5[%add3A_341] : memref<160000xi32, #tpu.memory_space<hbm>> -> memref<40xi32, #tpu.memory_space<hbm>>
          tpu.enqueue_dma source(%dma_start3A_345 : memref<40xi32, #tpu.memory_space<hbm>>) target(%arg14 : memref<40xi32, #tpu.memory_space<vmem>>) target_semaphore(%arg29 : memref<!tpu.dma_semaphore, #tpu.memory_space<semaphore_mem>>)
        } else {
        }
      } else {
      }
    }
    %scan3A_36 = arith.constant 25 : i32
    %dma_wait3A = arith.constant 0 : i32
    %dma_wait3A_37 = arith.constant 0 : i32
    %dma_wait3A_38 = tpu.memref_slice %arg2[%dma_wait3A, %dma_wait3A_37] : memref<10000x128xf32, #tpu.memory_space<hbm>> -> memref<40x128xf32, #tpu.memory_space<hbm>>
    %dma_wait3A_39 = arith.constant 0 : i32
    %dma_wait3A_40 = arith.constant 0 : i32
    %dma_wait3A_41 = tpu.memref_slice %arg2[%dma_wait3A_39, %dma_wait3A_40] : memref<10000x128xf32, #tpu.memory_space<hbm>> -> memref<40x128xf32, #tpu.memory_space<hbm>>
    tpu.wait_dma2 semaphore(%arg35 : memref<!tpu.dma_semaphore, #tpu.memory_space<semaphore_mem>>) src(%dma_wait3A_41 : memref<40x128xf32, #tpu.memory_space<hbm>>) dst(%arg20 : memref<40x128xf32, #tpu.memory_space<vmem>>)
    %dma_wait3A_42 = arith.constant 0 : i32
    %dma_wait3A_43 = arith.constant 0 : i32
    %dma_wait3A_44 = tpu.memref_slice %arg3[%dma_wait3A_42, %dma_wait3A_43] : memref<10000x128xf32, #tpu.memory_space<hbm>> -> memref<40x128xf32, #tpu.memory_space<hbm>>
    %dma_wait3A_45 = arith.constant 0 : i32
    %dma_wait3A_46 = arith.constant 0 : i32
    %dma_wait3A_47 = tpu.memref_slice %arg3[%dma_wait3A_45, %dma_wait3A_46] : memref<10000x128xf32, #tpu.memory_space<hbm>> -> memref<40x128xf32, #tpu.memory_space<hbm>>
    tpu.wait_dma2 semaphore(%arg35 : memref<!tpu.dma_semaphore, #tpu.memory_space<semaphore_mem>>) src(%dma_wait3A_47 : memref<40x128xf32, #tpu.memory_space<hbm>>) dst(%arg25 : memref<40x128xf32, #tpu.memory_space<vmem>>)
    %add3A_48 = arith.constant 4880 : i32
    %add3A_49 = arith.addi %mul3A_2, %add3A_48 : i32
    %dma_start3A_50 = arith.constant 0 : i32
    %dma_start3A_51 = tpu.memref_slice %arg6[%add3A_49, %dma_start3A_50] : memref<160000x128xf32, #tpu.memory_space<hbm>> -> memref<40x128xf32, #tpu.memory_space<hbm>>
    %dma_start3A_52 = arith.constant 0 : i32
    %dma_start3A_53 = tpu.memref_slice %arg6[%add3A_49, %dma_start3A_52] : memref<160000x128xf32, #tpu.memory_space<hbm>> -> memref<40x128xf32, #tpu.memory_space<hbm>>
    tpu.enqueue_dma source(%arg20 : memref<40x128xf32, #tpu.memory_space<vmem>>) target(%dma_start3A_53 : memref<40x128xf32, #tpu.memory_space<hbm>>) target_semaphore(%arg40 : memref<!tpu.dma_semaphore, #tpu.memory_space<semaphore_mem>>)
    %dma_start3A_54 = arith.constant 0 : i32
    %dma_start3A_55 = tpu.memref_slice %arg7[%add3A_49, %dma_start3A_54] : memref<160000x128xf32, #tpu.memory_space<hbm>> -> memref<40x128xf32, #tpu.memory_space<hbm>>
    %dma_start3A_56 = arith.constant 0 : i32
    %dma_start3A_57 = tpu.memref_slice %arg7[%add3A_49, %dma_start3A_56] : memref<160000x128xf32, #tpu.memory_space<hbm>> -> memref<40x128xf32, #tpu.memory_space<hbm>>
    tpu.enqueue_dma source(%arg25 : memref<40x128xf32, #tpu.memory_space<vmem>>) target(%dma_start3A_57 : memref<40x128xf32, #tpu.memory_space<hbm>>) target_semaphore(%arg40 : memref<!tpu.dma_semaphore, #tpu.memory_space<semaphore_mem>>)
    %dma_wait3A_58 = arith.constant 0 : i32
    %dma_wait3A_59 = arith.constant 0 : i32
    %dma_wait3A_60 = tpu.memref_slice %arg2[%dma_wait3A_58, %dma_wait3A_59] : memref<10000x128xf32, #tpu.memory_space<hbm>> -> memref<40x128xf32, #tpu.memory_space<hbm>>
    %dma_wait3A_61 = arith.constant 0 : i32
    %dma_wait3A_62 = arith.constant 0 : i32
    %dma_wait3A_63 = tpu.memref_slice %arg2[%dma_wait3A_61, %dma_wait3A_62] : memref<10000x128xf32, #tpu.memory_space<hbm>> -> memref<40x128xf32, #tpu.memory_space<hbm>>
    tpu.wait_dma2 semaphore(%arg36 : memref<!tpu.dma_semaphore, #tpu.memory_space<semaphore_mem>>) src(%dma_wait3A_63 : memref<40x128xf32, #tpu.memory_space<hbm>>) dst(%arg21 : memref<40x128xf32, #tpu.memory_space<vmem>>)
    %dma_wait3A_64 = arith.constant 0 : i32
    %dma_wait3A_65 = arith.constant 0 : i32
    %dma_wait3A_66 = tpu.memref_slice %arg3[%dma_wait3A_64, %dma_wait3A_65] : memref<10000x128xf32, #tpu.memory_space<hbm>> -> memref<40x128xf32, #tpu.memory_space<hbm>>
    %dma_wait3A_67 = arith.constant 0 : i32
    %dma_wait3A_68 = arith.constant 0 : i32
    %dma_wait3A_69 = tpu.memref_slice %arg3[%dma_wait3A_67, %dma_wait3A_68] : memref<10000x128xf32, #tpu.memory_space<hbm>> -> memref<40x128xf32, #tpu.memory_space<hbm>>
    tpu.wait_dma2 semaphore(%arg36 : memref<!tpu.dma_semaphore, #tpu.memory_space<semaphore_mem>>) src(%dma_wait3A_69 : memref<40x128xf32, #tpu.memory_space<hbm>>) dst(%arg26 : memref<40x128xf32, #tpu.memory_space<vmem>>)
    %add3A_70 = arith.constant 4920 : i32
    %add3A_71 = arith.addi %mul3A_2, %add3A_70 : i32
    %dma_start3A_72 = arith.constant 0 : i32
    %dma_start3A_73 = tpu.memref_slice %arg6[%add3A_71, %dma_start3A_72] : memref<160000x128xf32, #tpu.memory_space<hbm>> -> memref<40x128xf32, #tpu.memory_space<hbm>>
    %dma_start3A_74 = arith.constant 0 : i32
    %dma_start3A_75 = tpu.memref_slice %arg6[%add3A_71, %dma_start3A_74] : memref<160000x128xf32, #tpu.memory_space<hbm>> -> memref<40x128xf32, #tpu.memory_space<hbm>>
    tpu.enqueue_dma source(%arg21 : memref<40x128xf32, #tpu.memory_space<vmem>>) target(%dma_start3A_75 : memref<40x128xf32, #tpu.memory_space<hbm>>) target_semaphore(%arg41 : memref<!tpu.dma_semaphore, #tpu.memory_space<semaphore_mem>>)
    %dma_start3A_76 = arith.constant 0 : i32
    %dma_start3A_77 = tpu.memref_slice %arg7[%add3A_71, %dma_start3A_76] : memref<160000x128xf32, #tpu.memory_space<hbm>> -> memref<40x128xf32, #tpu.memory_space<hbm>>
    %dma_start3A_78 = arith.constant 0 : i32
    %dma_start3A_79 = tpu.memref_slice %arg7[%add3A_71, %dma_start3A_78] : memref<160000x128xf32, #tpu.memory_space<hbm>> -> memref<40x128xf32, #tpu.memory_space<hbm>>
    tpu.enqueue_dma source(%arg26 : memref<40x128xf32, #tpu.memory_space<vmem>>) target(%dma_start3A_79 : memref<40x128xf32, #tpu.memory_space<hbm>>) target_semaphore(%arg41 : memref<!tpu.dma_semaphore, #tpu.memory_space<semaphore_mem>>)
    %dma_wait3A_80 = arith.constant 0 : i32
    %dma_wait3A_81 = arith.constant 0 : i32
    %dma_wait3A_82 = tpu.memref_slice %arg2[%dma_wait3A_80, %dma_wait3A_81] : memref<10000x128xf32, #tpu.memory_space<hbm>> -> memref<40x128xf32, #tpu.memory_space<hbm>>
    %dma_wait3A_83 = arith.constant 0 : i32
    %dma_wait3A_84 = arith.constant 0 : i32
    %dma_wait3A_85 = tpu.memref_slice %arg2[%dma_wait3A_83, %dma_wait3A_84] : memref<10000x128xf32, #tpu.memory_space<hbm>> -> memref<40x128xf32, #tpu.memory_space<hbm>>
    tpu.wait_dma2 semaphore(%arg37 : memref<!tpu.dma_semaphore, #tpu.memory_space<semaphore_mem>>) src(%dma_wait3A_85 : memref<40x128xf32, #tpu.memory_space<hbm>>) dst(%arg22 : memref<40x128xf32, #tpu.memory_space<vmem>>)
    %dma_wait3A_86 = arith.constant 0 : i32
    %dma_wait3A_87 = arith.constant 0 : i32
    %dma_wait3A_88 = tpu.memref_slice %arg3[%dma_wait3A_86, %dma_wait3A_87] : memref<10000x128xf32, #tpu.memory_space<hbm>> -> memref<40x128xf32, #tpu.memory_space<hbm>>
    %dma_wait3A_89 = arith.constant 0 : i32
    %dma_wait3A_90 = arith.constant 0 : i32
    %dma_wait3A_91 = tpu.memref_slice %arg3[%dma_wait3A_89, %dma_wait3A_90] : memref<10000x128xf32, #tpu.memory_space<hbm>> -> memref<40x128xf32, #tpu.memory_space<hbm>>
    tpu.wait_dma2 semaphore(%arg37 : memref<!tpu.dma_semaphore, #tpu.memory_space<semaphore_mem>>) src(%dma_wait3A_91 : memref<40x128xf32, #tpu.memory_space<hbm>>) dst(%arg27 : memref<40x128xf32, #tpu.memory_space<vmem>>)
    %add3A_92 = arith.constant 4960 : i32
    %add3A_93 = arith.addi %mul3A_2, %add3A_92 : i32
    %dma_start3A_94 = arith.constant 0 : i32
    %dma_start3A_95 = tpu.memref_slice %arg6[%add3A_93, %dma_start3A_94] : memref<160000x128xf32, #tpu.memory_space<hbm>> -> memref<40x128xf32, #tpu.memory_space<hbm>>
    %dma_start3A_96 = arith.constant 0 : i32
    %dma_start3A_97 = tpu.memref_slice %arg6[%add3A_93, %dma_start3A_96] : memref<160000x128xf32, #tpu.memory_space<hbm>> -> memref<40x128xf32, #tpu.memory_space<hbm>>
    tpu.enqueue_dma source(%arg22 : memref<40x128xf32, #tpu.memory_space<vmem>>) target(%dma_start3A_97 : memref<40x128xf32, #tpu.memory_space<hbm>>) target_semaphore(%arg42 : memref<!tpu.dma_semaphore, #tpu.memory_space<semaphore_mem>>)
    %dma_start3A_98 = arith.constant 0 : i32
    %dma_start3A_99 = tpu.memref_slice %arg7[%add3A_93, %dma_start3A_98] : memref<160000x128xf32, #tpu.memory_space<hbm>> -> memref<40x128xf32, #tpu.memory_space<hbm>>
    %dma_start3A_100 = arith.constant 0 : i32
    %dma_start3A_101 = tpu.memref_slice %arg7[%add3A_93, %dma_start3A_100] : memref<160000x128xf32, #tpu.memory_space<hbm>> -> memref<40x128xf32, #tpu.memory_space<hbm>>
    tpu.enqueue_dma source(%arg27 : memref<40x128xf32, #tpu.memory_space<vmem>>) target(%dma_start3A_101 : memref<40x128xf32, #tpu.memory_space<hbm>>) target_semaphore(%arg42 : memref<!tpu.dma_semaphore, #tpu.memory_space<semaphore_mem>>)
    %dma_wait3A_102 = arith.constant 0 : i32
    %dma_wait3A_103 = arith.constant 0 : i32
    %dma_wait3A_104 = tpu.memref_slice %arg6[%dma_wait3A_102, %dma_wait3A_103] : memref<160000x128xf32, #tpu.memory_space<hbm>> -> memref<40x128xf32, #tpu.memory_space<hbm>>
    %dma_wait3A_105 = arith.constant 0 : i32
    %dma_wait3A_106 = arith.constant 0 : i32
    %dma_wait3A_107 = tpu.memref_slice %arg6[%dma_wait3A_105, %dma_wait3A_106] : memref<160000x128xf32, #tpu.memory_space<hbm>> -> memref<40x128xf32, #tpu.memory_space<hbm>>
    tpu.wait_dma2 semaphore(%arg38 : memref<!tpu.dma_semaphore, #tpu.memory_space<semaphore_mem>>) src(%arg18 : memref<40x128xf32, #tpu.memory_space<vmem>>) dst(%dma_wait3A_107 : memref<40x128xf32, #tpu.memory_space<hbm>>)
    %dma_wait3A_108 = arith.constant 0 : i32
    %dma_wait3A_109 = arith.constant 0 : i32
    %dma_wait3A_110 = tpu.memref_slice %arg7[%dma_wait3A_108, %dma_wait3A_109] : memref<160000x128xf32, #tpu.memory_space<hbm>> -> memref<40x128xf32, #tpu.memory_space<hbm>>
    %dma_wait3A_111 = arith.constant 0 : i32
    %dma_wait3A_112 = arith.constant 0 : i32
    %dma_wait3A_113 = tpu.memref_slice %arg7[%dma_wait3A_111, %dma_wait3A_112] : memref<160000x128xf32, #tpu.memory_space<hbm>> -> memref<40x128xf32, #tpu.memory_space<hbm>>
    tpu.wait_dma2 semaphore(%arg38 : memref<!tpu.dma_semaphore, #tpu.memory_space<semaphore_mem>>) src(%arg23 : memref<40x128xf32, #tpu.memory_space<vmem>>) dst(%dma_wait3A_113 : memref<40x128xf32, #tpu.memory_space<hbm>>)
    %dma_wait3A_114 = arith.constant 0 : i32
    %dma_wait3A_115 = arith.constant 0 : i32
    %dma_wait3A_116 = tpu.memref_slice %arg6[%dma_wait3A_114, %dma_wait3A_115] : memref<160000x128xf32, #tpu.memory_space<hbm>> -> memref<40x128xf32, #tpu.memory_space<hbm>>
    %dma_wait3A_117 = arith.constant 0 : i32
    %dma_wait3A_118 = arith.constant 0 : i32
    %dma_wait3A_119 = tpu.memref_slice %arg6[%dma_wait3A_117, %dma_wait3A_118] : memref<160000x128xf32, #tpu.memory_space<hbm>> -> memref<40x128xf32, #tpu.memory_space<hbm>>
    tpu.wait_dma2 semaphore(%arg39 : memref<!tpu.dma_semaphore, #tpu.memory_space<semaphore_mem>>) src(%arg19 : memref<40x128xf32, #tpu.memory_space<vmem>>) dst(%dma_wait3A_119 : memref<40x128xf32, #tpu.memory_space<hbm>>)
    %dma_wait3A_120 = arith.constant 0 : i32
    %dma_wait3A_121 = arith.constant 0 : i32
    %dma_wait3A_122 = tpu.memref_slice %arg7[%dma_wait3A_120, %dma_wait3A_121] : memref<160000x128xf32, #tpu.memory_space<hbm>> -> memref<40x128xf32, #tpu.memory_space<hbm>>
    %dma_wait3A_123 = arith.constant 0 : i32
    %dma_wait3A_124 = arith.constant 0 : i32
    %dma_wait3A_125 = tpu.memref_slice %arg7[%dma_wait3A_123, %dma_wait3A_124] : memref<160000x128xf32, #tpu.memory_space<hbm>> -> memref<40x128xf32, #tpu.memory_space<hbm>>
    tpu.wait_dma2 semaphore(%arg39 : memref<!tpu.dma_semaphore, #tpu.memory_space<semaphore_mem>>) src(%arg24 : memref<40x128xf32, #tpu.memory_space<vmem>>) dst(%dma_wait3A_125 : memref<40x128xf32, #tpu.memory_space<hbm>>)
    %dma_wait3A_126 = arith.constant 0 : i32
    %dma_wait3A_127 = arith.constant 0 : i32
    %dma_wait3A_128 = tpu.memref_slice %arg6[%dma_wait3A_126, %dma_wait3A_127] : memref<160000x128xf32, #tpu.memory_space<hbm>> -> memref<40x128xf32, #tpu.memory_space<hbm>>
    %dma_wait3A_129 = arith.constant 0 : i32
    %dma_wait3A_130 = arith.constant 0 : i32
    %dma_wait3A_131 = tpu.memref_slice %arg6[%dma_wait3A_129, %dma_wait3A_130] : memref<160000x128xf32, #tpu.memory_space<hbm>> -> memref<40x128xf32, #tpu.memory_space<hbm>>
    tpu.wait_dma2 semaphore(%arg40 : memref<!tpu.dma_semaphore, #tpu.memory_space<semaphore_mem>>) src(%arg20 : memref<40x128xf32, #tpu.memory_space<vmem>>) dst(%dma_wait3A_131 : memref<40x128xf32, #tpu.memory_space<hbm>>)
    %dma_wait3A_132 = arith.constant 0 : i32
    %dma_wait3A_133 = arith.constant 0 : i32
    %dma_wait3A_134 = tpu.memref_slice %arg7[%dma_wait3A_132, %dma_wait3A_133] : memref<160000x128xf32, #tpu.memory_space<hbm>> -> memref<40x128xf32, #tpu.memory_space<hbm>>
    %dma_wait3A_135 = arith.constant 0 : i32
    %dma_wait3A_136 = arith.constant 0 : i32
    %dma_wait3A_137 = tpu.memref_slice %arg7[%dma_wait3A_135, %dma_wait3A_136] : memref<160000x128xf32, #tpu.memory_space<hbm>> -> memref<40x128xf32, #tpu.memory_space<hbm>>
    tpu.wait_dma2 semaphore(%arg40 : memref<!tpu.dma_semaphore, #tpu.memory_space<semaphore_mem>>) src(%arg25 : memref<40x128xf32, #tpu.memory_space<vmem>>) dst(%dma_wait3A_137 : memref<40x128xf32, #tpu.memory_space<hbm>>)
    %dma_wait3A_138 = arith.constant 0 : i32
    %dma_wait3A_139 = arith.constant 0 : i32
    %dma_wait3A_140 = tpu.memref_slice %arg6[%dma_wait3A_138, %dma_wait3A_139] : memref<160000x128xf32, #tpu.memory_space<hbm>> -> memref<40x128xf32, #tpu.memory_space<hbm>>
    %dma_wait3A_141 = arith.constant 0 : i32
    %dma_wait3A_142 = arith.constant 0 : i32
    %dma_wait3A_143 = tpu.memref_slice %arg6[%dma_wait3A_141, %dma_wait3A_142] : memref<160000x128xf32, #tpu.memory_space<hbm>> -> memref<40x128xf32, #tpu.memory_space<hbm>>
    tpu.wait_dma2 semaphore(%arg41 : memref<!tpu.dma_semaphore, #tpu.memory_space<semaphore_mem>>) src(%arg21 : memref<40x128xf32, #tpu.memory_space<vmem>>) dst(%dma_wait3A_143 : memref<40x128xf32, #tpu.memory_space<hbm>>)
    %dma_wait3A_144 = arith.constant 0 : i32
    %dma_wait3A_145 = arith.constant 0 : i32
    %dma_wait3A_146 = tpu.memref_slice %arg7[%dma_wait3A_144, %dma_wait3A_145] : memref<160000x128xf32, #tpu.memory_space<hbm>> -> memref<40x128xf32, #tpu.memory_space<hbm>>
    %dma_wait3A_147 = arith.constant 0 : i32
    %dma_wait3A_148 = arith.constant 0 : i32
    %dma_wait3A_149 = tpu.memref_slice %arg7[%dma_wait3A_147, %dma_wait3A_148] : memref<160000x128xf32, #tpu.memory_space<hbm>> -> memref<40x128xf32, #tpu.memory_space<hbm>>
    tpu.wait_dma2 semaphore(%arg41 : memref<!tpu.dma_semaphore, #tpu.memory_space<semaphore_mem>>) src(%arg26 : memref<40x128xf32, #tpu.memory_space<vmem>>) dst(%dma_wait3A_149 : memref<40x128xf32, #tpu.memory_space<hbm>>)
    %dma_wait3A_150 = arith.constant 0 : i32
    %dma_wait3A_151 = arith.constant 0 : i32
    %dma_wait3A_152 = tpu.memref_slice %arg6[%dma_wait3A_150, %dma_wait3A_151] : memref<160000x128xf32, #tpu.memory_space<hbm>> -> memref<40x128xf32, #tpu.memory_space<hbm>>
    %dma_wait3A_153 = arith.constant 0 : i32
    %dma_wait3A_154 = arith.constant 0 : i32
    %dma_wait3A_155 = tpu.memref_slice %arg6[%dma_wait3A_153, %dma_wait3A_154] : memref<160000x128xf32, #tpu.memory_space<hbm>> -> memref<40x128xf32, #tpu.memory_space<hbm>>
    tpu.wait_dma2 semaphore(%arg42 : memref<!tpu.dma_semaphore, #tpu.memory_space<semaphore_mem>>) src(%arg22 : memref<40x128xf32, #tpu.memory_space<vmem>>) dst(%dma_wait3A_155 : memref<40x128xf32, #tpu.memory_space<hbm>>)
    %dma_wait3A_156 = arith.constant 0 : i32
    %dma_wait3A_157 = arith.constant 0 : i32
    %dma_wait3A_158 = tpu.memref_slice %arg7[%dma_wait3A_156, %dma_wait3A_157] : memref<160000x128xf32, #tpu.memory_space<hbm>> -> memref<40x128xf32, #tpu.memory_space<hbm>>
    %dma_wait3A_159 = arith.constant 0 : i32
    %dma_wait3A_160 = arith.constant 0 : i32
    %dma_wait3A_161 = tpu.memref_slice %arg7[%dma_wait3A_159, %dma_wait3A_160] : memref<160000x128xf32, #tpu.memory_space<hbm>> -> memref<40x128xf32, #tpu.memory_space<hbm>>
    tpu.wait_dma2 semaphore(%arg42 : memref<!tpu.dma_semaphore, #tpu.memory_space<semaphore_mem>>) src(%arg27 : memref<40x128xf32, #tpu.memory_space<vmem>>) dst(%dma_wait3A_161 : memref<40x128xf32, #tpu.memory_space<hbm>>)
    return
  }
}

#map = affine_map<(d0, d1) -> (0, 0)>
#map1 = affine_map<(d0, d1) -> (0)>
module attributes {stable_mosaic.version = 14 : i64} {
  func.func @_scatter_kernel_body(%arg0: i32, %arg1: i32, %arg2: memref<160000x128xf32, #tpu.memory_space<hbm>>, %arg3: memref<160000xi32, #tpu.memory_space<hbm>>, %arg4: memref<10000x128xf32, #tpu.memory_space<hbm>>, %arg5: memref<10000xf32, #tpu.memory_space<hbm>>, %arg6: memref<40xf32, #tpu.memory_space<hbm>>, %arg7: memref<10000xi32, #tpu.memory_space<hbm>>, %arg8: memref<20000x128xf32, #tpu.memory_space<hbm>>, %arg9: memref<20000xf32, #tpu.memory_space<hbm>>, %arg10: memref<40xi32, #tpu.memory_space<vmem>>, %arg11: memref<40xi32, #tpu.memory_space<vmem>>, %arg12: memref<40xi32, #tpu.memory_space<vmem>>, %arg13: memref<40xi32, #tpu.memory_space<vmem>>, %arg14: memref<40xi32, #tpu.memory_space<vmem>>, %arg15: memref<40x128xf32, #tpu.memory_space<vmem>>, %arg16: memref<40x128xf32, #tpu.memory_space<vmem>>, %arg17: memref<40x128xf32, #tpu.memory_space<vmem>>, %arg18: memref<40x128xf32, #tpu.memory_space<vmem>>, %arg19: memref<40x128xf32, #tpu.memory_space<vmem>>, %arg20: memref<40xf32, #tpu.memory_space<vmem>>, %arg21: memref<40xf32, #tpu.memory_space<vmem>>, %arg22: memref<40xi32, #tpu.memory_space<vmem>>, %arg23: memref<24xi32, #tpu.memory_space<vmem>>, %arg24: memref<16xi32, #tpu.memory_space<vmem>>, %arg25: memref<24x128xf32, #tpu.memory_space<vmem>>, %arg26: memref<16x128xf32, #tpu.memory_space<vmem>>, %arg27: memref<24xf32, #tpu.memory_space<vmem>>, %arg28: memref<16xf32, #tpu.memory_space<vmem>>, %arg29: memref<!tpu.dma_semaphore, #tpu.memory_space<semaphore_mem>>, %arg30: memref<!tpu.dma_semaphore, #tpu.memory_space<semaphore_mem>>, %arg31: memref<!tpu.dma_semaphore, #tpu.memory_space<semaphore_mem>>, %arg32: memref<!tpu.dma_semaphore, #tpu.memory_space<semaphore_mem>>, %arg33: memref<!tpu.dma_semaphore, #tpu.memory_space<semaphore_mem>>, %arg34: memref<!tpu.dma_semaphore, #tpu.memory_space<semaphore_mem>>, %arg35: memref<!tpu.dma_semaphore, #tpu.memory_space<semaphore_mem>>, %arg36: memref<!tpu.dma_semaphore, #tpu.memory_space<semaphore_mem>>, %arg37: memref<!tpu.dma_semaphore, #tpu.memory_space<semaphore_mem>>, %arg38: memref<!tpu.dma_semaphore, #tpu.memory_space<semaphore_mem>>, %arg39: memref<10000x128xf32, #tpu.memory_space<vmem_shared>>, %arg40: memref<10000xf32, #tpu.memory_space<vmem_shared>>) attributes {dimension_semantics = [#tpu.dimension_semantics<core_parallel>, #tpu.dimension_semantics<subcore_parallel>], iteration_bounds = array<i64: 2, 16>, scalar_prefetch = 0 : i64, scratch_operands = 31 : i64, tpu.core_type = #tpu.core_type<sc_vector_subcore>, window_params = [{transform_indices = #map}, {transform_indices = #map1}, {transform_indices = #map}, {transform_indices = #map1}, {transform_indices = #map1}, {transform_indices = #map1}, {transform_indices = #map}, {transform_indices = #map1}]} {
    %mul3A = arith.constant 16 : i32
    %mul3A_0 = arith.muli %arg0, %mul3A : i32
    %add3A = arith.addi %mul3A_0, %arg1 : i32
    %mul3A_1 = arith.constant 5000 : i32
    %mul3A_2 = arith.muli %add3A, %mul3A_1 : i32
    "tpu.region"() ({
      %run_scoped3A = tpu.sem_alloc : memref<!tpu.dma_semaphore, #tpu.memory_space<semaphore_mem>>
      tpu.enqueue_dma source(%arg6 : memref<40xf32, #tpu.memory_space<hbm>>) target(%arg21 : memref<40xf32, #tpu.memory_space<vmem>>) target_semaphore(%run_scoped3A : memref<!tpu.dma_semaphore, #tpu.memory_space<semaphore_mem>>)
      tpu.wait_dma2 semaphore(%run_scoped3A : memref<!tpu.dma_semaphore, #tpu.memory_space<semaphore_mem>>) src(%arg6 : memref<40xf32, #tpu.memory_space<hbm>>) dst(%arg21 : memref<40xf32, #tpu.memory_space<vmem>>)
      tpu.yield
    }) : () -> ()
    %scan3A = arith.constant 0 : i32
    %scan3A_3 = arith.constant 0 : i32
    %scan3A_4 = arith.constant 15 : i32
    %scan3A_5 = arith.addi %scan3A_3, %scan3A_4 : i32
    %scan3A_6 = arith.constant 1 : i32
    scf.for %scan3A_95 = %scan3A_3 to %scan3A_5 step %scan3A_6  : i32 {
      %mul3A_96 = arith.constant 624 : i32
      %mul3A_97 = arith.muli %arg1, %mul3A_96 : i32
      %mul3A_98 = arith.constant 40 : i32
      %mul3A_99 = arith.muli %scan3A_95, %mul3A_98 : i32
      %add3A_100 = arith.addi %mul3A_97, %mul3A_99 : i32
      "tpu.region"() ({
        %run_scoped3A = tpu.sem_alloc : memref<!tpu.dma_semaphore, #tpu.memory_space<semaphore_mem>>
        %dma_start3A_101 = tpu.memref_slice %arg7[%add3A_100] : memref<10000xi32, #tpu.memory_space<hbm>> -> memref<40xi32, #tpu.memory_space<hbm>>
        %dma_start3A_102 = tpu.memref_slice %arg7[%add3A_100] : memref<10000xi32, #tpu.memory_space<hbm>> -> memref<40xi32, #tpu.memory_space<hbm>>
        tpu.enqueue_dma source(%dma_start3A_102 : memref<40xi32, #tpu.memory_space<hbm>>) target(%arg22 : memref<40xi32, #tpu.memory_space<vmem>>) target_semaphore(%run_scoped3A : memref<!tpu.dma_semaphore, #tpu.memory_space<semaphore_mem>>)
        %dma_wait3A_103 = tpu.memref_slice %arg7[%add3A_100] : memref<10000xi32, #tpu.memory_space<hbm>> -> memref<40xi32, #tpu.memory_space<hbm>>
        %dma_wait3A_104 = tpu.memref_slice %arg7[%add3A_100] : memref<10000xi32, #tpu.memory_space<hbm>> -> memref<40xi32, #tpu.memory_space<hbm>>
        tpu.wait_dma2 semaphore(%run_scoped3A : memref<!tpu.dma_semaphore, #tpu.memory_space<semaphore_mem>>) src(%dma_wait3A_104 : memref<40xi32, #tpu.memory_space<hbm>>) dst(%arg22 : memref<40xi32, #tpu.memory_space<vmem>>)
        tpu.yield
      }) : () -> ()
      "tpu.region"() ({
        %run_scoped3A = tpu.sem_alloc : memref<!tpu.dma_semaphore, #tpu.memory_space<semaphore_mem>>
        %dma_start3A_101 = arith.constant 0 : i32
        %dma_start3A_102 = tpu.memref_slice %arg4[%add3A_100, %dma_start3A_101] : memref<10000x128xf32, #tpu.memory_space<hbm>> -> memref<40x128xf32, #tpu.memory_space<hbm>>
        %dma_start3A_103 = arith.constant 0 : i32
        %dma_start3A_104 = tpu.memref_slice %arg4[%add3A_100, %dma_start3A_103] : memref<10000x128xf32, #tpu.memory_space<hbm>> -> memref<40x128xf32, #tpu.memory_space<hbm>>
        tpu.enqueue_dma source(%dma_start3A_104 : memref<40x128xf32, #tpu.memory_space<hbm>>) target(%arg15 : memref<40x128xf32, #tpu.memory_space<vmem>>) target_semaphore(%run_scoped3A : memref<!tpu.dma_semaphore, #tpu.memory_space<semaphore_mem>>)
        %dma_wait3A_105 = arith.constant 0 : i32
        %dma_wait3A_106 = tpu.memref_slice %arg4[%add3A_100, %dma_wait3A_105] : memref<10000x128xf32, #tpu.memory_space<hbm>> -> memref<40x128xf32, #tpu.memory_space<hbm>>
        %dma_wait3A_107 = arith.constant 0 : i32
        %dma_wait3A_108 = tpu.memref_slice %arg4[%add3A_100, %dma_wait3A_107] : memref<10000x128xf32, #tpu.memory_space<hbm>> -> memref<40x128xf32, #tpu.memory_space<hbm>>
        tpu.wait_dma2 semaphore(%run_scoped3A : memref<!tpu.dma_semaphore, #tpu.memory_space<semaphore_mem>>) src(%dma_wait3A_108 : memref<40x128xf32, #tpu.memory_space<hbm>>) dst(%arg15 : memref<40x128xf32, #tpu.memory_space<vmem>>)
        tpu.yield
      }) : () -> ()
      "tpu.region"() ({
        %run_scoped3A = tpu.sem_alloc : memref<!tpu.dma_semaphore, #tpu.memory_space<semaphore_mem>>
        %dma_start3A_101 = arith.constant 0 : i32
        %dma_start3A_102 = arith.constant 0 : i32
        %dma_start3A_103 = tpu.memref_slice %arg39[%dma_start3A_101, %dma_start3A_102] : memref<10000x128xf32, #tpu.memory_space<vmem_shared>> -> memref<10000x128xf32, #tpu.memory_space<vmem_shared>>
        tpu.enqueue_indirect_dma source(%arg15 : memref<40x128xf32, #tpu.memory_space<vmem>>) target(%dma_start3A_103 : memref<10000x128xf32, #tpu.memory_space<vmem_shared>>) offsets(%arg22 : memref<40xi32, #tpu.memory_space<vmem>>) semaphore(%run_scoped3A : memref<!tpu.dma_semaphore, #tpu.memory_space<semaphore_mem>>)
        %dma_wait3A_104 = arith.constant 0 : i32
        %dma_wait3A_105 = arith.constant 0 : i32
        %dma_wait3A_106 = tpu.memref_slice %arg39[%dma_wait3A_104, %dma_wait3A_105] : memref<10000x128xf32, #tpu.memory_space<vmem_shared>> -> memref<10000x128xf32, #tpu.memory_space<vmem_shared>>
        tpu.wait_indirect_dma semaphore(%run_scoped3A : memref<!tpu.dma_semaphore, #tpu.memory_space<semaphore_mem>>) src(%arg15 : memref<40x128xf32, #tpu.memory_space<vmem>>) dst(%dma_wait3A_106 : memref<10000x128xf32, #tpu.memory_space<vmem_shared>>)
        tpu.yield
      }) : () -> ()
      "tpu.region"() ({
        %run_scoped3A = tpu.sem_alloc : memref<!tpu.dma_semaphore, #tpu.memory_space<semaphore_mem>>
        %dma_start3A_101 = tpu.memref_slice %arg5[%add3A_100] : memref<10000xf32, #tpu.memory_space<hbm>> -> memref<40xf32, #tpu.memory_space<hbm>>
        %dma_start3A_102 = tpu.memref_slice %arg5[%add3A_100] : memref<10000xf32, #tpu.memory_space<hbm>> -> memref<40xf32, #tpu.memory_space<hbm>>
        tpu.enqueue_dma source(%dma_start3A_102 : memref<40xf32, #tpu.memory_space<hbm>>) target(%arg20 : memref<40xf32, #tpu.memory_space<vmem>>) target_semaphore(%run_scoped3A : memref<!tpu.dma_semaphore, #tpu.memory_space<semaphore_mem>>)
        %dma_wait3A_103 = tpu.memref_slice %arg5[%add3A_100] : memref<10000xf32, #tpu.memory_space<hbm>> -> memref<40xf32, #tpu.memory_space<hbm>>
        %dma_wait3A_104 = tpu.memref_slice %arg5[%add3A_100] : memref<10000xf32, #tpu.memory_space<hbm>> -> memref<40xf32, #tpu.memory_space<hbm>>
        tpu.wait_dma2 semaphore(%run_scoped3A : memref<!tpu.dma_semaphore, #tpu.memory_space<semaphore_mem>>) src(%dma_wait3A_104 : memref<40xf32, #tpu.memory_space<hbm>>) dst(%arg20 : memref<40xf32, #tpu.memory_space<vmem>>)
        tpu.yield
      }) : () -> ()
      "tpu.region"() ({
        %run_scoped3A = tpu.sem_alloc : memref<!tpu.dma_semaphore, #tpu.memory_space<semaphore_mem>>
        %dma_start3A_101 = arith.constant 0 : i32
        %dma_start3A_102 = tpu.memref_slice %arg40[%dma_start3A_101] : memref<10000xf32, #tpu.memory_space<vmem_shared>> -> memref<10000xf32, #tpu.memory_space<vmem_shared>>
        tpu.enqueue_indirect_dma source(%arg20 : memref<40xf32, #tpu.memory_space<vmem>>) target(%dma_start3A_102 : memref<10000xf32, #tpu.memory_space<vmem_shared>>) offsets(%arg22 : memref<40xi32, #tpu.memory_space<vmem>>) semaphore(%run_scoped3A : memref<!tpu.dma_semaphore, #tpu.memory_space<semaphore_mem>>)
        %dma_wait3A_103 = arith.constant 0 : i32
        %dma_wait3A_104 = tpu.memref_slice %arg40[%dma_wait3A_103] : memref<10000xf32, #tpu.memory_space<vmem_shared>> -> memref<10000xf32, #tpu.memory_space<vmem_shared>>
        tpu.wait_indirect_dma semaphore(%run_scoped3A : memref<!tpu.dma_semaphore, #tpu.memory_space<semaphore_mem>>) src(%arg20 : memref<40xf32, #tpu.memory_space<vmem>>) dst(%dma_wait3A_104 : memref<10000xf32, #tpu.memory_space<vmem_shared>>)
        tpu.yield
      }) : () -> ()
    }
    %scan3A_7 = arith.constant 15 : i32
    %mul3A_8 = arith.constant 624 : i32
    %mul3A_9 = arith.muli %arg1, %mul3A_8 : i32
    %add3A_10 = arith.constant 600 : i32
    %add3A_11 = arith.addi %mul3A_9, %add3A_10 : i32
    "tpu.region"() ({
      %run_scoped3A = tpu.sem_alloc : memref<!tpu.dma_semaphore, #tpu.memory_space<semaphore_mem>>
      %dma_start3A_95 = tpu.memref_slice %arg7[%add3A_11] : memref<10000xi32, #tpu.memory_space<hbm>> -> memref<24xi32, #tpu.memory_space<hbm>>
      %dma_start3A_96 = tpu.memref_slice %arg7[%add3A_11] : memref<10000xi32, #tpu.memory_space<hbm>> -> memref<24xi32, #tpu.memory_space<hbm>>
      tpu.enqueue_dma source(%dma_start3A_96 : memref<24xi32, #tpu.memory_space<hbm>>) target(%arg23 : memref<24xi32, #tpu.memory_space<vmem>>) target_semaphore(%run_scoped3A : memref<!tpu.dma_semaphore, #tpu.memory_space<semaphore_mem>>)
      %dma_wait3A_97 = tpu.memref_slice %arg7[%add3A_11] : memref<10000xi32, #tpu.memory_space<hbm>> -> memref<24xi32, #tpu.memory_space<hbm>>
      %dma_wait3A_98 = tpu.memref_slice %arg7[%add3A_11] : memref<10000xi32, #tpu.memory_space<hbm>> -> memref<24xi32, #tpu.memory_space<hbm>>
      tpu.wait_dma2 semaphore(%run_scoped3A : memref<!tpu.dma_semaphore, #tpu.memory_space<semaphore_mem>>) src(%dma_wait3A_98 : memref<24xi32, #tpu.memory_space<hbm>>) dst(%arg23 : memref<24xi32, #tpu.memory_space<vmem>>)
      tpu.yield
    }) : () -> ()
    "tpu.region"() ({
      %run_scoped3A = tpu.sem_alloc : memref<!tpu.dma_semaphore, #tpu.memory_space<semaphore_mem>>
      %dma_start3A_95 = arith.constant 0 : i32
      %dma_start3A_96 = tpu.memref_slice %arg4[%add3A_11, %dma_start3A_95] : memref<10000x128xf32, #tpu.memory_space<hbm>> -> memref<24x128xf32, #tpu.memory_space<hbm>>
      %dma_start3A_97 = arith.constant 0 : i32
      %dma_start3A_98 = tpu.memref_slice %arg4[%add3A_11, %dma_start3A_97] : memref<10000x128xf32, #tpu.memory_space<hbm>> -> memref<24x128xf32, #tpu.memory_space<hbm>>
      tpu.enqueue_dma source(%dma_start3A_98 : memref<24x128xf32, #tpu.memory_space<hbm>>) target(%arg25 : memref<24x128xf32, #tpu.memory_space<vmem>>) target_semaphore(%run_scoped3A : memref<!tpu.dma_semaphore, #tpu.memory_space<semaphore_mem>>)
      %dma_wait3A_99 = arith.constant 0 : i32
      %dma_wait3A_100 = tpu.memref_slice %arg4[%add3A_11, %dma_wait3A_99] : memref<10000x128xf32, #tpu.memory_space<hbm>> -> memref<24x128xf32, #tpu.memory_space<hbm>>
      %dma_wait3A_101 = arith.constant 0 : i32
      %dma_wait3A_102 = tpu.memref_slice %arg4[%add3A_11, %dma_wait3A_101] : memref<10000x128xf32, #tpu.memory_space<hbm>> -> memref<24x128xf32, #tpu.memory_space<hbm>>
      tpu.wait_dma2 semaphore(%run_scoped3A : memref<!tpu.dma_semaphore, #tpu.memory_space<semaphore_mem>>) src(%dma_wait3A_102 : memref<24x128xf32, #tpu.memory_space<hbm>>) dst(%arg25 : memref<24x128xf32, #tpu.memory_space<vmem>>)
      tpu.yield
    }) : () -> ()
    "tpu.region"() ({
      %run_scoped3A = tpu.sem_alloc : memref<!tpu.dma_semaphore, #tpu.memory_space<semaphore_mem>>
      %dma_start3A_95 = arith.constant 0 : i32
      %dma_start3A_96 = arith.constant 0 : i32
      %dma_start3A_97 = tpu.memref_slice %arg39[%dma_start3A_95, %dma_start3A_96] : memref<10000x128xf32, #tpu.memory_space<vmem_shared>> -> memref<10000x128xf32, #tpu.memory_space<vmem_shared>>
      tpu.enqueue_indirect_dma source(%arg25 : memref<24x128xf32, #tpu.memory_space<vmem>>) target(%dma_start3A_97 : memref<10000x128xf32, #tpu.memory_space<vmem_shared>>) offsets(%arg23 : memref<24xi32, #tpu.memory_space<vmem>>) semaphore(%run_scoped3A : memref<!tpu.dma_semaphore, #tpu.memory_space<semaphore_mem>>)
      %dma_wait3A_98 = arith.constant 0 : i32
      %dma_wait3A_99 = arith.constant 0 : i32
      %dma_wait3A_100 = tpu.memref_slice %arg39[%dma_wait3A_98, %dma_wait3A_99] : memref<10000x128xf32, #tpu.memory_space<vmem_shared>> -> memref<10000x128xf32, #tpu.memory_space<vmem_shared>>
      tpu.wait_indirect_dma semaphore(%run_scoped3A : memref<!tpu.dma_semaphore, #tpu.memory_space<semaphore_mem>>) src(%arg25 : memref<24x128xf32, #tpu.memory_space<vmem>>) dst(%dma_wait3A_100 : memref<10000x128xf32, #tpu.memory_space<vmem_shared>>)
      tpu.yield
    }) : () -> ()
    "tpu.region"() ({
      %run_scoped3A = tpu.sem_alloc : memref<!tpu.dma_semaphore, #tpu.memory_space<semaphore_mem>>
      %dma_start3A_95 = tpu.memref_slice %arg5[%add3A_11] : memref<10000xf32, #tpu.memory_space<hbm>> -> memref<24xf32, #tpu.memory_space<hbm>>
      %dma_start3A_96 = tpu.memref_slice %arg5[%add3A_11] : memref<10000xf32, #tpu.memory_space<hbm>> -> memref<24xf32, #tpu.memory_space<hbm>>
      tpu.enqueue_dma source(%dma_start3A_96 : memref<24xf32, #tpu.memory_space<hbm>>) target(%arg27 : memref<24xf32, #tpu.memory_space<vmem>>) target_semaphore(%run_scoped3A : memref<!tpu.dma_semaphore, #tpu.memory_space<semaphore_mem>>)
      %dma_wait3A_97 = tpu.memref_slice %arg5[%add3A_11] : memref<10000xf32, #tpu.memory_space<hbm>> -> memref<24xf32, #tpu.memory_space<hbm>>
      %dma_wait3A_98 = tpu.memref_slice %arg5[%add3A_11] : memref<10000xf32, #tpu.memory_space<hbm>> -> memref<24xf32, #tpu.memory_space<hbm>>
      tpu.wait_dma2 semaphore(%run_scoped3A : memref<!tpu.dma_semaphore, #tpu.memory_space<semaphore_mem>>) src(%dma_wait3A_98 : memref<24xf32, #tpu.memory_space<hbm>>) dst(%arg27 : memref<24xf32, #tpu.memory_space<vmem>>)
      tpu.yield
    }) : () -> ()
    "tpu.region"() ({
      %run_scoped3A = tpu.sem_alloc : memref<!tpu.dma_semaphore, #tpu.memory_space<semaphore_mem>>
      %dma_start3A_95 = arith.constant 0 : i32
      %dma_start3A_96 = tpu.memref_slice %arg40[%dma_start3A_95] : memref<10000xf32, #tpu.memory_space<vmem_shared>> -> memref<10000xf32, #tpu.memory_space<vmem_shared>>
      tpu.enqueue_indirect_dma source(%arg27 : memref<24xf32, #tpu.memory_space<vmem>>) target(%dma_start3A_96 : memref<10000xf32, #tpu.memory_space<vmem_shared>>) offsets(%arg23 : memref<24xi32, #tpu.memory_space<vmem>>) semaphore(%run_scoped3A : memref<!tpu.dma_semaphore, #tpu.memory_space<semaphore_mem>>)
      %dma_wait3A_97 = arith.constant 0 : i32
      %dma_wait3A_98 = tpu.memref_slice %arg40[%dma_wait3A_97] : memref<10000xf32, #tpu.memory_space<vmem_shared>> -> memref<10000xf32, #tpu.memory_space<vmem_shared>>
      tpu.wait_indirect_dma semaphore(%run_scoped3A : memref<!tpu.dma_semaphore, #tpu.memory_space<semaphore_mem>>) src(%arg27 : memref<24xf32, #tpu.memory_space<vmem>>) dst(%dma_wait3A_98 : memref<10000xf32, #tpu.memory_space<vmem_shared>>)
      tpu.yield
    }) : () -> ()
    %eq3A = arith.constant 0 : i32
    %eq3A_12 = arith.cmpi eq, %arg1, %eq3A : i32
    %convert_element_type3A = arith.extui %eq3A_12 : i1 to i32
    %cond3A = arith.constant 0 : i32
    %cond3A_13 = arith.cmpi ne, %convert_element_type3A, %cond3A : i32
    scf.if %cond3A_13 {
      "tpu.region"() ({
        %run_scoped3A = tpu.sem_alloc : memref<!tpu.dma_semaphore, #tpu.memory_space<semaphore_mem>>
        %dma_start3A_95 = arith.constant 9984 : i32
        %dma_start3A_96 = tpu.memref_slice %arg7[%dma_start3A_95] : memref<10000xi32, #tpu.memory_space<hbm>> -> memref<16xi32, #tpu.memory_space<hbm>>
        %dma_start3A_97 = arith.constant 9984 : i32
        %dma_start3A_98 = tpu.memref_slice %arg7[%dma_start3A_97] : memref<10000xi32, #tpu.memory_space<hbm>> -> memref<16xi32, #tpu.memory_space<hbm>>
        tpu.enqueue_dma source(%dma_start3A_98 : memref<16xi32, #tpu.memory_space<hbm>>) target(%arg24 : memref<16xi32, #tpu.memory_space<vmem>>) target_semaphore(%run_scoped3A : memref<!tpu.dma_semaphore, #tpu.memory_space<semaphore_mem>>)
        %dma_wait3A_99 = arith.constant 9984 : i32
        %dma_wait3A_100 = tpu.memref_slice %arg7[%dma_wait3A_99] : memref<10000xi32, #tpu.memory_space<hbm>> -> memref<16xi32, #tpu.memory_space<hbm>>
        %dma_wait3A_101 = arith.constant 9984 : i32
        %dma_wait3A_102 = tpu.memref_slice %arg7[%dma_wait3A_101] : memref<10000xi32, #tpu.memory_space<hbm>> -> memref<16xi32, #tpu.memory_space<hbm>>
        tpu.wait_dma2 semaphore(%run_scoped3A : memref<!tpu.dma_semaphore, #tpu.memory_space<semaphore_mem>>) src(%dma_wait3A_102 : memref<16xi32, #tpu.memory_space<hbm>>) dst(%arg24 : memref<16xi32, #tpu.memory_space<vmem>>)
        tpu.yield
      }) : () -> ()
      "tpu.region"() ({
        %run_scoped3A = tpu.sem_alloc : memref<!tpu.dma_semaphore, #tpu.memory_space<semaphore_mem>>
        %dma_start3A_95 = arith.constant 9984 : i32
        %dma_start3A_96 = arith.constant 0 : i32
        %dma_start3A_97 = tpu.memref_slice %arg4[%dma_start3A_95, %dma_start3A_96] : memref<10000x128xf32, #tpu.memory_space<hbm>> -> memref<16x128xf32, #tpu.memory_space<hbm>>
        %dma_start3A_98 = arith.constant 9984 : i32
        %dma_start3A_99 = arith.constant 0 : i32
        %dma_start3A_100 = tpu.memref_slice %arg4[%dma_start3A_98, %dma_start3A_99] : memref<10000x128xf32, #tpu.memory_space<hbm>> -> memref<16x128xf32, #tpu.memory_space<hbm>>
        tpu.enqueue_dma source(%dma_start3A_100 : memref<16x128xf32, #tpu.memory_space<hbm>>) target(%arg26 : memref<16x128xf32, #tpu.memory_space<vmem>>) target_semaphore(%run_scoped3A : memref<!tpu.dma_semaphore, #tpu.memory_space<semaphore_mem>>)
        %dma_wait3A_101 = arith.constant 9984 : i32
        %dma_wait3A_102 = arith.constant 0 : i32
        %dma_wait3A_103 = tpu.memref_slice %arg4[%dma_wait3A_101, %dma_wait3A_102] : memref<10000x128xf32, #tpu.memory_space<hbm>> -> memref<16x128xf32, #tpu.memory_space<hbm>>
        %dma_wait3A_104 = arith.constant 9984 : i32
        %dma_wait3A_105 = arith.constant 0 : i32
        %dma_wait3A_106 = tpu.memref_slice %arg4[%dma_wait3A_104, %dma_wait3A_105] : memref<10000x128xf32, #tpu.memory_space<hbm>> -> memref<16x128xf32, #tpu.memory_space<hbm>>
        tpu.wait_dma2 semaphore(%run_scoped3A : memref<!tpu.dma_semaphore, #tpu.memory_space<semaphore_mem>>) src(%dma_wait3A_106 : memref<16x128xf32, #tpu.memory_space<hbm>>) dst(%arg26 : memref<16x128xf32, #tpu.memory_space<vmem>>)
        tpu.yield
      }) : () -> ()
      "tpu.region"() ({
        %run_scoped3A = tpu.sem_alloc : memref<!tpu.dma_semaphore, #tpu.memory_space<semaphore_mem>>
        %dma_start3A_95 = arith.constant 0 : i32
        %dma_start3A_96 = arith.constant 0 : i32
        %dma_start3A_97 = tpu.memref_slice %arg39[%dma_start3A_95, %dma_start3A_96] : memref<10000x128xf32, #tpu.memory_space<vmem_shared>> -> memref<10000x128xf32, #tpu.memory_space<vmem_shared>>
        tpu.enqueue_indirect_dma source(%arg26 : memref<16x128xf32, #tpu.memory_space<vmem>>) target(%dma_start3A_97 : memref<10000x128xf32, #tpu.memory_space<vmem_shared>>) offsets(%arg24 : memref<16xi32, #tpu.memory_space<vmem>>) semaphore(%run_scoped3A : memref<!tpu.dma_semaphore, #tpu.memory_space<semaphore_mem>>)
        %dma_wait3A_98 = arith.constant 0 : i32
        %dma_wait3A_99 = arith.constant 0 : i32
        %dma_wait3A_100 = tpu.memref_slice %arg39[%dma_wait3A_98, %dma_wait3A_99] : memref<10000x128xf32, #tpu.memory_space<vmem_shared>> -> memref<10000x128xf32, #tpu.memory_space<vmem_shared>>
        tpu.wait_indirect_dma semaphore(%run_scoped3A : memref<!tpu.dma_semaphore, #tpu.memory_space<semaphore_mem>>) src(%arg26 : memref<16x128xf32, #tpu.memory_space<vmem>>) dst(%dma_wait3A_100 : memref<10000x128xf32, #tpu.memory_space<vmem_shared>>)
        tpu.yield
      }) : () -> ()
      "tpu.region"() ({
        %run_scoped3A = tpu.sem_alloc : memref<!tpu.dma_semaphore, #tpu.memory_space<semaphore_mem>>
        %dma_start3A_95 = arith.constant 9984 : i32
        %dma_start3A_96 = tpu.memref_slice %arg5[%dma_start3A_95] : memref<10000xf32, #tpu.memory_space<hbm>> -> memref<16xf32, #tpu.memory_space<hbm>>
        %dma_start3A_97 = arith.constant 9984 : i32
        %dma_start3A_98 = tpu.memref_slice %arg5[%dma_start3A_97] : memref<10000xf32, #tpu.memory_space<hbm>> -> memref<16xf32, #tpu.memory_space<hbm>>
        tpu.enqueue_dma source(%dma_start3A_98 : memref<16xf32, #tpu.memory_space<hbm>>) target(%arg28 : memref<16xf32, #tpu.memory_space<vmem>>) target_semaphore(%run_scoped3A : memref<!tpu.dma_semaphore, #tpu.memory_space<semaphore_mem>>)
        %dma_wait3A_99 = arith.constant 9984 : i32
        %dma_wait3A_100 = tpu.memref_slice %arg5[%dma_wait3A_99] : memref<10000xf32, #tpu.memory_space<hbm>> -> memref<16xf32, #tpu.memory_space<hbm>>
        %dma_wait3A_101 = arith.constant 9984 : i32
        %dma_wait3A_102 = tpu.memref_slice %arg5[%dma_wait3A_101] : memref<10000xf32, #tpu.memory_space<hbm>> -> memref<16xf32, #tpu.memory_space<hbm>>
        tpu.wait_dma2 semaphore(%run_scoped3A : memref<!tpu.dma_semaphore, #tpu.memory_space<semaphore_mem>>) src(%dma_wait3A_102 : memref<16xf32, #tpu.memory_space<hbm>>) dst(%arg28 : memref<16xf32, #tpu.memory_space<vmem>>)
        tpu.yield
      }) : () -> ()
      "tpu.region"() ({
        %run_scoped3A = tpu.sem_alloc : memref<!tpu.dma_semaphore, #tpu.memory_space<semaphore_mem>>
        %dma_start3A_95 = arith.constant 0 : i32
        %dma_start3A_96 = tpu.memref_slice %arg40[%dma_start3A_95] : memref<10000xf32, #tpu.memory_space<vmem_shared>> -> memref<10000xf32, #tpu.memory_space<vmem_shared>>
        tpu.enqueue_indirect_dma source(%arg28 : memref<16xf32, #tpu.memory_space<vmem>>) target(%dma_start3A_96 : memref<10000xf32, #tpu.memory_space<vmem_shared>>) offsets(%arg24 : memref<16xi32, #tpu.memory_space<vmem>>) semaphore(%run_scoped3A : memref<!tpu.dma_semaphore, #tpu.memory_space<semaphore_mem>>)
        %dma_wait3A_97 = arith.constant 0 : i32
        %dma_wait3A_98 = tpu.memref_slice %arg40[%dma_wait3A_97] : memref<10000xf32, #tpu.memory_space<vmem_shared>> -> memref<10000xf32, #tpu.memory_space<vmem_shared>>
        tpu.wait_indirect_dma semaphore(%run_scoped3A : memref<!tpu.dma_semaphore, #tpu.memory_space<semaphore_mem>>) src(%arg28 : memref<16xf32, #tpu.memory_space<vmem>>) dst(%dma_wait3A_98 : memref<10000xf32, #tpu.memory_space<vmem_shared>>)
        tpu.yield
      }) : () -> ()
    } else {
    }
    %barrier3A = arith.constant 0 : index
    tpu.barrier barrier_id(%barrier3A)
    %add3A_14 = arith.constant 0 : i32
    %add3A_15 = arith.addi %mul3A_2, %add3A_14 : i32
    %dma_start3A = tpu.memref_slice %arg3[%add3A_15] : memref<160000xi32, #tpu.memory_space<hbm>> -> memref<40xi32, #tpu.memory_space<hbm>>
    %dma_start3A_16 = tpu.memref_slice %arg3[%add3A_15] : memref<160000xi32, #tpu.memory_space<hbm>> -> memref<40xi32, #tpu.memory_space<hbm>>
    tpu.enqueue_dma source(%dma_start3A_16 : memref<40xi32, #tpu.memory_space<hbm>>) target(%arg10 : memref<40xi32, #tpu.memory_space<vmem>>) target_semaphore(%arg29 : memref<!tpu.dma_semaphore, #tpu.memory_space<semaphore_mem>>)
    %dma_start3A_17 = arith.constant 0 : i32
    %dma_start3A_18 = tpu.memref_slice %arg2[%add3A_15, %dma_start3A_17] : memref<160000x128xf32, #tpu.memory_space<hbm>> -> memref<40x128xf32, #tpu.memory_space<hbm>>
    %dma_start3A_19 = arith.constant 0 : i32
    %dma_start3A_20 = tpu.memref_slice %arg2[%add3A_15, %dma_start3A_19] : memref<160000x128xf32, #tpu.memory_space<hbm>> -> memref<40x128xf32, #tpu.memory_space<hbm>>
    tpu.enqueue_dma source(%dma_start3A_20 : memref<40x128xf32, #tpu.memory_space<hbm>>) target(%arg15 : memref<40x128xf32, #tpu.memory_space<vmem>>) target_semaphore(%arg29 : memref<!tpu.dma_semaphore, #tpu.memory_space<semaphore_mem>>)
    %add3A_21 = arith.constant 40 : i32
    %add3A_22 = arith.addi %mul3A_2, %add3A_21 : i32
    %dma_start3A_23 = tpu.memref_slice %arg3[%add3A_22] : memref<160000xi32, #tpu.memory_space<hbm>> -> memref<40xi32, #tpu.memory_space<hbm>>
    %dma_start3A_24 = tpu.memref_slice %arg3[%add3A_22] : memref<160000xi32, #tpu.memory_space<hbm>> -> memref<40xi32, #tpu.memory_space<hbm>>
    tpu.enqueue_dma source(%dma_start3A_24 : memref<40xi32, #tpu.memory_space<hbm>>) target(%arg11 : memref<40xi32, #tpu.memory_space<vmem>>) target_semaphore(%arg30 : memref<!tpu.dma_semaphore, #tpu.memory_space<semaphore_mem>>)
    %dma_start3A_25 = arith.constant 0 : i32
    %dma_start3A_26 = tpu.memref_slice %arg2[%add3A_22, %dma_start3A_25] : memref<160000x128xf32, #tpu.memory_space<hbm>> -> memref<40x128xf32, #tpu.memory_space<hbm>>
    %dma_start3A_27 = arith.constant 0 : i32
    %dma_start3A_28 = tpu.memref_slice %arg2[%add3A_22, %dma_start3A_27] : memref<160000x128xf32, #tpu.memory_space<hbm>> -> memref<40x128xf32, #tpu.memory_space<hbm>>
    tpu.enqueue_dma source(%dma_start3A_28 : memref<40x128xf32, #tpu.memory_space<hbm>>) target(%arg16 : memref<40x128xf32, #tpu.memory_space<vmem>>) target_semaphore(%arg30 : memref<!tpu.dma_semaphore, #tpu.memory_space<semaphore_mem>>)
    %add3A_29 = arith.constant 80 : i32
    %add3A_30 = arith.addi %mul3A_2, %add3A_29 : i32
    %dma_start3A_31 = tpu.memref_slice %arg3[%add3A_30] : memref<160000xi32, #tpu.memory_space<hbm>> -> memref<40xi32, #tpu.memory_space<hbm>>
    %dma_start3A_32 = tpu.memref_slice %arg3[%add3A_30] : memref<160000xi32, #tpu.memory_space<hbm>> -> memref<40xi32, #tpu.memory_space<hbm>>
    tpu.enqueue_dma source(%dma_start3A_32 : memref<40xi32, #tpu.memory_space<hbm>>) target(%arg12 : memref<40xi32, #tpu.memory_space<vmem>>) target_semaphore(%arg31 : memref<!tpu.dma_semaphore, #tpu.memory_space<semaphore_mem>>)
    %dma_start3A_33 = arith.constant 0 : i32
    %dma_start3A_34 = tpu.memref_slice %arg2[%add3A_30, %dma_start3A_33] : memref<160000x128xf32, #tpu.memory_space<hbm>> -> memref<40x128xf32, #tpu.memory_space<hbm>>
    %dma_start3A_35 = arith.constant 0 : i32
    %dma_start3A_36 = tpu.memref_slice %arg2[%add3A_30, %dma_start3A_35] : memref<160000x128xf32, #tpu.memory_space<hbm>> -> memref<40x128xf32, #tpu.memory_space<hbm>>
    tpu.enqueue_dma source(%dma_start3A_36 : memref<40x128xf32, #tpu.memory_space<hbm>>) target(%arg17 : memref<40x128xf32, #tpu.memory_space<vmem>>) target_semaphore(%arg31 : memref<!tpu.dma_semaphore, #tpu.memory_space<semaphore_mem>>)
    %add3A_37 = arith.constant 120 : i32
    %add3A_38 = arith.addi %mul3A_2, %add3A_37 : i32
    %dma_start3A_39 = tpu.memref_slice %arg3[%add3A_38] : memref<160000xi32, #tpu.memory_space<hbm>> -> memref<40xi32, #tpu.memory_space<hbm>>
    %dma_start3A_40 = tpu.memref_slice %arg3[%add3A_38] : memref<160000xi32, #tpu.memory_space<hbm>> -> memref<40xi32, #tpu.memory_space<hbm>>
    tpu.enqueue_dma source(%dma_start3A_40 : memref<40xi32, #tpu.memory_space<hbm>>) target(%arg13 : memref<40xi32, #tpu.memory_space<vmem>>) target_semaphore(%arg32 : memref<!tpu.dma_semaphore, #tpu.memory_space<semaphore_mem>>)
    %dma_start3A_41 = arith.constant 0 : i32
    %dma_start3A_42 = tpu.memref_slice %arg2[%add3A_38, %dma_start3A_41] : memref<160000x128xf32, #tpu.memory_space<hbm>> -> memref<40x128xf32, #tpu.memory_space<hbm>>
    %dma_start3A_43 = arith.constant 0 : i32
    %dma_start3A_44 = tpu.memref_slice %arg2[%add3A_38, %dma_start3A_43] : memref<160000x128xf32, #tpu.memory_space<hbm>> -> memref<40x128xf32, #tpu.memory_space<hbm>>
    tpu.enqueue_dma source(%dma_start3A_44 : memref<40x128xf32, #tpu.memory_space<hbm>>) target(%arg18 : memref<40x128xf32, #tpu.memory_space<vmem>>) target_semaphore(%arg32 : memref<!tpu.dma_semaphore, #tpu.memory_space<semaphore_mem>>)
    %add3A_45 = arith.constant 160 : i32
    %add3A_46 = arith.addi %mul3A_2, %add3A_45 : i32
    %dma_start3A_47 = tpu.memref_slice %arg3[%add3A_46] : memref<160000xi32, #tpu.memory_space<hbm>> -> memref<40xi32, #tpu.memory_space<hbm>>
    %dma_start3A_48 = tpu.memref_slice %arg3[%add3A_46] : memref<160000xi32, #tpu.memory_space<hbm>> -> memref<40xi32, #tpu.memory_space<hbm>>
    tpu.enqueue_dma source(%dma_start3A_48 : memref<40xi32, #tpu.memory_space<hbm>>) target(%arg14 : memref<40xi32, #tpu.memory_space<vmem>>) target_semaphore(%arg33 : memref<!tpu.dma_semaphore, #tpu.memory_space<semaphore_mem>>)
    %dma_start3A_49 = arith.constant 0 : i32
    %dma_start3A_50 = tpu.memref_slice %arg2[%add3A_46, %dma_start3A_49] : memref<160000x128xf32, #tpu.memory_space<hbm>> -> memref<40x128xf32, #tpu.memory_space<hbm>>
    %dma_start3A_51 = arith.constant 0 : i32
    %dma_start3A_52 = tpu.memref_slice %arg2[%add3A_46, %dma_start3A_51] : memref<160000x128xf32, #tpu.memory_space<hbm>> -> memref<40x128xf32, #tpu.memory_space<hbm>>
    tpu.enqueue_dma source(%dma_start3A_52 : memref<40x128xf32, #tpu.memory_space<hbm>>) target(%arg19 : memref<40x128xf32, #tpu.memory_space<vmem>>) target_semaphore(%arg33 : memref<!tpu.dma_semaphore, #tpu.memory_space<semaphore_mem>>)
    %scan3A_53 = arith.constant 0 : i32
    %scan3A_54 = arith.constant 0 : i32
    %scan3A_55 = arith.constant 25 : i32
    %scan3A_56 = arith.addi %scan3A_54, %scan3A_55 : i32
    %scan3A_57 = arith.constant 1 : i32
    scf.for %scan3A_95 = %scan3A_54 to %scan3A_56 step %scan3A_57  : i32 {
      %mul3A_96 = arith.constant 5 : i32
      %mul3A_97 = arith.muli %scan3A_95, %mul3A_96 : i32
      %add3A_98 = arith.constant 0 : i32
      %add3A_99 = arith.addi %mul3A_97, %add3A_98 : i32
      %dma_wait3A_100 = arith.constant 0 : i32
      %dma_wait3A_101 = tpu.memref_slice %arg3[%dma_wait3A_100] : memref<160000xi32, #tpu.memory_space<hbm>> -> memref<40xi32, #tpu.memory_space<hbm>>
      %dma_wait3A_102 = arith.constant 0 : i32
      %dma_wait3A_103 = tpu.memref_slice %arg3[%dma_wait3A_102] : memref<160000xi32, #tpu.memory_space<hbm>> -> memref<40xi32, #tpu.memory_space<hbm>>
      tpu.wait_dma2 semaphore(%arg29 : memref<!tpu.dma_semaphore, #tpu.memory_space<semaphore_mem>>) src(%dma_wait3A_103 : memref<40xi32, #tpu.memory_space<hbm>>) dst(%arg10 : memref<40xi32, #tpu.memory_space<vmem>>)
      %dma_wait3A_104 = arith.constant 0 : i32
      %dma_wait3A_105 = arith.constant 0 : i32
      %dma_wait3A_106 = tpu.memref_slice %arg2[%dma_wait3A_104, %dma_wait3A_105] : memref<160000x128xf32, #tpu.memory_space<hbm>> -> memref<40x128xf32, #tpu.memory_space<hbm>>
      %dma_wait3A_107 = arith.constant 0 : i32
      %dma_wait3A_108 = arith.constant 0 : i32
      %dma_wait3A_109 = tpu.memref_slice %arg2[%dma_wait3A_107, %dma_wait3A_108] : memref<160000x128xf32, #tpu.memory_space<hbm>> -> memref<40x128xf32, #tpu.memory_space<hbm>>
      tpu.wait_dma2 semaphore(%arg29 : memref<!tpu.dma_semaphore, #tpu.memory_space<semaphore_mem>>) src(%dma_wait3A_109 : memref<40x128xf32, #tpu.memory_space<hbm>>) dst(%arg15 : memref<40x128xf32, #tpu.memory_space<vmem>>)
      %dma_start3A_110 = arith.constant 0 : i32
      %dma_start3A_111 = arith.constant 0 : i32
      %dma_start3A_112 = tpu.memref_slice %arg39[%dma_start3A_110, %dma_start3A_111] : memref<10000x128xf32, #tpu.memory_space<vmem_shared>> -> memref<10000x128xf32, #tpu.memory_space<vmem_shared>>
      tpu.enqueue_indirect_dma source(%arg15 : memref<40x128xf32, #tpu.memory_space<vmem>>) target(%dma_start3A_112 : memref<10000x128xf32, #tpu.memory_space<vmem_shared>>) offsets(%arg10 : memref<40xi32, #tpu.memory_space<vmem>>) semaphore(%arg34 : memref<!tpu.dma_semaphore, #tpu.memory_space<semaphore_mem>>) {add = true}
      %dma_start3A_113 = arith.constant 0 : i32
      %dma_start3A_114 = tpu.memref_slice %arg40[%dma_start3A_113] : memref<10000xf32, #tpu.memory_space<vmem_shared>> -> memref<10000xf32, #tpu.memory_space<vmem_shared>>
      tpu.enqueue_indirect_dma source(%arg21 : memref<40xf32, #tpu.memory_space<vmem>>) target(%dma_start3A_114 : memref<10000xf32, #tpu.memory_space<vmem_shared>>) offsets(%arg10 : memref<40xi32, #tpu.memory_space<vmem>>) semaphore(%arg34 : memref<!tpu.dma_semaphore, #tpu.memory_space<semaphore_mem>>) {add = true}
      %sub3A = arith.constant 3 : i32
      %sub3A_115 = arith.subi %add3A_99, %sub3A : i32
      %ge3A = arith.constant 0 : i32
      %ge3A_116 = arith.cmpi sge, %sub3A_115, %ge3A : i32
      %convert_element_type3A_117 = arith.extui %ge3A_116 : i1 to i32
      %cond3A_118 = arith.constant 0 : i32
      %cond3A_119 = arith.cmpi ne, %convert_element_type3A_117, %cond3A_118 : i32
      scf.if %cond3A_119 {
        %dma_wait3A_224 = arith.constant 0 : i32
        %dma_wait3A_225 = arith.constant 0 : i32
        %dma_wait3A_226 = tpu.memref_slice %arg39[%dma_wait3A_224, %dma_wait3A_225] : memref<10000x128xf32, #tpu.memory_space<vmem_shared>> -> memref<10000x128xf32, #tpu.memory_space<vmem_shared>>
        tpu.wait_indirect_dma semaphore(%arg36 : memref<!tpu.dma_semaphore, #tpu.memory_space<semaphore_mem>>) src(%arg17 : memref<40x128xf32, #tpu.memory_space<vmem>>) dst(%dma_wait3A_226 : memref<10000x128xf32, #tpu.memory_space<vmem_shared>>)
        %dma_wait3A_227 = arith.constant 0 : i32
        %dma_wait3A_228 = tpu.memref_slice %arg40[%dma_wait3A_227] : memref<10000xf32, #tpu.memory_space<vmem_shared>> -> memref<10000xf32, #tpu.memory_space<vmem_shared>>
        tpu.wait_indirect_dma semaphore(%arg36 : memref<!tpu.dma_semaphore, #tpu.memory_space<semaphore_mem>>) src(%arg21 : memref<40xf32, #tpu.memory_space<vmem>>) dst(%dma_wait3A_228 : memref<10000xf32, #tpu.memory_space<vmem_shared>>)
        %add3A_229 = arith.constant 5 : i32
        %add3A_230 = arith.addi %sub3A_115, %add3A_229 : i32
        %lt3A = arith.constant 125 : i32
        %lt3A_231 = arith.cmpi slt, %add3A_230, %lt3A : i32
        %convert_element_type3A_232 = arith.extui %lt3A_231 : i1 to i32
        %cond3A_233 = arith.constant 0 : i32
        %cond3A_234 = arith.cmpi ne, %convert_element_type3A_232, %cond3A_233 : i32
        scf.if %cond3A_234 {
          %add3A_235 = arith.constant 5 : i32
          %add3A_236 = arith.addi %sub3A_115, %add3A_235 : i32
          %mul3A_237 = arith.constant 40 : i32
          %mul3A_238 = arith.muli %add3A_236, %mul3A_237 : i32
          %add3A_239 = arith.addi %mul3A_2, %mul3A_238 : i32
          %dma_start3A_240 = tpu.memref_slice %arg3[%add3A_239] : memref<160000xi32, #tpu.memory_space<hbm>> -> memref<40xi32, #tpu.memory_space<hbm>>
          %dma_start3A_241 = tpu.memref_slice %arg3[%add3A_239] : memref<160000xi32, #tpu.memory_space<hbm>> -> memref<40xi32, #tpu.memory_space<hbm>>
          tpu.enqueue_dma source(%dma_start3A_241 : memref<40xi32, #tpu.memory_space<hbm>>) target(%arg12 : memref<40xi32, #tpu.memory_space<vmem>>) target_semaphore(%arg31 : memref<!tpu.dma_semaphore, #tpu.memory_space<semaphore_mem>>)
          %dma_start3A_242 = arith.constant 0 : i32
          %dma_start3A_243 = tpu.memref_slice %arg2[%add3A_239, %dma_start3A_242] : memref<160000x128xf32, #tpu.memory_space<hbm>> -> memref<40x128xf32, #tpu.memory_space<hbm>>
          %dma_start3A_244 = arith.constant 0 : i32
          %dma_start3A_245 = tpu.memref_slice %arg2[%add3A_239, %dma_start3A_244] : memref<160000x128xf32, #tpu.memory_space<hbm>> -> memref<40x128xf32, #tpu.memory_space<hbm>>
          tpu.enqueue_dma source(%dma_start3A_245 : memref<40x128xf32, #tpu.memory_space<hbm>>) target(%arg17 : memref<40x128xf32, #tpu.memory_space<vmem>>) target_semaphore(%arg31 : memref<!tpu.dma_semaphore, #tpu.memory_space<semaphore_mem>>)
        } else {
        }
      } else {
      }
      %mul3A_120 = arith.constant 5 : i32
      %mul3A_121 = arith.muli %scan3A_95, %mul3A_120 : i32
      %add3A_122 = arith.constant 1 : i32
      %add3A_123 = arith.addi %mul3A_121, %add3A_122 : i32
      %dma_wait3A_124 = arith.constant 0 : i32
      %dma_wait3A_125 = tpu.memref_slice %arg3[%dma_wait3A_124] : memref<160000xi32, #tpu.memory_space<hbm>> -> memref<40xi32, #tpu.memory_space<hbm>>
      %dma_wait3A_126 = arith.constant 0 : i32
      %dma_wait3A_127 = tpu.memref_slice %arg3[%dma_wait3A_126] : memref<160000xi32, #tpu.memory_space<hbm>> -> memref<40xi32, #tpu.memory_space<hbm>>
      tpu.wait_dma2 semaphore(%arg30 : memref<!tpu.dma_semaphore, #tpu.memory_space<semaphore_mem>>) src(%dma_wait3A_127 : memref<40xi32, #tpu.memory_space<hbm>>) dst(%arg11 : memref<40xi32, #tpu.memory_space<vmem>>)
      %dma_wait3A_128 = arith.constant 0 : i32
      %dma_wait3A_129 = arith.constant 0 : i32
      %dma_wait3A_130 = tpu.memref_slice %arg2[%dma_wait3A_128, %dma_wait3A_129] : memref<160000x128xf32, #tpu.memory_space<hbm>> -> memref<40x128xf32, #tpu.memory_space<hbm>>
      %dma_wait3A_131 = arith.constant 0 : i32
      %dma_wait3A_132 = arith.constant 0 : i32
      %dma_wait3A_133 = tpu.memref_slice %arg2[%dma_wait3A_131, %dma_wait3A_132] : memref<160000x128xf32, #tpu.memory_space<hbm>> -> memref<40x128xf32, #tpu.memory_space<hbm>>
      tpu.wait_dma2 semaphore(%arg30 : memref<!tpu.dma_semaphore, #tpu.memory_space<semaphore_mem>>) src(%dma_wait3A_133 : memref<40x128xf32, #tpu.memory_space<hbm>>) dst(%arg16 : memref<40x128xf32, #tpu.memory_space<vmem>>)
      %dma_start3A_134 = arith.constant 0 : i32
      %dma_start3A_135 = arith.constant 0 : i32
      %dma_start3A_136 = tpu.memref_slice %arg39[%dma_start3A_134, %dma_start3A_135] : memref<10000x128xf32, #tpu.memory_space<vmem_shared>> -> memref<10000x128xf32, #tpu.memory_space<vmem_shared>>
      tpu.enqueue_indirect_dma source(%arg16 : memref<40x128xf32, #tpu.memory_space<vmem>>) target(%dma_start3A_136 : memref<10000x128xf32, #tpu.memory_space<vmem_shared>>) offsets(%arg11 : memref<40xi32, #tpu.memory_space<vmem>>) semaphore(%arg35 : memref<!tpu.dma_semaphore, #tpu.memory_space<semaphore_mem>>) {add = true}
      %dma_start3A_137 = arith.constant 0 : i32
      %dma_start3A_138 = tpu.memref_slice %arg40[%dma_start3A_137] : memref<10000xf32, #tpu.memory_space<vmem_shared>> -> memref<10000xf32, #tpu.memory_space<vmem_shared>>
      tpu.enqueue_indirect_dma source(%arg21 : memref<40xf32, #tpu.memory_space<vmem>>) target(%dma_start3A_138 : memref<10000xf32, #tpu.memory_space<vmem_shared>>) offsets(%arg11 : memref<40xi32, #tpu.memory_space<vmem>>) semaphore(%arg35 : memref<!tpu.dma_semaphore, #tpu.memory_space<semaphore_mem>>) {add = true}
      %sub3A_139 = arith.constant 3 : i32
      %sub3A_140 = arith.subi %add3A_123, %sub3A_139 : i32
      %ge3A_141 = arith.constant 0 : i32
      %ge3A_142 = arith.cmpi sge, %sub3A_140, %ge3A_141 : i32
      %convert_element_type3A_143 = arith.extui %ge3A_142 : i1 to i32
      %cond3A_144 = arith.constant 0 : i32
      %cond3A_145 = arith.cmpi ne, %convert_element_type3A_143, %cond3A_144 : i32
      scf.if %cond3A_145 {
        %dma_wait3A_224 = arith.constant 0 : i32
        %dma_wait3A_225 = arith.constant 0 : i32
        %dma_wait3A_226 = tpu.memref_slice %arg39[%dma_wait3A_224, %dma_wait3A_225] : memref<10000x128xf32, #tpu.memory_space<vmem_shared>> -> memref<10000x128xf32, #tpu.memory_space<vmem_shared>>
        tpu.wait_indirect_dma semaphore(%arg37 : memref<!tpu.dma_semaphore, #tpu.memory_space<semaphore_mem>>) src(%arg18 : memref<40x128xf32, #tpu.memory_space<vmem>>) dst(%dma_wait3A_226 : memref<10000x128xf32, #tpu.memory_space<vmem_shared>>)
        %dma_wait3A_227 = arith.constant 0 : i32
        %dma_wait3A_228 = tpu.memref_slice %arg40[%dma_wait3A_227] : memref<10000xf32, #tpu.memory_space<vmem_shared>> -> memref<10000xf32, #tpu.memory_space<vmem_shared>>
        tpu.wait_indirect_dma semaphore(%arg37 : memref<!tpu.dma_semaphore, #tpu.memory_space<semaphore_mem>>) src(%arg21 : memref<40xf32, #tpu.memory_space<vmem>>) dst(%dma_wait3A_228 : memref<10000xf32, #tpu.memory_space<vmem_shared>>)
        %add3A_229 = arith.constant 5 : i32
        %add3A_230 = arith.addi %sub3A_140, %add3A_229 : i32
        %lt3A = arith.constant 125 : i32
        %lt3A_231 = arith.cmpi slt, %add3A_230, %lt3A : i32
        %convert_element_type3A_232 = arith.extui %lt3A_231 : i1 to i32
        %cond3A_233 = arith.constant 0 : i32
        %cond3A_234 = arith.cmpi ne, %convert_element_type3A_232, %cond3A_233 : i32
        scf.if %cond3A_234 {
          %add3A_235 = arith.constant 5 : i32
          %add3A_236 = arith.addi %sub3A_140, %add3A_235 : i32
          %mul3A_237 = arith.constant 40 : i32
          %mul3A_238 = arith.muli %add3A_236, %mul3A_237 : i32
          %add3A_239 = arith.addi %mul3A_2, %mul3A_238 : i32
          %dma_start3A_240 = tpu.memref_slice %arg3[%add3A_239] : memref<160000xi32, #tpu.memory_space<hbm>> -> memref<40xi32, #tpu.memory_space<hbm>>
          %dma_start3A_241 = tpu.memref_slice %arg3[%add3A_239] : memref<160000xi32, #tpu.memory_space<hbm>> -> memref<40xi32, #tpu.memory_space<hbm>>
          tpu.enqueue_dma source(%dma_start3A_241 : memref<40xi32, #tpu.memory_space<hbm>>) target(%arg13 : memref<40xi32, #tpu.memory_space<vmem>>) target_semaphore(%arg32 : memref<!tpu.dma_semaphore, #tpu.memory_space<semaphore_mem>>)
          %dma_start3A_242 = arith.constant 0 : i32
          %dma_start3A_243 = tpu.memref_slice %arg2[%add3A_239, %dma_start3A_242] : memref<160000x128xf32, #tpu.memory_space<hbm>> -> memref<40x128xf32, #tpu.memory_space<hbm>>
          %dma_start3A_244 = arith.constant 0 : i32
          %dma_start3A_245 = tpu.memref_slice %arg2[%add3A_239, %dma_start3A_244] : memref<160000x128xf32, #tpu.memory_space<hbm>> -> memref<40x128xf32, #tpu.memory_space<hbm>>
          tpu.enqueue_dma source(%dma_start3A_245 : memref<40x128xf32, #tpu.memory_space<hbm>>) target(%arg18 : memref<40x128xf32, #tpu.memory_space<vmem>>) target_semaphore(%arg32 : memref<!tpu.dma_semaphore, #tpu.memory_space<semaphore_mem>>)
        } else {
        }
      } else {
      }
      %mul3A_146 = arith.constant 5 : i32
      %mul3A_147 = arith.muli %scan3A_95, %mul3A_146 : i32
      %add3A_148 = arith.constant 2 : i32
      %add3A_149 = arith.addi %mul3A_147, %add3A_148 : i32
      %dma_wait3A_150 = arith.constant 0 : i32
      %dma_wait3A_151 = tpu.memref_slice %arg3[%dma_wait3A_150] : memref<160000xi32, #tpu.memory_space<hbm>> -> memref<40xi32, #tpu.memory_space<hbm>>
      %dma_wait3A_152 = arith.constant 0 : i32
      %dma_wait3A_153 = tpu.memref_slice %arg3[%dma_wait3A_152] : memref<160000xi32, #tpu.memory_space<hbm>> -> memref<40xi32, #tpu.memory_space<hbm>>
      tpu.wait_dma2 semaphore(%arg31 : memref<!tpu.dma_semaphore, #tpu.memory_space<semaphore_mem>>) src(%dma_wait3A_153 : memref<40xi32, #tpu.memory_space<hbm>>) dst(%arg12 : memref<40xi32, #tpu.memory_space<vmem>>)
      %dma_wait3A_154 = arith.constant 0 : i32
      %dma_wait3A_155 = arith.constant 0 : i32
      %dma_wait3A_156 = tpu.memref_slice %arg2[%dma_wait3A_154, %dma_wait3A_155] : memref<160000x128xf32, #tpu.memory_space<hbm>> -> memref<40x128xf32, #tpu.memory_space<hbm>>
      %dma_wait3A_157 = arith.constant 0 : i32
      %dma_wait3A_158 = arith.constant 0 : i32
      %dma_wait3A_159 = tpu.memref_slice %arg2[%dma_wait3A_157, %dma_wait3A_158] : memref<160000x128xf32, #tpu.memory_space<hbm>> -> memref<40x128xf32, #tpu.memory_space<hbm>>
      tpu.wait_dma2 semaphore(%arg31 : memref<!tpu.dma_semaphore, #tpu.memory_space<semaphore_mem>>) src(%dma_wait3A_159 : memref<40x128xf32, #tpu.memory_space<hbm>>) dst(%arg17 : memref<40x128xf32, #tpu.memory_space<vmem>>)
      %dma_start3A_160 = arith.constant 0 : i32
      %dma_start3A_161 = arith.constant 0 : i32
      %dma_start3A_162 = tpu.memref_slice %arg39[%dma_start3A_160, %dma_start3A_161] : memref<10000x128xf32, #tpu.memory_space<vmem_shared>> -> memref<10000x128xf32, #tpu.memory_space<vmem_shared>>
      tpu.enqueue_indirect_dma source(%arg17 : memref<40x128xf32, #tpu.memory_space<vmem>>) target(%dma_start3A_162 : memref<10000x128xf32, #tpu.memory_space<vmem_shared>>) offsets(%arg12 : memref<40xi32, #tpu.memory_space<vmem>>) semaphore(%arg36 : memref<!tpu.dma_semaphore, #tpu.memory_space<semaphore_mem>>) {add = true}
      %dma_start3A_163 = arith.constant 0 : i32
      %dma_start3A_164 = tpu.memref_slice %arg40[%dma_start3A_163] : memref<10000xf32, #tpu.memory_space<vmem_shared>> -> memref<10000xf32, #tpu.memory_space<vmem_shared>>
      tpu.enqueue_indirect_dma source(%arg21 : memref<40xf32, #tpu.memory_space<vmem>>) target(%dma_start3A_164 : memref<10000xf32, #tpu.memory_space<vmem_shared>>) offsets(%arg12 : memref<40xi32, #tpu.memory_space<vmem>>) semaphore(%arg36 : memref<!tpu.dma_semaphore, #tpu.memory_space<semaphore_mem>>) {add = true}
      %sub3A_165 = arith.constant 3 : i32
      %sub3A_166 = arith.subi %add3A_149, %sub3A_165 : i32
      %ge3A_167 = arith.constant 0 : i32
      %ge3A_168 = arith.cmpi sge, %sub3A_166, %ge3A_167 : i32
      %convert_element_type3A_169 = arith.extui %ge3A_168 : i1 to i32
      %cond3A_170 = arith.constant 0 : i32
      %cond3A_171 = arith.cmpi ne, %convert_element_type3A_169, %cond3A_170 : i32
      scf.if %cond3A_171 {
        %dma_wait3A_224 = arith.constant 0 : i32
        %dma_wait3A_225 = arith.constant 0 : i32
        %dma_wait3A_226 = tpu.memref_slice %arg39[%dma_wait3A_224, %dma_wait3A_225] : memref<10000x128xf32, #tpu.memory_space<vmem_shared>> -> memref<10000x128xf32, #tpu.memory_space<vmem_shared>>
        tpu.wait_indirect_dma semaphore(%arg38 : memref<!tpu.dma_semaphore, #tpu.memory_space<semaphore_mem>>) src(%arg19 : memref<40x128xf32, #tpu.memory_space<vmem>>) dst(%dma_wait3A_226 : memref<10000x128xf32, #tpu.memory_space<vmem_shared>>)
        %dma_wait3A_227 = arith.constant 0 : i32
        %dma_wait3A_228 = tpu.memref_slice %arg40[%dma_wait3A_227] : memref<10000xf32, #tpu.memory_space<vmem_shared>> -> memref<10000xf32, #tpu.memory_space<vmem_shared>>
        tpu.wait_indirect_dma semaphore(%arg38 : memref<!tpu.dma_semaphore, #tpu.memory_space<semaphore_mem>>) src(%arg21 : memref<40xf32, #tpu.memory_space<vmem>>) dst(%dma_wait3A_228 : memref<10000xf32, #tpu.memory_space<vmem_shared>>)
        %add3A_229 = arith.constant 5 : i32
        %add3A_230 = arith.addi %sub3A_166, %add3A_229 : i32
        %lt3A = arith.constant 125 : i32
        %lt3A_231 = arith.cmpi slt, %add3A_230, %lt3A : i32
        %convert_element_type3A_232 = arith.extui %lt3A_231 : i1 to i32
        %cond3A_233 = arith.constant 0 : i32
        %cond3A_234 = arith.cmpi ne, %convert_element_type3A_232, %cond3A_233 : i32
        scf.if %cond3A_234 {
          %add3A_235 = arith.constant 5 : i32
          %add3A_236 = arith.addi %sub3A_166, %add3A_235 : i32
          %mul3A_237 = arith.constant 40 : i32
          %mul3A_238 = arith.muli %add3A_236, %mul3A_237 : i32
          %add3A_239 = arith.addi %mul3A_2, %mul3A_238 : i32
          %dma_start3A_240 = tpu.memref_slice %arg3[%add3A_239] : memref<160000xi32, #tpu.memory_space<hbm>> -> memref<40xi32, #tpu.memory_space<hbm>>
          %dma_start3A_241 = tpu.memref_slice %arg3[%add3A_239] : memref<160000xi32, #tpu.memory_space<hbm>> -> memref<40xi32, #tpu.memory_space<hbm>>
          tpu.enqueue_dma source(%dma_start3A_241 : memref<40xi32, #tpu.memory_space<hbm>>) target(%arg14 : memref<40xi32, #tpu.memory_space<vmem>>) target_semaphore(%arg33 : memref<!tpu.dma_semaphore, #tpu.memory_space<semaphore_mem>>)
          %dma_start3A_242 = arith.constant 0 : i32
          %dma_start3A_243 = tpu.memref_slice %arg2[%add3A_239, %dma_start3A_242] : memref<160000x128xf32, #tpu.memory_space<hbm>> -> memref<40x128xf32, #tpu.memory_space<hbm>>
          %dma_start3A_244 = arith.constant 0 : i32
          %dma_start3A_245 = tpu.memref_slice %arg2[%add3A_239, %dma_start3A_244] : memref<160000x128xf32, #tpu.memory_space<hbm>> -> memref<40x128xf32, #tpu.memory_space<hbm>>
          tpu.enqueue_dma source(%dma_start3A_245 : memref<40x128xf32, #tpu.memory_space<hbm>>) target(%arg19 : memref<40x128xf32, #tpu.memory_space<vmem>>) target_semaphore(%arg33 : memref<!tpu.dma_semaphore, #tpu.memory_space<semaphore_mem>>)
        } else {
        }
      } else {
      }
      %mul3A_172 = arith.constant 5 : i32
      %mul3A_173 = arith.muli %scan3A_95, %mul3A_172 : i32
      %add3A_174 = arith.constant 3 : i32
      %add3A_175 = arith.addi %mul3A_173, %add3A_174 : i32
      %dma_wait3A_176 = arith.constant 0 : i32
      %dma_wait3A_177 = tpu.memref_slice %arg3[%dma_wait3A_176] : memref<160000xi32, #tpu.memory_space<hbm>> -> memref<40xi32, #tpu.memory_space<hbm>>
      %dma_wait3A_178 = arith.constant 0 : i32
      %dma_wait3A_179 = tpu.memref_slice %arg3[%dma_wait3A_178] : memref<160000xi32, #tpu.memory_space<hbm>> -> memref<40xi32, #tpu.memory_space<hbm>>
      tpu.wait_dma2 semaphore(%arg32 : memref<!tpu.dma_semaphore, #tpu.memory_space<semaphore_mem>>) src(%dma_wait3A_179 : memref<40xi32, #tpu.memory_space<hbm>>) dst(%arg13 : memref<40xi32, #tpu.memory_space<vmem>>)
      %dma_wait3A_180 = arith.constant 0 : i32
      %dma_wait3A_181 = arith.constant 0 : i32
      %dma_wait3A_182 = tpu.memref_slice %arg2[%dma_wait3A_180, %dma_wait3A_181] : memref<160000x128xf32, #tpu.memory_space<hbm>> -> memref<40x128xf32, #tpu.memory_space<hbm>>
      %dma_wait3A_183 = arith.constant 0 : i32
      %dma_wait3A_184 = arith.constant 0 : i32
      %dma_wait3A_185 = tpu.memref_slice %arg2[%dma_wait3A_183, %dma_wait3A_184] : memref<160000x128xf32, #tpu.memory_space<hbm>> -> memref<40x128xf32, #tpu.memory_space<hbm>>
      tpu.wait_dma2 semaphore(%arg32 : memref<!tpu.dma_semaphore, #tpu.memory_space<semaphore_mem>>) src(%dma_wait3A_185 : memref<40x128xf32, #tpu.memory_space<hbm>>) dst(%arg18 : memref<40x128xf32, #tpu.memory_space<vmem>>)
      %dma_start3A_186 = arith.constant 0 : i32
      %dma_start3A_187 = arith.constant 0 : i32
      %dma_start3A_188 = tpu.memref_slice %arg39[%dma_start3A_186, %dma_start3A_187] : memref<10000x128xf32, #tpu.memory_space<vmem_shared>> -> memref<10000x128xf32, #tpu.memory_space<vmem_shared>>
      tpu.enqueue_indirect_dma source(%arg18 : memref<40x128xf32, #tpu.memory_space<vmem>>) target(%dma_start3A_188 : memref<10000x128xf32, #tpu.memory_space<vmem_shared>>) offsets(%arg13 : memref<40xi32, #tpu.memory_space<vmem>>) semaphore(%arg37 : memref<!tpu.dma_semaphore, #tpu.memory_space<semaphore_mem>>) {add = true}
      %dma_start3A_189 = arith.constant 0 : i32
      %dma_start3A_190 = tpu.memref_slice %arg40[%dma_start3A_189] : memref<10000xf32, #tpu.memory_space<vmem_shared>> -> memref<10000xf32, #tpu.memory_space<vmem_shared>>
      tpu.enqueue_indirect_dma source(%arg21 : memref<40xf32, #tpu.memory_space<vmem>>) target(%dma_start3A_190 : memref<10000xf32, #tpu.memory_space<vmem_shared>>) offsets(%arg13 : memref<40xi32, #tpu.memory_space<vmem>>) semaphore(%arg37 : memref<!tpu.dma_semaphore, #tpu.memory_space<semaphore_mem>>) {add = true}
      %sub3A_191 = arith.constant 3 : i32
      %sub3A_192 = arith.subi %add3A_175, %sub3A_191 : i32
      %ge3A_193 = arith.constant 0 : i32
      %ge3A_194 = arith.cmpi sge, %sub3A_192, %ge3A_193 : i32
      %convert_element_type3A_195 = arith.extui %ge3A_194 : i1 to i32
      %cond3A_196 = arith.constant 0 : i32
      %cond3A_197 = arith.cmpi ne, %convert_element_type3A_195, %cond3A_196 : i32
      scf.if %cond3A_197 {
        %dma_wait3A_224 = arith.constant 0 : i32
        %dma_wait3A_225 = arith.constant 0 : i32
        %dma_wait3A_226 = tpu.memref_slice %arg39[%dma_wait3A_224, %dma_wait3A_225] : memref<10000x128xf32, #tpu.memory_space<vmem_shared>> -> memref<10000x128xf32, #tpu.memory_space<vmem_shared>>
        tpu.wait_indirect_dma semaphore(%arg34 : memref<!tpu.dma_semaphore, #tpu.memory_space<semaphore_mem>>) src(%arg15 : memref<40x128xf32, #tpu.memory_space<vmem>>) dst(%dma_wait3A_226 : memref<10000x128xf32, #tpu.memory_space<vmem_shared>>)
        %dma_wait3A_227 = arith.constant 0 : i32
        %dma_wait3A_228 = tpu.memref_slice %arg40[%dma_wait3A_227] : memref<10000xf32, #tpu.memory_space<vmem_shared>> -> memref<10000xf32, #tpu.memory_space<vmem_shared>>
        tpu.wait_indirect_dma semaphore(%arg34 : memref<!tpu.dma_semaphore, #tpu.memory_space<semaphore_mem>>) src(%arg21 : memref<40xf32, #tpu.memory_space<vmem>>) dst(%dma_wait3A_228 : memref<10000xf32, #tpu.memory_space<vmem_shared>>)
        %add3A_229 = arith.constant 5 : i32
        %add3A_230 = arith.addi %sub3A_192, %add3A_229 : i32
        %lt3A = arith.constant 125 : i32
        %lt3A_231 = arith.cmpi slt, %add3A_230, %lt3A : i32
        %convert_element_type3A_232 = arith.extui %lt3A_231 : i1 to i32
        %cond3A_233 = arith.constant 0 : i32
        %cond3A_234 = arith.cmpi ne, %convert_element_type3A_232, %cond3A_233 : i32
        scf.if %cond3A_234 {
          %add3A_235 = arith.constant 5 : i32
          %add3A_236 = arith.addi %sub3A_192, %add3A_235 : i32
          %mul3A_237 = arith.constant 40 : i32
          %mul3A_238 = arith.muli %add3A_236, %mul3A_237 : i32
          %add3A_239 = arith.addi %mul3A_2, %mul3A_238 : i32
          %dma_start3A_240 = tpu.memref_slice %arg3[%add3A_239] : memref<160000xi32, #tpu.memory_space<hbm>> -> memref<40xi32, #tpu.memory_space<hbm>>
          %dma_start3A_241 = tpu.memref_slice %arg3[%add3A_239] : memref<160000xi32, #tpu.memory_space<hbm>> -> memref<40xi32, #tpu.memory_space<hbm>>
          tpu.enqueue_dma source(%dma_start3A_241 : memref<40xi32, #tpu.memory_space<hbm>>) target(%arg10 : memref<40xi32, #tpu.memory_space<vmem>>) target_semaphore(%arg29 : memref<!tpu.dma_semaphore, #tpu.memory_space<semaphore_mem>>)
          %dma_start3A_242 = arith.constant 0 : i32
          %dma_start3A_243 = tpu.memref_slice %arg2[%add3A_239, %dma_start3A_242] : memref<160000x128xf32, #tpu.memory_space<hbm>> -> memref<40x128xf32, #tpu.memory_space<hbm>>
          %dma_start3A_244 = arith.constant 0 : i32
          %dma_start3A_245 = tpu.memref_slice %arg2[%add3A_239, %dma_start3A_244] : memref<160000x128xf32, #tpu.memory_space<hbm>> -> memref<40x128xf32, #tpu.memory_space<hbm>>
          tpu.enqueue_dma source(%dma_start3A_245 : memref<40x128xf32, #tpu.memory_space<hbm>>) target(%arg15 : memref<40x128xf32, #tpu.memory_space<vmem>>) target_semaphore(%arg29 : memref<!tpu.dma_semaphore, #tpu.memory_space<semaphore_mem>>)
        } else {
        }
      } else {
      }
      %mul3A_198 = arith.constant 5 : i32
      %mul3A_199 = arith.muli %scan3A_95, %mul3A_198 : i32
      %add3A_200 = arith.constant 4 : i32
      %add3A_201 = arith.addi %mul3A_199, %add3A_200 : i32
      %dma_wait3A_202 = arith.constant 0 : i32
      %dma_wait3A_203 = tpu.memref_slice %arg3[%dma_wait3A_202] : memref<160000xi32, #tpu.memory_space<hbm>> -> memref<40xi32, #tpu.memory_space<hbm>>
      %dma_wait3A_204 = arith.constant 0 : i32
      %dma_wait3A_205 = tpu.memref_slice %arg3[%dma_wait3A_204] : memref<160000xi32, #tpu.memory_space<hbm>> -> memref<40xi32, #tpu.memory_space<hbm>>
      tpu.wait_dma2 semaphore(%arg33 : memref<!tpu.dma_semaphore, #tpu.memory_space<semaphore_mem>>) src(%dma_wait3A_205 : memref<40xi32, #tpu.memory_space<hbm>>) dst(%arg14 : memref<40xi32, #tpu.memory_space<vmem>>)
      %dma_wait3A_206 = arith.constant 0 : i32
      %dma_wait3A_207 = arith.constant 0 : i32
      %dma_wait3A_208 = tpu.memref_slice %arg2[%dma_wait3A_206, %dma_wait3A_207] : memref<160000x128xf32, #tpu.memory_space<hbm>> -> memref<40x128xf32, #tpu.memory_space<hbm>>
      %dma_wait3A_209 = arith.constant 0 : i32
      %dma_wait3A_210 = arith.constant 0 : i32
      %dma_wait3A_211 = tpu.memref_slice %arg2[%dma_wait3A_209, %dma_wait3A_210] : memref<160000x128xf32, #tpu.memory_space<hbm>> -> memref<40x128xf32, #tpu.memory_space<hbm>>
      tpu.wait_dma2 semaphore(%arg33 : memref<!tpu.dma_semaphore, #tpu.memory_space<semaphore_mem>>) src(%dma_wait3A_211 : memref<40x128xf32, #tpu.memory_space<hbm>>) dst(%arg19 : memref<40x128xf32, #tpu.memory_space<vmem>>)
      %dma_start3A_212 = arith.constant 0 : i32
      %dma_start3A_213 = arith.constant 0 : i32
      %dma_start3A_214 = tpu.memref_slice %arg39[%dma_start3A_212, %dma_start3A_213] : memref<10000x128xf32, #tpu.memory_space<vmem_shared>> -> memref<10000x128xf32, #tpu.memory_space<vmem_shared>>
      tpu.enqueue_indirect_dma source(%arg19 : memref<40x128xf32, #tpu.memory_space<vmem>>) target(%dma_start3A_214 : memref<10000x128xf32, #tpu.memory_space<vmem_shared>>) offsets(%arg14 : memref<40xi32, #tpu.memory_space<vmem>>) semaphore(%arg38 : memref<!tpu.dma_semaphore, #tpu.memory_space<semaphore_mem>>) {add = true}
      %dma_start3A_215 = arith.constant 0 : i32
      %dma_start3A_216 = tpu.memref_slice %arg40[%dma_start3A_215] : memref<10000xf32, #tpu.memory_space<vmem_shared>> -> memref<10000xf32, #tpu.memory_space<vmem_shared>>
      tpu.enqueue_indirect_dma source(%arg21 : memref<40xf32, #tpu.memory_space<vmem>>) target(%dma_start3A_216 : memref<10000xf32, #tpu.memory_space<vmem_shared>>) offsets(%arg14 : memref<40xi32, #tpu.memory_space<vmem>>) semaphore(%arg38 : memref<!tpu.dma_semaphore, #tpu.memory_space<semaphore_mem>>) {add = true}
      %sub3A_217 = arith.constant 3 : i32
      %sub3A_218 = arith.subi %add3A_201, %sub3A_217 : i32
      %ge3A_219 = arith.constant 0 : i32
      %ge3A_220 = arith.cmpi sge, %sub3A_218, %ge3A_219 : i32
      %convert_element_type3A_221 = arith.extui %ge3A_220 : i1 to i32
      %cond3A_222 = arith.constant 0 : i32
      %cond3A_223 = arith.cmpi ne, %convert_element_type3A_221, %cond3A_222 : i32
      scf.if %cond3A_223 {
        %dma_wait3A_224 = arith.constant 0 : i32
        %dma_wait3A_225 = arith.constant 0 : i32
        %dma_wait3A_226 = tpu.memref_slice %arg39[%dma_wait3A_224, %dma_wait3A_225] : memref<10000x128xf32, #tpu.memory_space<vmem_shared>> -> memref<10000x128xf32, #tpu.memory_space<vmem_shared>>
        tpu.wait_indirect_dma semaphore(%arg35 : memref<!tpu.dma_semaphore, #tpu.memory_space<semaphore_mem>>) src(%arg16 : memref<40x128xf32, #tpu.memory_space<vmem>>) dst(%dma_wait3A_226 : memref<10000x128xf32, #tpu.memory_space<vmem_shared>>)
        %dma_wait3A_227 = arith.constant 0 : i32
        %dma_wait3A_228 = tpu.memref_slice %arg40[%dma_wait3A_227] : memref<10000xf32, #tpu.memory_space<vmem_shared>> -> memref<10000xf32, #tpu.memory_space<vmem_shared>>
        tpu.wait_indirect_dma semaphore(%arg35 : memref<!tpu.dma_semaphore, #tpu.memory_space<semaphore_mem>>) src(%arg21 : memref<40xf32, #tpu.memory_space<vmem>>) dst(%dma_wait3A_228 : memref<10000xf32, #tpu.memory_space<vmem_shared>>)
        %add3A_229 = arith.constant 5 : i32
        %add3A_230 = arith.addi %sub3A_218, %add3A_229 : i32
        %lt3A = arith.constant 125 : i32
        %lt3A_231 = arith.cmpi slt, %add3A_230, %lt3A : i32
        %convert_element_type3A_232 = arith.extui %lt3A_231 : i1 to i32
        %cond3A_233 = arith.constant 0 : i32
        %cond3A_234 = arith.cmpi ne, %convert_element_type3A_232, %cond3A_233 : i32
        scf.if %cond3A_234 {
          %add3A_235 = arith.constant 5 : i32
          %add3A_236 = arith.addi %sub3A_218, %add3A_235 : i32
          %mul3A_237 = arith.constant 40 : i32
          %mul3A_238 = arith.muli %add3A_236, %mul3A_237 : i32
          %add3A_239 = arith.addi %mul3A_2, %mul3A_238 : i32
          %dma_start3A_240 = tpu.memref_slice %arg3[%add3A_239] : memref<160000xi32, #tpu.memory_space<hbm>> -> memref<40xi32, #tpu.memory_space<hbm>>
          %dma_start3A_241 = tpu.memref_slice %arg3[%add3A_239] : memref<160000xi32, #tpu.memory_space<hbm>> -> memref<40xi32, #tpu.memory_space<hbm>>
          tpu.enqueue_dma source(%dma_start3A_241 : memref<40xi32, #tpu.memory_space<hbm>>) target(%arg11 : memref<40xi32, #tpu.memory_space<vmem>>) target_semaphore(%arg30 : memref<!tpu.dma_semaphore, #tpu.memory_space<semaphore_mem>>)
          %dma_start3A_242 = arith.constant 0 : i32
          %dma_start3A_243 = tpu.memref_slice %arg2[%add3A_239, %dma_start3A_242] : memref<160000x128xf32, #tpu.memory_space<hbm>> -> memref<40x128xf32, #tpu.memory_space<hbm>>
          %dma_start3A_244 = arith.constant 0 : i32
          %dma_start3A_245 = tpu.memref_slice %arg2[%add3A_239, %dma_start3A_244] : memref<160000x128xf32, #tpu.memory_space<hbm>> -> memref<40x128xf32, #tpu.memory_space<hbm>>
          tpu.enqueue_dma source(%dma_start3A_245 : memref<40x128xf32, #tpu.memory_space<hbm>>) target(%arg16 : memref<40x128xf32, #tpu.memory_space<vmem>>) target_semaphore(%arg30 : memref<!tpu.dma_semaphore, #tpu.memory_space<semaphore_mem>>)
        } else {
        }
      } else {
      }
    }
    %scan3A_58 = arith.constant 25 : i32
    %dma_wait3A = arith.constant 0 : i32
    %dma_wait3A_59 = arith.constant 0 : i32
    %dma_wait3A_60 = tpu.memref_slice %arg39[%dma_wait3A, %dma_wait3A_59] : memref<10000x128xf32, #tpu.memory_space<vmem_shared>> -> memref<10000x128xf32, #tpu.memory_space<vmem_shared>>
    tpu.wait_indirect_dma semaphore(%arg36 : memref<!tpu.dma_semaphore, #tpu.memory_space<semaphore_mem>>) src(%arg17 : memref<40x128xf32, #tpu.memory_space<vmem>>) dst(%dma_wait3A_60 : memref<10000x128xf32, #tpu.memory_space<vmem_shared>>)
    %dma_wait3A_61 = arith.constant 0 : i32
    %dma_wait3A_62 = tpu.memref_slice %arg40[%dma_wait3A_61] : memref<10000xf32, #tpu.memory_space<vmem_shared>> -> memref<10000xf32, #tpu.memory_space<vmem_shared>>
    tpu.wait_indirect_dma semaphore(%arg36 : memref<!tpu.dma_semaphore, #tpu.memory_space<semaphore_mem>>) src(%arg21 : memref<40xf32, #tpu.memory_space<vmem>>) dst(%dma_wait3A_62 : memref<10000xf32, #tpu.memory_space<vmem_shared>>)
    %dma_wait3A_63 = arith.constant 0 : i32
    %dma_wait3A_64 = arith.constant 0 : i32
    %dma_wait3A_65 = tpu.memref_slice %arg39[%dma_wait3A_63, %dma_wait3A_64] : memref<10000x128xf32, #tpu.memory_space<vmem_shared>> -> memref<10000x128xf32, #tpu.memory_space<vmem_shared>>
    tpu.wait_indirect_dma semaphore(%arg37 : memref<!tpu.dma_semaphore, #tpu.memory_space<semaphore_mem>>) src(%arg18 : memref<40x128xf32, #tpu.memory_space<vmem>>) dst(%dma_wait3A_65 : memref<10000x128xf32, #tpu.memory_space<vmem_shared>>)
    %dma_wait3A_66 = arith.constant 0 : i32
    %dma_wait3A_67 = tpu.memref_slice %arg40[%dma_wait3A_66] : memref<10000xf32, #tpu.memory_space<vmem_shared>> -> memref<10000xf32, #tpu.memory_space<vmem_shared>>
    tpu.wait_indirect_dma semaphore(%arg37 : memref<!tpu.dma_semaphore, #tpu.memory_space<semaphore_mem>>) src(%arg21 : memref<40xf32, #tpu.memory_space<vmem>>) dst(%dma_wait3A_67 : memref<10000xf32, #tpu.memory_space<vmem_shared>>)
    %dma_wait3A_68 = arith.constant 0 : i32
    %dma_wait3A_69 = arith.constant 0 : i32
    %dma_wait3A_70 = tpu.memref_slice %arg39[%dma_wait3A_68, %dma_wait3A_69] : memref<10000x128xf32, #tpu.memory_space<vmem_shared>> -> memref<10000x128xf32, #tpu.memory_space<vmem_shared>>
    tpu.wait_indirect_dma semaphore(%arg38 : memref<!tpu.dma_semaphore, #tpu.memory_space<semaphore_mem>>) src(%arg19 : memref<40x128xf32, #tpu.memory_space<vmem>>) dst(%dma_wait3A_70 : memref<10000x128xf32, #tpu.memory_space<vmem_shared>>)
    %dma_wait3A_71 = arith.constant 0 : i32
    %dma_wait3A_72 = tpu.memref_slice %arg40[%dma_wait3A_71] : memref<10000xf32, #tpu.memory_space<vmem_shared>> -> memref<10000xf32, #tpu.memory_space<vmem_shared>>
    tpu.wait_indirect_dma semaphore(%arg38 : memref<!tpu.dma_semaphore, #tpu.memory_space<semaphore_mem>>) src(%arg21 : memref<40xf32, #tpu.memory_space<vmem>>) dst(%dma_wait3A_72 : memref<10000xf32, #tpu.memory_space<vmem_shared>>)
    %barrier3A_73 = arith.constant 0 : index
    tpu.barrier barrier_id(%barrier3A_73)
    %scan3A_74 = arith.constant 0 : i32
    %scan3A_75 = arith.constant 0 : i32
    %scan3A_76 = arith.constant 15 : i32
    %scan3A_77 = arith.addi %scan3A_75, %scan3A_76 : i32
    %scan3A_78 = arith.constant 1 : i32
    scf.for %scan3A_95 = %scan3A_75 to %scan3A_77 step %scan3A_78  : i32 {
      %mul3A_96 = arith.constant 624 : i32
      %mul3A_97 = arith.muli %arg1, %mul3A_96 : i32
      %mul3A_98 = arith.constant 40 : i32
      %mul3A_99 = arith.muli %scan3A_95, %mul3A_98 : i32
      %add3A_100 = arith.addi %mul3A_97, %mul3A_99 : i32
      "tpu.region"() ({
        %run_scoped3A = tpu.sem_alloc : memref<!tpu.dma_semaphore, #tpu.memory_space<semaphore_mem>>
        %dma_start3A_107 = tpu.memref_slice %arg7[%add3A_100] : memref<10000xi32, #tpu.memory_space<hbm>> -> memref<40xi32, #tpu.memory_space<hbm>>
        %dma_start3A_108 = tpu.memref_slice %arg7[%add3A_100] : memref<10000xi32, #tpu.memory_space<hbm>> -> memref<40xi32, #tpu.memory_space<hbm>>
        tpu.enqueue_dma source(%dma_start3A_108 : memref<40xi32, #tpu.memory_space<hbm>>) target(%arg22 : memref<40xi32, #tpu.memory_space<vmem>>) target_semaphore(%run_scoped3A : memref<!tpu.dma_semaphore, #tpu.memory_space<semaphore_mem>>)
        %dma_wait3A_109 = tpu.memref_slice %arg7[%add3A_100] : memref<10000xi32, #tpu.memory_space<hbm>> -> memref<40xi32, #tpu.memory_space<hbm>>
        %dma_wait3A_110 = tpu.memref_slice %arg7[%add3A_100] : memref<10000xi32, #tpu.memory_space<hbm>> -> memref<40xi32, #tpu.memory_space<hbm>>
        tpu.wait_dma2 semaphore(%run_scoped3A : memref<!tpu.dma_semaphore, #tpu.memory_space<semaphore_mem>>) src(%dma_wait3A_110 : memref<40xi32, #tpu.memory_space<hbm>>) dst(%arg22 : memref<40xi32, #tpu.memory_space<vmem>>)
        tpu.yield
      }) : () -> ()
      "tpu.region"() ({
        %run_scoped3A = tpu.sem_alloc : memref<!tpu.dma_semaphore, #tpu.memory_space<semaphore_mem>>
        %dma_start3A_107 = arith.constant 0 : i32
        %dma_start3A_108 = arith.constant 0 : i32
        %dma_start3A_109 = tpu.memref_slice %arg39[%dma_start3A_107, %dma_start3A_108] : memref<10000x128xf32, #tpu.memory_space<vmem_shared>> -> memref<10000x128xf32, #tpu.memory_space<vmem_shared>>
        tpu.enqueue_indirect_dma source(%dma_start3A_109 : memref<10000x128xf32, #tpu.memory_space<vmem_shared>>) target(%arg15 : memref<40x128xf32, #tpu.memory_space<vmem>>) offsets(%arg22 : memref<40xi32, #tpu.memory_space<vmem>>) semaphore(%run_scoped3A : memref<!tpu.dma_semaphore, #tpu.memory_space<semaphore_mem>>)
        %dma_wait3A_110 = arith.constant 0 : i32
        %dma_wait3A_111 = arith.constant 0 : i32
        %dma_wait3A_112 = tpu.memref_slice %arg39[%dma_wait3A_110, %dma_wait3A_111] : memref<10000x128xf32, #tpu.memory_space<vmem_shared>> -> memref<10000x128xf32, #tpu.memory_space<vmem_shared>>
        tpu.wait_indirect_dma semaphore(%run_scoped3A : memref<!tpu.dma_semaphore, #tpu.memory_space<semaphore_mem>>) src(%dma_wait3A_112 : memref<10000x128xf32, #tpu.memory_space<vmem_shared>>) dst(%arg15 : memref<40x128xf32, #tpu.memory_space<vmem>>)
        tpu.yield
      }) : () -> ()
      %mul3A_101 = arith.constant 10000 : i32
      %mul3A_102 = arith.muli %arg0, %mul3A_101 : i32
      %add3A_103 = arith.addi %mul3A_102, %add3A_100 : i32
      "tpu.region"() ({
        %run_scoped3A = tpu.sem_alloc : memref<!tpu.dma_semaphore, #tpu.memory_space<semaphore_mem>>
        %dma_start3A_107 = arith.constant 0 : i32
        %dma_start3A_108 = tpu.memref_slice %arg8[%add3A_103, %dma_start3A_107] : memref<20000x128xf32, #tpu.memory_space<hbm>> -> memref<40x128xf32, #tpu.memory_space<hbm>>
        %dma_start3A_109 = arith.constant 0 : i32
        %dma_start3A_110 = tpu.memref_slice %arg8[%add3A_103, %dma_start3A_109] : memref<20000x128xf32, #tpu.memory_space<hbm>> -> memref<40x128xf32, #tpu.memory_space<hbm>>
        tpu.enqueue_dma source(%arg15 : memref<40x128xf32, #tpu.memory_space<vmem>>) target(%dma_start3A_110 : memref<40x128xf32, #tpu.memory_space<hbm>>) target_semaphore(%run_scoped3A : memref<!tpu.dma_semaphore, #tpu.memory_space<semaphore_mem>>)
        %dma_wait3A_111 = arith.constant 0 : i32
        %dma_wait3A_112 = tpu.memref_slice %arg8[%add3A_103, %dma_wait3A_111] : memref<20000x128xf32, #tpu.memory_space<hbm>> -> memref<40x128xf32, #tpu.memory_space<hbm>>
        %dma_wait3A_113 = arith.constant 0 : i32
        %dma_wait3A_114 = tpu.memref_slice %arg8[%add3A_103, %dma_wait3A_113] : memref<20000x128xf32, #tpu.memory_space<hbm>> -> memref<40x128xf32, #tpu.memory_space<hbm>>
        tpu.wait_dma2 semaphore(%run_scoped3A : memref<!tpu.dma_semaphore, #tpu.memory_space<semaphore_mem>>) src(%arg15 : memref<40x128xf32, #tpu.memory_space<vmem>>) dst(%dma_wait3A_114 : memref<40x128xf32, #tpu.memory_space<hbm>>)
        tpu.yield
      }) : () -> ()
      "tpu.region"() ({
        %run_scoped3A = tpu.sem_alloc : memref<!tpu.dma_semaphore, #tpu.memory_space<semaphore_mem>>
        %dma_start3A_107 = arith.constant 0 : i32
        %dma_start3A_108 = tpu.memref_slice %arg40[%dma_start3A_107] : memref<10000xf32, #tpu.memory_space<vmem_shared>> -> memref<10000xf32, #tpu.memory_space<vmem_shared>>
        tpu.enqueue_indirect_dma source(%dma_start3A_108 : memref<10000xf32, #tpu.memory_space<vmem_shared>>) target(%arg20 : memref<40xf32, #tpu.memory_space<vmem>>) offsets(%arg22 : memref<40xi32, #tpu.memory_space<vmem>>) semaphore(%run_scoped3A : memref<!tpu.dma_semaphore, #tpu.memory_space<semaphore_mem>>)
        %dma_wait3A_109 = arith.constant 0 : i32
        %dma_wait3A_110 = tpu.memref_slice %arg40[%dma_wait3A_109] : memref<10000xf32, #tpu.memory_space<vmem_shared>> -> memref<10000xf32, #tpu.memory_space<vmem_shared>>
        tpu.wait_indirect_dma semaphore(%run_scoped3A : memref<!tpu.dma_semaphore, #tpu.memory_space<semaphore_mem>>) src(%dma_wait3A_110 : memref<10000xf32, #tpu.memory_space<vmem_shared>>) dst(%arg20 : memref<40xf32, #tpu.memory_space<vmem>>)
        tpu.yield
      }) : () -> ()
      %mul3A_104 = arith.constant 10000 : i32
      %mul3A_105 = arith.muli %arg0, %mul3A_104 : i32
      %add3A_106 = arith.addi %mul3A_105, %add3A_100 : i32
      "tpu.region"() ({
        %run_scoped3A = tpu.sem_alloc : memref<!tpu.dma_semaphore, #tpu.memory_space<semaphore_mem>>
        %dma_start3A_107 = tpu.memref_slice %arg9[%add3A_106] : memref<20000xf32, #tpu.memory_space<hbm>> -> memref<40xf32, #tpu.memory_space<hbm>>
        %dma_start3A_108 = tpu.memref_slice %arg9[%add3A_106] : memref<20000xf32, #tpu.memory_space<hbm>> -> memref<40xf32, #tpu.memory_space<hbm>>
        tpu.enqueue_dma source(%arg20 : memref<40xf32, #tpu.memory_space<vmem>>) target(%dma_start3A_108 : memref<40xf32, #tpu.memory_space<hbm>>) target_semaphore(%run_scoped3A : memref<!tpu.dma_semaphore, #tpu.memory_space<semaphore_mem>>)
        %dma_wait3A_109 = tpu.memref_slice %arg9[%add3A_106] : memref<20000xf32, #tpu.memory_space<hbm>> -> memref<40xf32, #tpu.memory_space<hbm>>
        %dma_wait3A_110 = tpu.memref_slice %arg9[%add3A_106] : memref<20000xf32, #tpu.memory_space<hbm>> -> memref<40xf32, #tpu.memory_space<hbm>>
        tpu.wait_dma2 semaphore(%run_scoped3A : memref<!tpu.dma_semaphore, #tpu.memory_space<semaphore_mem>>) src(%arg20 : memref<40xf32, #tpu.memory_space<vmem>>) dst(%dma_wait3A_110 : memref<40xf32, #tpu.memory_space<hbm>>)
        tpu.yield
      }) : () -> ()
    }
    %scan3A_79 = arith.constant 15 : i32
    %mul3A_80 = arith.constant 624 : i32
    %mul3A_81 = arith.muli %arg1, %mul3A_80 : i32
    %add3A_82 = arith.constant 600 : i32
    %add3A_83 = arith.addi %mul3A_81, %add3A_82 : i32
    "tpu.region"() ({
      %run_scoped3A = tpu.sem_alloc : memref<!tpu.dma_semaphore, #tpu.memory_space<semaphore_mem>>
      %dma_start3A_95 = tpu.memref_slice %arg7[%add3A_83] : memref<10000xi32, #tpu.memory_space<hbm>> -> memref<24xi32, #tpu.memory_space<hbm>>
      %dma_start3A_96 = tpu.memref_slice %arg7[%add3A_83] : memref<10000xi32, #tpu.memory_space<hbm>> -> memref<24xi32, #tpu.memory_space<hbm>>
      tpu.enqueue_dma source(%dma_start3A_96 : memref<24xi32, #tpu.memory_space<hbm>>) target(%arg23 : memref<24xi32, #tpu.memory_space<vmem>>) target_semaphore(%run_scoped3A : memref<!tpu.dma_semaphore, #tpu.memory_space<semaphore_mem>>)
      %dma_wait3A_97 = tpu.memref_slice %arg7[%add3A_83] : memref<10000xi32, #tpu.memory_space<hbm>> -> memref<24xi32, #tpu.memory_space<hbm>>
      %dma_wait3A_98 = tpu.memref_slice %arg7[%add3A_83] : memref<10000xi32, #tpu.memory_space<hbm>> -> memref<24xi32, #tpu.memory_space<hbm>>
      tpu.wait_dma2 semaphore(%run_scoped3A : memref<!tpu.dma_semaphore, #tpu.memory_space<semaphore_mem>>) src(%dma_wait3A_98 : memref<24xi32, #tpu.memory_space<hbm>>) dst(%arg23 : memref<24xi32, #tpu.memory_space<vmem>>)
      tpu.yield
    }) : () -> ()
    "tpu.region"() ({
      %run_scoped3A = tpu.sem_alloc : memref<!tpu.dma_semaphore, #tpu.memory_space<semaphore_mem>>
      %dma_start3A_95 = arith.constant 0 : i32
      %dma_start3A_96 = arith.constant 0 : i32
      %dma_start3A_97 = tpu.memref_slice %arg39[%dma_start3A_95, %dma_start3A_96] : memref<10000x128xf32, #tpu.memory_space<vmem_shared>> -> memref<10000x128xf32, #tpu.memory_space<vmem_shared>>
      tpu.enqueue_indirect_dma source(%dma_start3A_97 : memref<10000x128xf32, #tpu.memory_space<vmem_shared>>) target(%arg25 : memref<24x128xf32, #tpu.memory_space<vmem>>) offsets(%arg23 : memref<24xi32, #tpu.memory_space<vmem>>) semaphore(%run_scoped3A : memref<!tpu.dma_semaphore, #tpu.memory_space<semaphore_mem>>)
      %dma_wait3A_98 = arith.constant 0 : i32
      %dma_wait3A_99 = arith.constant 0 : i32
      %dma_wait3A_100 = tpu.memref_slice %arg39[%dma_wait3A_98, %dma_wait3A_99] : memref<10000x128xf32, #tpu.memory_space<vmem_shared>> -> memref<10000x128xf32, #tpu.memory_space<vmem_shared>>
      tpu.wait_indirect_dma semaphore(%run_scoped3A : memref<!tpu.dma_semaphore, #tpu.memory_space<semaphore_mem>>) src(%dma_wait3A_100 : memref<10000x128xf32, #tpu.memory_space<vmem_shared>>) dst(%arg25 : memref<24x128xf32, #tpu.memory_space<vmem>>)
      tpu.yield
    }) : () -> ()
    %mul3A_84 = arith.constant 10000 : i32
    %mul3A_85 = arith.muli %arg0, %mul3A_84 : i32
    %add3A_86 = arith.addi %mul3A_85, %add3A_83 : i32
    "tpu.region"() ({
      %run_scoped3A = tpu.sem_alloc : memref<!tpu.dma_semaphore, #tpu.memory_space<semaphore_mem>>
      %dma_start3A_95 = arith.constant 0 : i32
      %dma_start3A_96 = tpu.memref_slice %arg8[%add3A_86, %dma_start3A_95] : memref<20000x128xf32, #tpu.memory_space<hbm>> -> memref<24x128xf32, #tpu.memory_space<hbm>>
      %dma_start3A_97 = arith.constant 0 : i32
      %dma_start3A_98 = tpu.memref_slice %arg8[%add3A_86, %dma_start3A_97] : memref<20000x128xf32, #tpu.memory_space<hbm>> -> memref<24x128xf32, #tpu.memory_space<hbm>>
      tpu.enqueue_dma source(%arg25 : memref<24x128xf32, #tpu.memory_space<vmem>>) target(%dma_start3A_98 : memref<24x128xf32, #tpu.memory_space<hbm>>) target_semaphore(%run_scoped3A : memref<!tpu.dma_semaphore, #tpu.memory_space<semaphore_mem>>)
      %dma_wait3A_99 = arith.constant 0 : i32
      %dma_wait3A_100 = tpu.memref_slice %arg8[%add3A_86, %dma_wait3A_99] : memref<20000x128xf32, #tpu.memory_space<hbm>> -> memref<24x128xf32, #tpu.memory_space<hbm>>
      %dma_wait3A_101 = arith.constant 0 : i32
      %dma_wait3A_102 = tpu.memref_slice %arg8[%add3A_86, %dma_wait3A_101] : memref<20000x128xf32, #tpu.memory_space<hbm>> -> memref<24x128xf32, #tpu.memory_space<hbm>>
      tpu.wait_dma2 semaphore(%run_scoped3A : memref<!tpu.dma_semaphore, #tpu.memory_space<semaphore_mem>>) src(%arg25 : memref<24x128xf32, #tpu.memory_space<vmem>>) dst(%dma_wait3A_102 : memref<24x128xf32, #tpu.memory_space<hbm>>)
      tpu.yield
    }) : () -> ()
    "tpu.region"() ({
      %run_scoped3A = tpu.sem_alloc : memref<!tpu.dma_semaphore, #tpu.memory_space<semaphore_mem>>
      %dma_start3A_95 = arith.constant 0 : i32
      %dma_start3A_96 = tpu.memref_slice %arg40[%dma_start3A_95] : memref<10000xf32, #tpu.memory_space<vmem_shared>> -> memref<10000xf32, #tpu.memory_space<vmem_shared>>
      tpu.enqueue_indirect_dma source(%dma_start3A_96 : memref<10000xf32, #tpu.memory_space<vmem_shared>>) target(%arg27 : memref<24xf32, #tpu.memory_space<vmem>>) offsets(%arg23 : memref<24xi32, #tpu.memory_space<vmem>>) semaphore(%run_scoped3A : memref<!tpu.dma_semaphore, #tpu.memory_space<semaphore_mem>>)
      %dma_wait3A_97 = arith.constant 0 : i32
      %dma_wait3A_98 = tpu.memref_slice %arg40[%dma_wait3A_97] : memref<10000xf32, #tpu.memory_space<vmem_shared>> -> memref<10000xf32, #tpu.memory_space<vmem_shared>>
      tpu.wait_indirect_dma semaphore(%run_scoped3A : memref<!tpu.dma_semaphore, #tpu.memory_space<semaphore_mem>>) src(%dma_wait3A_98 : memref<10000xf32, #tpu.memory_space<vmem_shared>>) dst(%arg27 : memref<24xf32, #tpu.memory_space<vmem>>)
      tpu.yield
    }) : () -> ()
    %mul3A_87 = arith.constant 10000 : i32
    %mul3A_88 = arith.muli %arg0, %mul3A_87 : i32
    %add3A_89 = arith.addi %mul3A_88, %add3A_83 : i32
    "tpu.region"() ({
      %run_scoped3A = tpu.sem_alloc : memref<!tpu.dma_semaphore, #tpu.memory_space<semaphore_mem>>
      %dma_start3A_95 = tpu.memref_slice %arg9[%add3A_89] : memref<20000xf32, #tpu.memory_space<hbm>> -> memref<24xf32, #tpu.memory_space<hbm>>
      %dma_start3A_96 = tpu.memref_slice %arg9[%add3A_89] : memref<20000xf32, #tpu.memory_space<hbm>> -> memref<24xf32, #tpu.memory_space<hbm>>
      tpu.enqueue_dma source(%arg27 : memref<24xf32, #tpu.memory_space<vmem>>) target(%dma_start3A_96 : memref<24xf32, #tpu.memory_space<hbm>>) target_semaphore(%run_scoped3A : memref<!tpu.dma_semaphore, #tpu.memory_space<semaphore_mem>>)
      %dma_wait3A_97 = tpu.memref_slice %arg9[%add3A_89] : memref<20000xf32, #tpu.memory_space<hbm>> -> memref<24xf32, #tpu.memory_space<hbm>>
      %dma_wait3A_98 = tpu.memref_slice %arg9[%add3A_89] : memref<20000xf32, #tpu.memory_space<hbm>> -> memref<24xf32, #tpu.memory_space<hbm>>
      tpu.wait_dma2 semaphore(%run_scoped3A : memref<!tpu.dma_semaphore, #tpu.memory_space<semaphore_mem>>) src(%arg27 : memref<24xf32, #tpu.memory_space<vmem>>) dst(%dma_wait3A_98 : memref<24xf32, #tpu.memory_space<hbm>>)
      tpu.yield
    }) : () -> ()
    %eq3A_90 = arith.constant 0 : i32
    %eq3A_91 = arith.cmpi eq, %arg1, %eq3A_90 : i32
    %convert_element_type3A_92 = arith.extui %eq3A_91 : i1 to i32
    %cond3A_93 = arith.constant 0 : i32
    %cond3A_94 = arith.cmpi ne, %convert_element_type3A_92, %cond3A_93 : i32
    scf.if %cond3A_94 {
      "tpu.region"() ({
        %run_scoped3A = tpu.sem_alloc : memref<!tpu.dma_semaphore, #tpu.memory_space<semaphore_mem>>
        %dma_start3A_103 = arith.constant 9984 : i32
        %dma_start3A_104 = tpu.memref_slice %arg7[%dma_start3A_103] : memref<10000xi32, #tpu.memory_space<hbm>> -> memref<16xi32, #tpu.memory_space<hbm>>
        %dma_start3A_105 = arith.constant 9984 : i32
        %dma_start3A_106 = tpu.memref_slice %arg7[%dma_start3A_105] : memref<10000xi32, #tpu.memory_space<hbm>> -> memref<16xi32, #tpu.memory_space<hbm>>
        tpu.enqueue_dma source(%dma_start3A_106 : memref<16xi32, #tpu.memory_space<hbm>>) target(%arg24 : memref<16xi32, #tpu.memory_space<vmem>>) target_semaphore(%run_scoped3A : memref<!tpu.dma_semaphore, #tpu.memory_space<semaphore_mem>>)
        %dma_wait3A_107 = arith.constant 9984 : i32
        %dma_wait3A_108 = tpu.memref_slice %arg7[%dma_wait3A_107] : memref<10000xi32, #tpu.memory_space<hbm>> -> memref<16xi32, #tpu.memory_space<hbm>>
        %dma_wait3A_109 = arith.constant 9984 : i32
        %dma_wait3A_110 = tpu.memref_slice %arg7[%dma_wait3A_109] : memref<10000xi32, #tpu.memory_space<hbm>> -> memref<16xi32, #tpu.memory_space<hbm>>
        tpu.wait_dma2 semaphore(%run_scoped3A : memref<!tpu.dma_semaphore, #tpu.memory_space<semaphore_mem>>) src(%dma_wait3A_110 : memref<16xi32, #tpu.memory_space<hbm>>) dst(%arg24 : memref<16xi32, #tpu.memory_space<vmem>>)
        tpu.yield
      }) : () -> ()
      "tpu.region"() ({
        %run_scoped3A = tpu.sem_alloc : memref<!tpu.dma_semaphore, #tpu.memory_space<semaphore_mem>>
        %dma_start3A_103 = arith.constant 0 : i32
        %dma_start3A_104 = arith.constant 0 : i32
        %dma_start3A_105 = tpu.memref_slice %arg39[%dma_start3A_103, %dma_start3A_104] : memref<10000x128xf32, #tpu.memory_space<vmem_shared>> -> memref<10000x128xf32, #tpu.memory_space<vmem_shared>>
        tpu.enqueue_indirect_dma source(%dma_start3A_105 : memref<10000x128xf32, #tpu.memory_space<vmem_shared>>) target(%arg26 : memref<16x128xf32, #tpu.memory_space<vmem>>) offsets(%arg24 : memref<16xi32, #tpu.memory_space<vmem>>) semaphore(%run_scoped3A : memref<!tpu.dma_semaphore, #tpu.memory_space<semaphore_mem>>)
        %dma_wait3A_106 = arith.constant 0 : i32
        %dma_wait3A_107 = arith.constant 0 : i32
        %dma_wait3A_108 = tpu.memref_slice %arg39[%dma_wait3A_106, %dma_wait3A_107] : memref<10000x128xf32, #tpu.memory_space<vmem_shared>> -> memref<10000x128xf32, #tpu.memory_space<vmem_shared>>
        tpu.wait_indirect_dma semaphore(%run_scoped3A : memref<!tpu.dma_semaphore, #tpu.memory_space<semaphore_mem>>) src(%dma_wait3A_108 : memref<10000x128xf32, #tpu.memory_space<vmem_shared>>) dst(%arg26 : memref<16x128xf32, #tpu.memory_space<vmem>>)
        tpu.yield
      }) : () -> ()
      %mul3A_95 = arith.constant 10000 : i32
      %mul3A_96 = arith.muli %arg0, %mul3A_95 : i32
      %add3A_97 = arith.constant 9984 : i32
      %add3A_98 = arith.addi %mul3A_96, %add3A_97 : i32
      "tpu.region"() ({
        %run_scoped3A = tpu.sem_alloc : memref<!tpu.dma_semaphore, #tpu.memory_space<semaphore_mem>>
        %dma_start3A_103 = arith.constant 0 : i32
        %dma_start3A_104 = tpu.memref_slice %arg8[%add3A_98, %dma_start3A_103] : memref<20000x128xf32, #tpu.memory_space<hbm>> -> memref<16x128xf32, #tpu.memory_space<hbm>>
        %dma_start3A_105 = arith.constant 0 : i32
        %dma_start3A_106 = tpu.memref_slice %arg8[%add3A_98, %dma_start3A_105] : memref<20000x128xf32, #tpu.memory_space<hbm>> -> memref<16x128xf32, #tpu.memory_space<hbm>>
        tpu.enqueue_dma source(%arg26 : memref<16x128xf32, #tpu.memory_space<vmem>>) target(%dma_start3A_106 : memref<16x128xf32, #tpu.memory_space<hbm>>) target_semaphore(%run_scoped3A : memref<!tpu.dma_semaphore, #tpu.memory_space<semaphore_mem>>)
        %dma_wait3A_107 = arith.constant 0 : i32
        %dma_wait3A_108 = tpu.memref_slice %arg8[%add3A_98, %dma_wait3A_107] : memref<20000x128xf32, #tpu.memory_space<hbm>> -> memref<16x128xf32, #tpu.memory_space<hbm>>
        %dma_wait3A_109 = arith.constant 0 : i32
        %dma_wait3A_110 = tpu.memref_slice %arg8[%add3A_98, %dma_wait3A_109] : memref<20000x128xf32, #tpu.memory_space<hbm>> -> memref<16x128xf32, #tpu.memory_space<hbm>>
        tpu.wait_dma2 semaphore(%run_scoped3A : memref<!tpu.dma_semaphore, #tpu.memory_space<semaphore_mem>>) src(%arg26 : memref<16x128xf32, #tpu.memory_space<vmem>>) dst(%dma_wait3A_110 : memref<16x128xf32, #tpu.memory_space<hbm>>)
        tpu.yield
      }) : () -> ()
      "tpu.region"() ({
        %run_scoped3A = tpu.sem_alloc : memref<!tpu.dma_semaphore, #tpu.memory_space<semaphore_mem>>
        %dma_start3A_103 = arith.constant 0 : i32
        %dma_start3A_104 = tpu.memref_slice %arg40[%dma_start3A_103] : memref<10000xf32, #tpu.memory_space<vmem_shared>> -> memref<10000xf32, #tpu.memory_space<vmem_shared>>
        tpu.enqueue_indirect_dma source(%dma_start3A_104 : memref<10000xf32, #tpu.memory_space<vmem_shared>>) target(%arg28 : memref<16xf32, #tpu.memory_space<vmem>>) offsets(%arg24 : memref<16xi32, #tpu.memory_space<vmem>>) semaphore(%run_scoped3A : memref<!tpu.dma_semaphore, #tpu.memory_space<semaphore_mem>>)
        %dma_wait3A_105 = arith.constant 0 : i32
        %dma_wait3A_106 = tpu.memref_slice %arg40[%dma_wait3A_105] : memref<10000xf32, #tpu.memory_space<vmem_shared>> -> memref<10000xf32, #tpu.memory_space<vmem_shared>>
        tpu.wait_indirect_dma semaphore(%run_scoped3A : memref<!tpu.dma_semaphore, #tpu.memory_space<semaphore_mem>>) src(%dma_wait3A_106 : memref<10000xf32, #tpu.memory_space<vmem_shared>>) dst(%arg28 : memref<16xf32, #tpu.memory_space<vmem>>)
        tpu.yield
      }) : () -> ()
      %mul3A_99 = arith.constant 10000 : i32
      %mul3A_100 = arith.muli %arg0, %mul3A_99 : i32
      %add3A_101 = arith.constant 9984 : i32
      %add3A_102 = arith.addi %mul3A_100, %add3A_101 : i32
      "tpu.region"() ({
        %run_scoped3A = tpu.sem_alloc : memref<!tpu.dma_semaphore, #tpu.memory_space<semaphore_mem>>
        %dma_start3A_103 = tpu.memref_slice %arg9[%add3A_102] : memref<20000xf32, #tpu.memory_space<hbm>> -> memref<16xf32, #tpu.memory_space<hbm>>
        %dma_start3A_104 = tpu.memref_slice %arg9[%add3A_102] : memref<20000xf32, #tpu.memory_space<hbm>> -> memref<16xf32, #tpu.memory_space<hbm>>
        tpu.enqueue_dma source(%arg28 : memref<16xf32, #tpu.memory_space<vmem>>) target(%dma_start3A_104 : memref<16xf32, #tpu.memory_space<hbm>>) target_semaphore(%run_scoped3A : memref<!tpu.dma_semaphore, #tpu.memory_space<semaphore_mem>>)
        %dma_wait3A_105 = tpu.memref_slice %arg9[%add3A_102] : memref<20000xf32, #tpu.memory_space<hbm>> -> memref<16xf32, #tpu.memory_space<hbm>>
        %dma_wait3A_106 = tpu.memref_slice %arg9[%add3A_102] : memref<20000xf32, #tpu.memory_space<hbm>> -> memref<16xf32, #tpu.memory_space<hbm>>
        tpu.wait_dma2 semaphore(%run_scoped3A : memref<!tpu.dma_semaphore, #tpu.memory_space<semaphore_mem>>) src(%arg28 : memref<16xf32, #tpu.memory_space<vmem>>) dst(%dma_wait3A_106 : memref<16xf32, #tpu.memory_space<hbm>>)
        tpu.yield
      }) : () -> ()
    } else {
    }
    return
  }
}

module attributes {stable_mosaic.version = 14 : i64} {
  func.func @_prep_body(%arg0: i32, %arg1: memref<1000x128xf32, #tpu.memory_space<vmem>>, %arg2: memref<1x128xf32, #tpu.memory_space<vmem>>, %arg3: memref<1x128xf32, #tpu.memory_space<vmem>>, %arg4: memref<128x128xf32, #tpu.memory_space<vmem>>, %arg5: memref<128x128xf32, #tpu.memory_space<vmem>>, %arg6: memref<256x8xf32, #tpu.memory_space<vmem>>, %arg7: memref<8x128xf32, #tpu.memory_space<vmem>>, %arg8: memref<1000x128xf32, #tpu.memory_space<vmem>>, %arg9: memref<1000x128xf32, #tpu.memory_space<vmem>>, %arg10: memref<1000x128xf32, #tpu.memory_space<vmem>>, %arg11: memref<256x128xf32, #tpu.memory_space<vmem>>) attributes {dimension_semantics = [#tpu.dimension_semantics<arbitrary>], iteration_bounds = array<i64: 10>, scalar_prefetch = 0 : i64, scratch_operands = 0 : i64, tpu.core_type = #tpu.core_type<tc>, window_params = [{transform_indices = @transform_0, window_bounds = array<i64: 1000, 128>}, {pipeline_mode = #tpu.pipeline_mode<synchronous>, transform_indices = @transform_1, window_bounds = array<i64: 1, 128>}, {pipeline_mode = #tpu.pipeline_mode<synchronous>, transform_indices = @transform_2, window_bounds = array<i64: 1, 128>}, {pipeline_mode = #tpu.pipeline_mode<synchronous>, transform_indices = @transform_3, window_bounds = array<i64: 128, 128>}, {pipeline_mode = #tpu.pipeline_mode<synchronous>, transform_indices = @transform_4, window_bounds = array<i64: 128, 128>}, {pipeline_mode = #tpu.pipeline_mode<synchronous>, transform_indices = @transform_5, window_bounds = array<i64: 256, 8>}, {pipeline_mode = #tpu.pipeline_mode<synchronous>, transform_indices = @transform_6, window_bounds = array<i64: 8, 128>}, {transform_indices = @transform_7, window_bounds = array<i64: 1000, 128>}, {transform_indices = @transform_8, window_bounds = array<i64: 1000, 128>}, {transform_indices = @transform_9, window_bounds = array<i64: 1000, 128>}, {pipeline_mode = #tpu.pipeline_mode<synchronous>, transform_indices = @transform_10, window_bounds = array<i64: 256, 128>}]} {
    %get3A = arith.constant 0 : index
    %get3A_0 = arith.constant 0 : index
    %get3A_1 = vector.load %arg1[%get3A, %get3A_0] : memref<1000x128xf32, #tpu.memory_space<vmem>>, vector<1000x128xf32>
    %reduce_sum3A = arith.constant dense<0.000000e+00> : vector<1000xf32>
    %reduce_sum3A_2 = vector.multi_reduction <add>, %get3A_1, %reduce_sum3A [1] : vector<1000x128xf32> to vector<1000xf32>
    %broadcast_in_dim3A = vector.shape_cast %reduce_sum3A_2 : vector<1000xf32> to vector<1000x1xf32>
    %div3A = arith.constant 1.280000e+02 : f32
    %div3A_3 = vector.broadcast %div3A : f32 to vector<1000x1xf32>
    %div3A_4 = arith.divf %broadcast_in_dim3A, %div3A_3 : vector<1000x1xf32>
    %sub3A = vector.broadcast %div3A_4 : vector<1000x1xf32> to vector<1000x128xf32>
    %sub3A_5 = arith.subf %get3A_1, %sub3A : vector<1000x128xf32>
    %sub3A_6 = vector.broadcast %div3A_4 : vector<1000x1xf32> to vector<1000x128xf32>
    %sub3A_7 = arith.subf %get3A_1, %sub3A_6 : vector<1000x128xf32>
    %mul3A = arith.mulf %sub3A_5, %sub3A_7 : vector<1000x128xf32>
    %reduce_sum3A_8 = arith.constant dense<0.000000e+00> : vector<1000xf32>
    %reduce_sum3A_9 = vector.multi_reduction <add>, %mul3A, %reduce_sum3A_8 [1] : vector<1000x128xf32> to vector<1000xf32>
    %broadcast_in_dim3A_10 = vector.shape_cast %reduce_sum3A_9 : vector<1000xf32> to vector<1000x1xf32>
    %div3A_11 = arith.constant 1.280000e+02 : f32
    %div3A_12 = vector.broadcast %div3A_11 : f32 to vector<1000x1xf32>
    %div3A_13 = arith.divf %broadcast_in_dim3A_10, %div3A_12 : vector<1000x1xf32>
    %sub3A_14 = vector.broadcast %div3A_4 : vector<1000x1xf32> to vector<1000x128xf32>
    %sub3A_15 = arith.subf %get3A_1, %sub3A_14 : vector<1000x128xf32>
    %add3A = arith.constant 9.99999974E-6 : f32
    %add3A_16 = vector.broadcast %add3A : f32 to vector<1000x1xf32>
    %add3A_17 = arith.addf %div3A_13, %add3A_16 : vector<1000x1xf32>
    %rsqrt3A = math.rsqrt %add3A_17 : vector<1000x1xf32>
    %mul3A_18 = vector.broadcast %rsqrt3A : vector<1000x1xf32> to vector<1000x128xf32>
    %mul3A_19 = arith.mulf %sub3A_15, %mul3A_18 : vector<1000x128xf32>
    %get3A_20 = arith.constant 0 : index
    %get3A_21 = arith.constant 0 : index
    %get3A_22 = vector.load %arg2[%get3A_20, %get3A_21] : memref<1x128xf32, #tpu.memory_space<vmem>>, vector<1x128xf32>
    %mul3A_23 = vector.broadcast %get3A_22 : vector<1x128xf32> to vector<1000x128xf32>
    %mul3A_24 = arith.mulf %mul3A_19, %mul3A_23 : vector<1000x128xf32>
    %get3A_25 = arith.constant 0 : index
    %get3A_26 = arith.constant 0 : index
    %get3A_27 = vector.load %arg3[%get3A_25, %get3A_26] : memref<1x128xf32, #tpu.memory_space<vmem>>, vector<1x128xf32>
    %add3A_28 = vector.broadcast %get3A_27 : vector<1x128xf32> to vector<1000x128xf32>
    %add3A_29 = arith.addf %mul3A_24, %add3A_28 : vector<1000x128xf32>
    %swap3A = arith.constant 0 : index
    %swap3A_30 = arith.constant 0 : index
    %swap3A_31 = vector.load %arg8[%swap3A, %swap3A_30] : memref<1000x128xf32, #tpu.memory_space<vmem>>, vector<1000x128xf32>
    tpu.vector_store %arg8[%swap3A, %swap3A_30], %add3A_29 {strides = array<i32>} : memref<1000x128xf32, #tpu.memory_space<vmem>>, vector<1000x128xf32>,
    %get3A_32 = arith.constant 0 : index
    %get3A_33 = arith.constant 0 : index
    %get3A_34 = vector.load %arg4[%get3A_32, %get3A_33] : memref<128x128xf32, #tpu.memory_space<vmem>>, vector<128x128xf32>
    %dot_general3A = arith.constant dense<0.000000e+00> : vector<1000x128xf32>
    %dot_general3A_35 = tpu.matmul %add3A_29, %get3A_34, %dot_general3A {dimension_numbers = #tpu.dot_dimension_numbers<[1], [0], [0], [1], [0, 0, 1, 1], [], []>, transpose_lhs_hint = false} : vector<1000x128xf32>, vector<128x128xf32>, vector<1000x128xf32> -> vector<1000x128xf32>
    %swap3A_36 = arith.constant 0 : index
    %swap3A_37 = arith.constant 0 : index
    %swap3A_38 = vector.load %arg9[%swap3A_36, %swap3A_37] : memref<1000x128xf32, #tpu.memory_space<vmem>>, vector<1000x128xf32>
    tpu.vector_store %arg9[%swap3A_36, %swap3A_37], %dot_general3A_35 {strides = array<i32>} : memref<1000x128xf32, #tpu.memory_space<vmem>>, vector<1000x128xf32>,
    %get3A_39 = arith.constant 0 : index
    %get3A_40 = arith.constant 0 : index
    %get3A_41 = vector.load %arg5[%get3A_39, %get3A_40] : memref<128x128xf32, #tpu.memory_space<vmem>>, vector<128x128xf32>
    %dot_general3A_42 = arith.constant dense<0.000000e+00> : vector<1000x128xf32>
    %dot_general3A_43 = tpu.matmul %add3A_29, %get3A_41, %dot_general3A_42 {dimension_numbers = #tpu.dot_dimension_numbers<[1], [0], [0], [1], [0, 0, 1, 1], [], []>, transpose_lhs_hint = false} : vector<1000x128xf32>, vector<128x128xf32>, vector<1000x128xf32> -> vector<1000x128xf32>
    %swap3A_44 = arith.constant 0 : index
    %swap3A_45 = arith.constant 0 : index
    %swap3A_46 = vector.load %arg10[%swap3A_44, %swap3A_45] : memref<1000x128xf32, #tpu.memory_space<vmem>>, vector<1000x128xf32>
    tpu.vector_store %arg10[%swap3A_44, %swap3A_45], %dot_general3A_43 {strides = array<i32>} : memref<1000x128xf32, #tpu.memory_space<vmem>>, vector<1000x128xf32>,
    %get3A_47 = arith.constant 0 : index
    %get3A_48 = arith.constant 0 : index
    %get3A_49 = vector.load %arg6[%get3A_47, %get3A_48] : memref<256x8xf32, #tpu.memory_space<vmem>>, vector<256x8xf32>
    %get3A_50 = arith.constant 0 : index
    %get3A_51 = arith.constant 0 : index
    %get3A_52 = vector.load %arg7[%get3A_50, %get3A_51] : memref<8x128xf32, #tpu.memory_space<vmem>>, vector<8x128xf32>
    %dot_general3A_53 = arith.constant dense<0.000000e+00> : vector<256x128xf32>
    %dot_general3A_54 = tpu.matmul %get3A_49, %get3A_52, %dot_general3A_53 {dimension_numbers = #tpu.dot_dimension_numbers<[1], [0], [0], [1], [0, 0, 1, 1], [], []>, transpose_lhs_hint = false} : vector<256x8xf32>, vector<8x128xf32>, vector<256x128xf32> -> vector<256x128xf32>
    %swap3A_55 = arith.constant 0 : index
    %swap3A_56 = arith.constant 0 : index
    %swap3A_57 = vector.load %arg11[%swap3A_55, %swap3A_56] : memref<256x128xf32, #tpu.memory_space<vmem>>, vector<256x128xf32>
    tpu.vector_store %arg11[%swap3A_55, %swap3A_56], %dot_general3A_54 {strides = array<i32>} : memref<256x128xf32, #tpu.memory_space<vmem>>, vector<256x128xf32>,
    return
  }
  func.func @transform_0(%arg0: i32) -> (i32, i32) {
    %c0_i32 = arith.constant 0 : i32
    %c0_i32_0 = arith.constant 0 : i32
    return %arg0, %c0_i32 : i32, i32
  }
  func.func @transform_1(%arg0: i32) -> (i32, i32) {
    %c0_i32 = arith.constant 0 : i32
    %c0_i32_0 = arith.constant 0 : i32
    %c0_i32_1 = arith.constant 0 : i32
    return %c0_i32, %c0_i32_0 : i32, i32
  }
  func.func @transform_2(%arg0: i32) -> (i32, i32) {
    %c0_i32 = arith.constant 0 : i32
    %c0_i32_0 = arith.constant 0 : i32
    %c0_i32_1 = arith.constant 0 : i32
    return %c0_i32, %c0_i32_0 : i32, i32
  }
  func.func @transform_3(%arg0: i32) -> (i32, i32) {
    %c0_i32 = arith.constant 0 : i32
    %c0_i32_0 = arith.constant 0 : i32
    %c0_i32_1 = arith.constant 0 : i32
    return %c0_i32, %c0_i32_0 : i32, i32
  }
  func.func @transform_4(%arg0: i32) -> (i32, i32) {
    %c0_i32 = arith.constant 0 : i32
    %c0_i32_0 = arith.constant 0 : i32
    %c0_i32_1 = arith.constant 0 : i32
    return %c0_i32, %c0_i32_0 : i32, i32
  }
  func.func @transform_5(%arg0: i32) -> (i32, i32) {
    %c0_i32 = arith.constant 0 : i32
    %c0_i32_0 = arith.constant 0 : i32
    %c0_i32_1 = arith.constant 0 : i32
    return %c0_i32, %c0_i32_0 : i32, i32
  }
  func.func @transform_6(%arg0: i32) -> (i32, i32) {
    %c0_i32 = arith.constant 0 : i32
    %c0_i32_0 = arith.constant 0 : i32
    %c0_i32_1 = arith.constant 0 : i32
    return %c0_i32, %c0_i32_0 : i32, i32
  }
  func.func @transform_7(%arg0: i32) -> (i32, i32) {
    %c0_i32 = arith.constant 0 : i32
    %c0_i32_0 = arith.constant 0 : i32
    return %arg0, %c0_i32 : i32, i32
  }
  func.func @transform_8(%arg0: i32) -> (i32, i32) {
    %c0_i32 = arith.constant 0 : i32
    %c0_i32_0 = arith.constant 0 : i32
    return %arg0, %c0_i32 : i32, i32
  }
  func.func @transform_9(%arg0: i32) -> (i32, i32) {
    %c0_i32 = arith.constant 0 : i32
    %c0_i32_0 = arith.constant 0 : i32
    return %arg0, %c0_i32 : i32, i32
  }
  func.func @transform_10(%arg0: i32) -> (i32, i32) {
    %c0_i32 = arith.constant 0 : i32
    %c0_i32_0 = arith.constant 0 : i32
    %c0_i32_1 = arith.constant 0 : i32
    return %c0_i32, %c0_i32_0 : i32, i32
  }
}

module attributes {stable_mosaic.version = 14 : i64} {
  func.func @_edge_body(%arg0: i32, %arg1: memref<4000x128xf32, #tpu.memory_space<vmem>>, %arg2: memref<4000x128xf32, #tpu.memory_space<vmem>>, %arg3: memref<4000x128xf32, #tpu.memory_space<vmem>>, %arg4: memref<4000x8xf32, #tpu.memory_space<vmem>>, %arg5: memref<1x1x4000xi32, #tpu.memory_space<vmem>>, %arg6: memref<256x128xf32, #tpu.memory_space<vmem>>, %arg7: memref<128x128xf32, #tpu.memory_space<vmem>>, %arg8: memref<8x128xf32, #tpu.memory_space<vmem>>, %arg9: memref<1x128xf32, #tpu.memory_space<vmem>>, %arg10: memref<128x128xf32, #tpu.memory_space<vmem>>, %arg11: memref<1x128xf32, #tpu.memory_space<vmem>>, %arg12: memref<4000x128xf32, #tpu.memory_space<vmem>>) attributes {dimension_semantics = [#tpu.dimension_semantics<arbitrary>], iteration_bounds = array<i64: 40>, scalar_prefetch = 0 : i64, scratch_operands = 0 : i64, tpu.core_type = #tpu.core_type<tc>, window_params = [{transform_indices = @transform_0, window_bounds = array<i64: 4000, 128>}, {transform_indices = @transform_1, window_bounds = array<i64: 4000, 128>}, {transform_indices = @transform_2, window_bounds = array<i64: 4000, 128>}, {transform_indices = @transform_3, window_bounds = array<i64: 4000, 8>}, {transform_indices = @transform_4, window_bounds = array<i64: 1, 1, 4000>}, {pipeline_mode = #tpu.pipeline_mode<synchronous>, transform_indices = @transform_5, window_bounds = array<i64: 256, 128>}, {pipeline_mode = #tpu.pipeline_mode<synchronous>, transform_indices = @transform_6, window_bounds = array<i64: 128, 128>}, {pipeline_mode = #tpu.pipeline_mode<synchronous>, transform_indices = @transform_7, window_bounds = array<i64: 8, 128>}, {pipeline_mode = #tpu.pipeline_mode<synchronous>, transform_indices = @transform_8, window_bounds = array<i64: 1, 128>}, {pipeline_mode = #tpu.pipeline_mode<synchronous>, transform_indices = @transform_9, window_bounds = array<i64: 128, 128>}, {pipeline_mode = #tpu.pipeline_mode<synchronous>, transform_indices = @transform_10, window_bounds = array<i64: 1, 128>}, {transform_indices = @transform_11, window_bounds = array<i64: 4000, 128>}]} {
    %get3A = arith.constant 0 : index
    %get3A_0 = arith.constant 0 : index
    %get3A_1 = vector.load %arg1[%get3A, %get3A_0] : memref<4000x128xf32, #tpu.memory_space<vmem>>, vector<4000x128xf32>
    %get3A_2 = arith.constant 0 : index
    %get3A_3 = arith.constant 0 : index
    %get3A_4 = vector.load %arg2[%get3A_2, %get3A_3] : memref<4000x128xf32, #tpu.memory_space<vmem>>, vector<4000x128xf32>
    %add3A = arith.addf %get3A_1, %get3A_4 : vector<4000x128xf32>
    %get3A_5 = arith.constant 0 : index
    %get3A_6 = arith.constant 0 : index
    %get3A_7 = vector.load %arg3[%get3A_5, %get3A_6] : memref<4000x128xf32, #tpu.memory_space<vmem>>, vector<4000x128xf32>
    %get3A_8 = arith.constant 0 : index
    %get3A_9 = arith.constant 0 : index
    %get3A_10 = vector.load %arg7[%get3A_8, %get3A_9] : memref<128x128xf32, #tpu.memory_space<vmem>>, vector<128x128xf32>
    %dot_general3A = arith.constant dense<0.000000e+00> : vector<4000x128xf32>
    %dot_general3A_11 = tpu.matmul %get3A_7, %get3A_10, %dot_general3A {dimension_numbers = #tpu.dot_dimension_numbers<[1], [0], [0], [1], [0, 0, 1, 1], [], []>, transpose_lhs_hint = false} : vector<4000x128xf32>, vector<128x128xf32>, vector<4000x128xf32> -> vector<4000x128xf32>
    %add3A_12 = arith.addf %add3A, %dot_general3A_11 : vector<4000x128xf32>
    %get3A_13 = arith.constant 0 : index
    %get3A_14 = arith.constant 0 : index
    %get3A_15 = vector.load %arg4[%get3A_13, %get3A_14] : memref<4000x8xf32, #tpu.memory_space<vmem>>, vector<4000x8xf32>
    %get3A_16 = arith.constant 0 : index
    %get3A_17 = arith.constant 0 : index
    %get3A_18 = vector.load %arg8[%get3A_16, %get3A_17] : memref<8x128xf32, #tpu.memory_space<vmem>>, vector<8x128xf32>
    %dot_general3A_19 = arith.constant dense<0.000000e+00> : vector<4000x128xf32>
    %dot_general3A_20 = tpu.matmul %get3A_15, %get3A_18, %dot_general3A_19 {dimension_numbers = #tpu.dot_dimension_numbers<[1], [0], [0], [1], [0, 0, 1, 1], [], []>, transpose_lhs_hint = false} : vector<4000x8xf32>, vector<8x128xf32>, vector<4000x128xf32> -> vector<4000x128xf32>
    %add3A_21 = arith.addf %add3A_12, %dot_general3A_20 : vector<4000x128xf32>
    %get3A_22 = arith.constant 0 : index
    %get3A_23 = arith.constant 0 : index
    %get3A_24 = arith.constant 0 : index
    %get3A_25 = vector.load %arg5[%get3A_22, %get3A_23, %get3A_24] : memref<1x1x4000xi32, #tpu.memory_space<vmem>>, vector<1x1x4000xi32>
    %get3A_26 = vector.shape_cast %get3A_25 : vector<1x1x4000xi32> to vector<4000xi32>
    %broadcast_in_dim3A = vector.shape_cast %get3A_26 : vector<4000xi32> to vector<4000x1xi32>
    %iota3A = tpu.iota {dimensions = array<i32: 1>} : vector<4000x256xi32>
    %eq3A = vector.broadcast %broadcast_in_dim3A : vector<4000x1xi32> to vector<4000x256xi32>
    %eq3A_27 = arith.cmpi eq, %eq3A, %iota3A : vector<4000x256xi32>
    %convert_element_type3A = arith.extui %eq3A_27 : vector<4000x256xi1> to vector<4000x256xi32>
    %convert_element_type3A_28 = arith.sitofp %convert_element_type3A : vector<4000x256xi32> to vector<4000x256xf32>
    %get3A_29 = arith.constant 0 : index
    %get3A_30 = arith.constant 0 : index
    %get3A_31 = vector.load %arg6[%get3A_29, %get3A_30] : memref<256x128xf32, #tpu.memory_space<vmem>>, vector<256x128xf32>
    %dot_general3A_32 = arith.constant dense<0.000000e+00> : vector<4000x128xf32>
    %dot_general3A_33 = tpu.matmul %convert_element_type3A_28, %get3A_31, %dot_general3A_32 {dimension_numbers = #tpu.dot_dimension_numbers<[1], [0], [0], [1], [0, 0, 1, 1], [], []>, transpose_lhs_hint = false} : vector<4000x256xf32>, vector<256x128xf32>, vector<4000x128xf32> -> vector<4000x128xf32>
    %add3A_34 = arith.addf %add3A_21, %dot_general3A_33 : vector<4000x128xf32>
    %get3A_35 = arith.constant 0 : index
    %get3A_36 = arith.constant 0 : index
    %get3A_37 = vector.load %arg9[%get3A_35, %get3A_36] : memref<1x128xf32, #tpu.memory_space<vmem>>, vector<1x128xf32>
    %add3A_38 = vector.broadcast %get3A_37 : vector<1x128xf32> to vector<4000x128xf32>
    %add3A_39 = arith.addf %add3A_34, %add3A_38 : vector<4000x128xf32>
    %logistic3A = arith.negf %add3A_39 : vector<4000x128xf32>
    %logistic3A_40 = math.exp %logistic3A : vector<4000x128xf32>
    %logistic3A_41 = arith.constant 1.000000e+00 : f32
    %logistic3A_42 = vector.broadcast %logistic3A_41 : f32 to vector<4000x128xf32>
    %logistic3A_43 = arith.addf %logistic3A_42, %logistic3A_40 : vector<4000x128xf32>
    %logistic3A_44 = arith.divf %logistic3A_42, %logistic3A_43 : vector<4000x128xf32>
    %mul3A = arith.mulf %add3A_39, %logistic3A_44 : vector<4000x128xf32>
    %get3A_45 = arith.constant 0 : index
    %get3A_46 = arith.constant 0 : index
    %get3A_47 = vector.load %arg10[%get3A_45, %get3A_46] : memref<128x128xf32, #tpu.memory_space<vmem>>, vector<128x128xf32>
    %dot_general3A_48 = arith.constant dense<0.000000e+00> : vector<4000x128xf32>
    %dot_general3A_49 = tpu.matmul %mul3A, %get3A_47, %dot_general3A_48 {dimension_numbers = #tpu.dot_dimension_numbers<[1], [0], [0], [1], [0, 0, 1, 1], [], []>, transpose_lhs_hint = false} : vector<4000x128xf32>, vector<128x128xf32>, vector<4000x128xf32> -> vector<4000x128xf32>
    %get3A_50 = arith.constant 0 : index
    %get3A_51 = arith.constant 0 : index
    %get3A_52 = vector.load %arg11[%get3A_50, %get3A_51] : memref<1x128xf32, #tpu.memory_space<vmem>>, vector<1x128xf32>
    %add3A_53 = vector.broadcast %get3A_52 : vector<1x128xf32> to vector<4000x128xf32>
    %add3A_54 = arith.addf %dot_general3A_49, %add3A_53 : vector<4000x128xf32>
    %logistic3A_55 = arith.negf %add3A_54 : vector<4000x128xf32>
    %logistic3A_56 = math.exp %logistic3A_55 : vector<4000x128xf32>
    %logistic3A_57 = arith.constant 1.000000e+00 : f32
    %logistic3A_58 = vector.broadcast %logistic3A_57 : f32 to vector<4000x128xf32>
    %logistic3A_59 = arith.addf %logistic3A_58, %logistic3A_56 : vector<4000x128xf32>
    %logistic3A_60 = arith.divf %logistic3A_58, %logistic3A_59 : vector<4000x128xf32>
    %mul3A_61 = arith.mulf %add3A_54, %logistic3A_60 : vector<4000x128xf32>
    %swap3A = arith.constant 0 : index
    %swap3A_62 = arith.constant 0 : index
    %swap3A_63 = vector.load %arg12[%swap3A, %swap3A_62] : memref<4000x128xf32, #tpu.memory_space<vmem>>, vector<4000x128xf32>
    tpu.vector_store %arg12[%swap3A, %swap3A_62], %mul3A_61 {strides = array<i32>} : memref<4000x128xf32, #tpu.memory_space<vmem>>, vector<4000x128xf32>,
    return
  }
  func.func @transform_0(%arg0: i32) -> (i32, i32) {
    %c0_i32 = arith.constant 0 : i32
    %c0_i32_0 = arith.constant 0 : i32
    return %arg0, %c0_i32 : i32, i32
  }
  func.func @transform_1(%arg0: i32) -> (i32, i32) {
    %c0_i32 = arith.constant 0 : i32
    %c0_i32_0 = arith.constant 0 : i32
    return %arg0, %c0_i32 : i32, i32
  }
  func.func @transform_2(%arg0: i32) -> (i32, i32) {
    %c0_i32 = arith.constant 0 : i32
    %c0_i32_0 = arith.constant 0 : i32
    return %arg0, %c0_i32 : i32, i32
  }
  func.func @transform_3(%arg0: i32) -> (i32, i32) {
    %c0_i32 = arith.constant 0 : i32
    %c0_i32_0 = arith.constant 0 : i32
    return %arg0, %c0_i32 : i32, i32
  }
  func.func @transform_4(%arg0: i32) -> (i32, i32, i32) {
    %c0_i32 = arith.constant 0 : i32
    %c0_i32_0 = arith.constant 0 : i32
    %c0_i32_1 = arith.constant 0 : i32
    return %arg0, %c0_i32, %c0_i32_0 : i32, i32, i32
  }
  func.func @transform_5(%arg0: i32) -> (i32, i32) {
    %c0_i32 = arith.constant 0 : i32
    %c0_i32_0 = arith.constant 0 : i32
    %c0_i32_1 = arith.constant 0 : i32
    return %c0_i32, %c0_i32_0 : i32, i32
  }
  func.func @transform_6(%arg0: i32) -> (i32, i32) {
    %c0_i32 = arith.constant 0 : i32
    %c0_i32_0 = arith.constant 0 : i32
    %c0_i32_1 = arith.constant 0 : i32
    return %c0_i32, %c0_i32_0 : i32, i32
  }
  func.func @transform_7(%arg0: i32) -> (i32, i32) {
    %c0_i32 = arith.constant 0 : i32
    %c0_i32_0 = arith.constant 0 : i32
    %c0_i32_1 = arith.constant 0 : i32
    return %c0_i32, %c0_i32_0 : i32, i32
  }
  func.func @transform_8(%arg0: i32) -> (i32, i32) {
    %c0_i32 = arith.constant 0 : i32
    %c0_i32_0 = arith.constant 0 : i32
    %c0_i32_1 = arith.constant 0 : i32
    return %c0_i32, %c0_i32_0 : i32, i32
  }
  func.func @transform_9(%arg0: i32) -> (i32, i32) {
    %c0_i32 = arith.constant 0 : i32
    %c0_i32_0 = arith.constant 0 : i32
    %c0_i32_1 = arith.constant 0 : i32
    return %c0_i32, %c0_i32_0 : i32, i32
  }
  func.func @transform_10(%arg0: i32) -> (i32, i32) {
    %c0_i32 = arith.constant 0 : i32
    %c0_i32_0 = arith.constant 0 : i32
    %c0_i32_1 = arith.constant 0 : i32
    return %c0_i32, %c0_i32_0 : i32, i32
  }
  func.func @transform_11(%arg0: i32) -> (i32, i32) {
    %c0_i32 = arith.constant 0 : i32
    %c0_i32_0 = arith.constant 0 : i32
    return %arg0, %c0_i32 : i32, i32
  }
}

module attributes {stable_mosaic.version = 14 : i64} {
  func.func @_node_body(%arg0: i32, %arg1: memref<1000x128xf32, #tpu.memory_space<vmem>>, %arg2: memref<1000x128xf32, #tpu.memory_space<vmem>>, %arg3: memref<1000x128xf32, #tpu.memory_space<vmem>>, %arg4: memref<1000x128xf32, #tpu.memory_space<vmem>>, %arg5: memref<1x1x1000xf32, #tpu.memory_space<vmem>>, %arg6: memref<1x1x1000xf32, #tpu.memory_space<vmem>>, %arg7: memref<128x128xf32, #tpu.memory_space<vmem>>, %arg8: memref<128x128xf32, #tpu.memory_space<vmem>>, %arg9: memref<1x128xf32, #tpu.memory_space<vmem>>, %arg10: memref<128x128xf32, #tpu.memory_space<vmem>>, %arg11: memref<1x128xf32, #tpu.memory_space<vmem>>, %arg12: memref<1000x128xf32, #tpu.memory_space<vmem>>) attributes {dimension_semantics = [#tpu.dimension_semantics<arbitrary>], iteration_bounds = array<i64: 10>, scalar_prefetch = 0 : i64, scratch_operands = 0 : i64, tpu.core_type = #tpu.core_type<tc>, window_params = [{transform_indices = @transform_0, window_bounds = array<i64: 1000, 128>}, {transform_indices = @transform_1, window_bounds = array<i64: 1000, 128>}, {transform_indices = @transform_2, window_bounds = array<i64: 1000, 128>}, {transform_indices = @transform_3, window_bounds = array<i64: 1000, 128>}, {transform_indices = @transform_4, window_bounds = array<i64: 1, 1, 1000>}, {transform_indices = @transform_5, window_bounds = array<i64: 1, 1, 1000>}, {pipeline_mode = #tpu.pipeline_mode<synchronous>, transform_indices = @transform_6, window_bounds = array<i64: 128, 128>}, {pipeline_mode = #tpu.pipeline_mode<synchronous>, transform_indices = @transform_7, window_bounds = array<i64: 128, 128>}, {pipeline_mode = #tpu.pipeline_mode<synchronous>, transform_indices = @transform_8, window_bounds = array<i64: 1, 128>}, {pipeline_mode = #tpu.pipeline_mode<synchronous>, transform_indices = @transform_9, window_bounds = array<i64: 128, 128>}, {pipeline_mode = #tpu.pipeline_mode<synchronous>, transform_indices = @transform_10, window_bounds = array<i64: 1, 128>}, {transform_indices = @transform_11, window_bounds = array<i64: 1000, 128>}]} {
    %get3A = arith.constant 0 : index
    %get3A_0 = arith.constant 0 : index
    %get3A_1 = vector.load %arg3[%get3A, %get3A_0] : memref<1000x128xf32, #tpu.memory_space<vmem>>, vector<1000x128xf32>
    %get3A_2 = arith.constant 0 : index
    %get3A_3 = arith.constant 0 : index
    %get3A_4 = vector.load %arg4[%get3A_2, %get3A_3] : memref<1000x128xf32, #tpu.memory_space<vmem>>, vector<1000x128xf32>
    %add3A = arith.addf %get3A_1, %get3A_4 : vector<1000x128xf32>
    %get3A_5 = arith.constant 0 : index
    %get3A_6 = arith.constant 0 : index
    %get3A_7 = arith.constant 0 : index
    %get3A_8 = vector.load %arg5[%get3A_5, %get3A_6, %get3A_7] : memref<1x1x1000xf32, #tpu.memory_space<vmem>>, vector<1x1x1000xf32>
    %get3A_9 = vector.shape_cast %get3A_8 : vector<1x1x1000xf32> to vector<1000xf32>
    %get3A_10 = arith.constant 0 : index
    %get3A_11 = arith.constant 0 : index
    %get3A_12 = arith.constant 0 : index
    %get3A_13 = vector.load %arg6[%get3A_10, %get3A_11, %get3A_12] : memref<1x1x1000xf32, #tpu.memory_space<vmem>>, vector<1x1x1000xf32>
    %get3A_14 = vector.shape_cast %get3A_13 : vector<1x1x1000xf32> to vector<1000xf32>
    %add3A_15 = arith.addf %get3A_9, %get3A_14 : vector<1000xf32>
    %broadcast_in_dim3A = vector.shape_cast %add3A_15 : vector<1000xf32> to vector<1000x1xf32>
    %max3A = arith.constant 1.000000e+00 : f32
    %max3A_16 = vector.broadcast %max3A : f32 to vector<1000x1xf32>
    %max3A_17 = arith.maximumf %broadcast_in_dim3A, %max3A_16 : vector<1000x1xf32>
    %div3A = vector.broadcast %max3A_17 : vector<1000x1xf32> to vector<1000x128xf32>
    %div3A_18 = arith.divf %add3A, %div3A : vector<1000x128xf32>
    %get3A_19 = arith.constant 0 : index
    %get3A_20 = arith.constant 0 : index
    %get3A_21 = vector.load %arg2[%get3A_19, %get3A_20] : memref<1000x128xf32, #tpu.memory_space<vmem>>, vector<1000x128xf32>
    %get3A_22 = arith.constant 0 : index
    %get3A_23 = arith.constant 0 : index
    %get3A_24 = vector.load %arg7[%get3A_22, %get3A_23] : memref<128x128xf32, #tpu.memory_space<vmem>>, vector<128x128xf32>
    %dot_general3A = arith.constant dense<0.000000e+00> : vector<1000x128xf32>
    %dot_general3A_25 = tpu.matmul %get3A_21, %get3A_24, %dot_general3A {dimension_numbers = #tpu.dot_dimension_numbers<[1], [0], [0], [1], [0, 0, 1, 1], [], []>, transpose_lhs_hint = false} : vector<1000x128xf32>, vector<128x128xf32>, vector<1000x128xf32> -> vector<1000x128xf32>
    %get3A_26 = arith.constant 0 : index
    %get3A_27 = arith.constant 0 : index
    %get3A_28 = vector.load %arg8[%get3A_26, %get3A_27] : memref<128x128xf32, #tpu.memory_space<vmem>>, vector<128x128xf32>
    %dot_general3A_29 = arith.constant dense<0.000000e+00> : vector<1000x128xf32>
    %dot_general3A_30 = tpu.matmul %div3A_18, %get3A_28, %dot_general3A_29 {dimension_numbers = #tpu.dot_dimension_numbers<[1], [0], [0], [1], [0, 0, 1, 1], [], []>, transpose_lhs_hint = false} : vector<1000x128xf32>, vector<128x128xf32>, vector<1000x128xf32> -> vector<1000x128xf32>
    %add3A_31 = arith.addf %dot_general3A_25, %dot_general3A_30 : vector<1000x128xf32>
    %get3A_32 = arith.constant 0 : index
    %get3A_33 = arith.constant 0 : index
    %get3A_34 = vector.load %arg9[%get3A_32, %get3A_33] : memref<1x128xf32, #tpu.memory_space<vmem>>, vector<1x128xf32>
    %add3A_35 = vector.broadcast %get3A_34 : vector<1x128xf32> to vector<1000x128xf32>
    %add3A_36 = arith.addf %add3A_31, %add3A_35 : vector<1000x128xf32>
    %logistic3A = arith.negf %add3A_36 : vector<1000x128xf32>
    %logistic3A_37 = math.exp %logistic3A : vector<1000x128xf32>
    %logistic3A_38 = arith.constant 1.000000e+00 : f32
    %logistic3A_39 = vector.broadcast %logistic3A_38 : f32 to vector<1000x128xf32>
    %logistic3A_40 = arith.addf %logistic3A_39, %logistic3A_37 : vector<1000x128xf32>
    %logistic3A_41 = arith.divf %logistic3A_39, %logistic3A_40 : vector<1000x128xf32>
    %mul3A = arith.mulf %add3A_36, %logistic3A_41 : vector<1000x128xf32>
    %get3A_42 = arith.constant 0 : index
    %get3A_43 = arith.constant 0 : index
    %get3A_44 = vector.load %arg10[%get3A_42, %get3A_43] : memref<128x128xf32, #tpu.memory_space<vmem>>, vector<128x128xf32>
    %dot_general3A_45 = arith.constant dense<0.000000e+00> : vector<1000x128xf32>
    %dot_general3A_46 = tpu.matmul %mul3A, %get3A_44, %dot_general3A_45 {dimension_numbers = #tpu.dot_dimension_numbers<[1], [0], [0], [1], [0, 0, 1, 1], [], []>, transpose_lhs_hint = false} : vector<1000x128xf32>, vector<128x128xf32>, vector<1000x128xf32> -> vector<1000x128xf32>
    %get3A_47 = arith.constant 0 : index
    %get3A_48 = arith.constant 0 : index
    %get3A_49 = vector.load %arg11[%get3A_47, %get3A_48] : memref<1x128xf32, #tpu.memory_space<vmem>>, vector<1x128xf32>
    %add3A_50 = vector.broadcast %get3A_49 : vector<1x128xf32> to vector<1000x128xf32>
    %add3A_51 = arith.addf %dot_general3A_46, %add3A_50 : vector<1000x128xf32>
    %get3A_52 = arith.constant 0 : index
    %get3A_53 = arith.constant 0 : index
    %get3A_54 = vector.load %arg1[%get3A_52, %get3A_53] : memref<1000x128xf32, #tpu.memory_space<vmem>>, vector<1000x128xf32>
    %logistic3A_55 = arith.negf %add3A_51 : vector<1000x128xf32>
    %logistic3A_56 = math.exp %logistic3A_55 : vector<1000x128xf32>
    %logistic3A_57 = arith.constant 1.000000e+00 : f32
    %logistic3A_58 = vector.broadcast %logistic3A_57 : f32 to vector<1000x128xf32>
    %logistic3A_59 = arith.addf %logistic3A_58, %logistic3A_56 : vector<1000x128xf32>
    %logistic3A_60 = arith.divf %logistic3A_58, %logistic3A_59 : vector<1000x128xf32>
    %mul3A_61 = arith.mulf %add3A_51, %logistic3A_60 : vector<1000x128xf32>
    %add3A_62 = arith.addf %get3A_54, %mul3A_61 : vector<1000x128xf32>
    %swap3A = arith.constant 0 : index
    %swap3A_63 = arith.constant 0 : index
    %swap3A_64 = vector.load %arg12[%swap3A, %swap3A_63] : memref<1000x128xf32, #tpu.memory_space<vmem>>, vector<1000x128xf32>
    tpu.vector_store %arg12[%swap3A, %swap3A_63], %add3A_62 {strides = array<i32>} : memref<1000x128xf32, #tpu.memory_space<vmem>>, vector<1000x128xf32>,
    return
  }
  func.func @transform_0(%arg0: i32) -> (i32, i32) {
    %c0_i32 = arith.constant 0 : i32
    %c0_i32_0 = arith.constant 0 : i32
    return %arg0, %c0_i32 : i32, i32
  }
  func.func @transform_1(%arg0: i32) -> (i32, i32) {
    %c0_i32 = arith.constant 0 : i32
    %c0_i32_0 = arith.constant 0 : i32
    return %arg0, %c0_i32 : i32, i32
  }
  func.func @transform_2(%arg0: i32) -> (i32, i32) {
    %c0_i32 = arith.constant 0 : i32
    %c0_i32_0 = arith.constant 0 : i32
    return %arg0, %c0_i32 : i32, i32
  }
  func.func @transform_3(%arg0: i32) -> (i32, i32) {
    %add3A = arith.constant 10 : i32
    %add3A_0 = arith.addi %arg0, %add3A : i32
    %c0_i32 = arith.constant 0 : i32
    %c0_i32_1 = arith.constant 0 : i32
    return %add3A_0, %c0_i32 : i32, i32
  }
  func.func @transform_4(%arg0: i32) -> (i32, i32, i32) {
    %c0_i32 = arith.constant 0 : i32
    %c0_i32_0 = arith.constant 0 : i32
    %c0_i32_1 = arith.constant 0 : i32
    return %arg0, %c0_i32, %c0_i32_0 : i32, i32, i32
  }
  func.func @transform_5(%arg0: i32) -> (i32, i32, i32) {
    %add3A = arith.constant 10 : i32
    %add3A_0 = arith.addi %arg0, %add3A : i32
    %c0_i32 = arith.constant 0 : i32
    %c0_i32_1 = arith.constant 0 : i32
    %c0_i32_2 = arith.constant 0 : i32
    return %add3A_0, %c0_i32, %c0_i32_1 : i32, i32, i32
  }
  func.func @transform_6(%arg0: i32) -> (i32, i32) {
    %c0_i32 = arith.constant 0 : i32
    %c0_i32_0 = arith.constant 0 : i32
    %c0_i32_1 = arith.constant 0 : i32
    return %c0_i32, %c0_i32_0 : i32, i32
  }
  func.func @transform_7(%arg0: i32) -> (i32, i32) {
    %c0_i32 = arith.constant 0 : i32
    %c0_i32_0 = arith.constant 0 : i32
    %c0_i32_1 = arith.constant 0 : i32
    return %c0_i32, %c0_i32_0 : i32, i32
  }
  func.func @transform_8(%arg0: i32) -> (i32, i32) {
    %c0_i32 = arith.constant 0 : i32
    %c0_i32_0 = arith.constant 0 : i32
    %c0_i32_1 = arith.constant 0 : i32
    return %c0_i32, %c0_i32_0 : i32, i32
  }
  func.func @transform_9(%arg0: i32) -> (i32, i32) {
    %c0_i32 = arith.constant 0 : i32
    %c0_i32_0 = arith.constant 0 : i32
    %c0_i32_1 = arith.constant 0 : i32
    return %c0_i32, %c0_i32_0 : i32, i32
  }
  func.func @transform_10(%arg0: i32) -> (i32, i32) {
    %c0_i32 = arith.constant 0 : i32
    %c0_i32_0 = arith.constant 0 : i32
    %c0_i32_1 = arith.constant 0 : i32
    return %c0_i32, %c0_i32_0 : i32, i32
  }
  func.func @transform_11(%arg0: i32) -> (i32, i32) {
    %c0_i32 = arith.constant 0 : i32
    %c0_i32_0 = arith.constant 0 : i32
    return %arg0, %c0_i32 : i32, i32
  }
}

</mosaic_0001>

<sc_bundles>
// kernel: kernel.10.cloned.1.call-start
scs
__scs_entry_jumppad:
0x0: {  	(pc) =	sbr.rel $0x88, $3  }
0x1: {  	(tag) =	ssettag $0x0;
	lr =	simm.s32 $0x1  }
0x2: {  	[smem:$0x3F91] =	sst lr;
	_ =	strace $0xD0000000  }
0x3: {  	_ = 	snop  }
0x4: {  	_ = 	snop  }
0x5: {  	_ = 	snop  }
0x6: {  	_ = 	snop  }
0x7: {  	_ = 	snop  }
__scs_overlays_trampoline_lowered:
0x8: {  	[smem:$0x3FA0] =	sst s0  }
0x9: {  	[smem:$0x3FA1] =	sst s1  }
0xa: {  	[smem:$0x3FA2] =	sst s2  }
0xb: {  	[smem:$0x3FA3] =	sst s3  }
0xc: {  	[smem:$0x3FA4] =	sst s4  }
0xd: {  	[smem:$0x3FA5] =	sst s5  }
0xe: {  	[smem:$0x3FA6] =	sst s6  }
0xf: {  	[smem:$0x3FA7] =	sst s7  }
0x10: {  	[smem:$0x3FA8] =	sst s8  }
0x11: {  	[smem:$0x3FA9] =	sst s9;
	s0 =	simm.s32 @!p0 $0x0  }
0x12: {  	s1 =	sld [smem:$0x3F8F];
	s0 =	simm.s32 @p0 $0x1  }
0x13: {  	[smem:$0x3FAA] =	sst s0;
	s0 =	simm.s32 @!p1 $0x0  }
0x14: {  	s2 =	sld [smem:$0x3F8E];
	s0 =	simm.s32 @p1 $0x1  }
0x15: {  	[smem:$0x3FAB] =	sst s0;
	s0 =	simm.s32 @!p2 $0x0  }
0x16: {  	s3 =	sld [smem:$0x3FDB];
	s0 =	simm.s32 @p2 $0x1  }
0x17: {  	s4 =	simm.s32 $0x1BF5;
	[smem:$0x3FAD] =	sst s0  }
0x18: {  	s0 =	sld [smem:$0x3F90];
	_ =	swait.ge [sflag:s4], $0x0  }
0x19: {  	s7 =	sld [smem:$0x3F91]  }
0x1a: {  	s8 =	sadd.s32 $0xFFFFE003, lr  }
0x1b: {  	s9 =	sadd.s32 $0xFFFFFEF7, lr;
	s5 =	simm.s32 $0xFFFFFFFF;
	p2 =	slt.u32 s8, $0xFFFFF086  }
0x1c: {  	p1 =	slt.u32 s9, $0xF7A;
	s5 =	simm.s32 @!p2 $0x0  }
0x1d: {  	s5 =	simm.s32 @p1 $0x1;
	p0 =	seq.s32 s7, s2  }
0x1e: {  	s7 =	smul.u32 @!p0 $0xF7A, s2;
	p2 =	seq.s32 @!p0 s5, $0x0  }
0x1f: {  	s9 =	smul.u32 $0xF7A, s1;
	s8 =	simm.s32 @!p0 $0x1BF5;
	p2 =	por !p2, p0  }
0x20: {  	[sflag:s8] =	ssyncset.s32 @!p0 $0xFFFFF086;
	s6 =	sadd.s32 @!p0 s3, s7;
	s7 =	simm.s32 @!p0 $0x108  }
0x21: {  	s3 =	sadd.s32 s3, s9;
	s6 =	sadd.s32 @!p0 $0x88, s6;
	s7 =	simm.s32 @p2 $0x1082  }
0x22: {  	[simem:s7], [sflag:s8] =	dma.local @!p0 [hbm:s6], $0xF7A  }
0x23: {  	s9 =	sor.u32 $0xD0000000, s2;
	s6 =	simm.s32 $0x108;
	_ =	swait.ge @!p0 [sflag:s8], $0x0  }
0x24: {  	s3 =	sadd.s32 $0x88, s3;
	s6 =	simm.s32 @!p1 $0x1082;
	[sflag:s4] =	ssyncset.s32 $0xFFFFF086  }
0x25: {  	[simem:s6], [sflag:s4] =	dma.local [hbm:s3], $0xF7A  }
0x26: {  	[smem:$0x3F91] =	sst s1;
	(tag) =	ssettag s2;
	_ =	strace s9  }
0x27: {  	s1 =	sld [smem:$0x3FA1]  }
0x28: {  	s2 =	sld [smem:$0x3FA2]  }
0x29: {  	s4 =	sld [smem:$0x3FA4]  }
0x2a: {  	p0 =	seq.s32 s5, $0x0;
	s5 =	sld [smem:$0x3FA5]  }
0x2b: {  	s6 =	sld [smem:$0x3FA6]  }
0x2c: {  	s7 =	sld [smem:$0x3FA7]  }
0x2d: {  	s3 =	simm.s32 $0x108;
	s8 =	sld [smem:$0x3FA8]  }
0x2e: {  	s3 =	simm.s32 @!p0 $0x1082;
	s9 =	sld [smem:$0x3FA9]  }
0x2f: {  	lr =	sadd.s32 s0, s3;
	s0 =	sld [smem:$0x3FA0]  }
0x30: {  	s3 =	sld [smem:$0x3FA3]  }
0x31: {  	[smem:$0x3FAC] =	sst s10  }
0x32: {  	s10 =	sld [smem:$0x3FAA];
	_ =	sdelay $0x3  }
0x33: {  	p0 =	seq.s32 s10, $0x1;
	s10 =	sld [smem:$0x3FAC];
	_ =	sdelay $0x3  }
0x34: {  	[smem:$0x3FAC] =	sst s10  }
0x35: {  	s10 =	sld [smem:$0x3FAB];
	_ =	sdelay $0x3  }
0x36: {  	p1 =	seq.s32 s10, $0x1;
	s10 =	sld [smem:$0x3FAC];
	_ =	sdelay $0x3  }
0x37: {  	[smem:$0x3FAC] =	sst s10  }
0x38: {  	s10 =	sld [smem:$0x3FAD]  }
0x39: {  	_ = 	snop;
	(pc) =	sbr.ind lr, $3  }
0x3a: {  	_ = 	snop  }
0x3b: {  	_ = 	snop  }
0x3c: {  	p2 =	seq.s32 s10, $0x1;
	s10 =	sld [smem:$0x3FAC]  }
0x3d: {  	_ =	shalt  }
0x3e: {  	_ =	shalt  }
0x3f: {  	_ =	shalt  }
0x40: {  	_ =	shalt  }
0x41: {  	_ =	shalt  }
0x42: {  	_ =	shalt  }
0x43: {  	_ =	shalt  }
0x44: {  	_ =	shalt  }
0x45: {  	_ =	shalt  }
0x46: {  	_ =	shalt  }
0x47: {  	_ =	shalt  }
0x48: {  	_ =	shalt  }
0x49: {  	_ =	shalt  }
0x4a: {  	_ =	shalt  }
0x4b: {  	_ =	shalt  }
0x4c: {  	_ =	shalt  }
0x4d: {  	_ =	shalt  }
0x4e: {  	_ =	shalt  }
0x4f: {  	_ =	shalt  }
0x50: {  	_ =	shalt  }
0x51: {  	_ =	shalt  }
0x52: {  	_ =	shalt  }
0x53: {  	_ =	shalt  }
0x54: {  	_ =	shalt  }
0x55: {  	_ =	shalt  }
0x56: {  	_ =	shalt  }
0x57: {  	_ =	shalt  }
0x58: {  	_ =	shalt  }
0x59: {  	_ =	shalt  }
0x5a: {  	_ =	shalt  }
0x5b: {  	_ =	shalt  }
0x5c: {  	_ =	shalt  }
0x5d: {  	_ =	shalt  }
0x5e: {  	_ =	shalt  }
0x5f: {  	_ =	shalt  }
0x60: {  	_ =	shalt  }
0x61: {  	_ =	shalt  }
0x62: {  	_ =	shalt  }
0x63: {  	_ =	shalt  }
0x64: {  	_ =	shalt  }
0x65: {  	_ =	shalt  }
0x66: {  	_ =	shalt  }
0x67: {  	_ =	shalt  }
0x68: {  	_ =	shalt  }
0x69: {  	_ =	shalt  }
0x6a: {  	_ =	shalt  }
0x6b: {  	_ =	shalt  }
0x6c: {  	_ =	shalt  }
0x6d: {  	_ =	shalt  }
0x6e: {  	_ =	shalt  }
0x6f: {  	_ =	shalt  }
0x70: {  	_ =	shalt  }
0x71: {  	_ =	shalt  }
0x72: {  	_ =	shalt  }
0x73: {  	_ =	shalt  }
0x74: {  	_ =	shalt  }
0x75: {  	_ =	shalt  }
0x76: {  	_ =	shalt  }
0x77: {  	_ =	shalt  }
0x78: {  	_ =	shalt  }
0x79: {  	_ =	shalt  }
0x7a: {  	_ =	shalt  }
0x7b: {  	_ =	shalt  }
0x7c: {  	_ =	shalt  }
0x7d: {  	_ =	shalt  }
0x7e: {  	_ =	shalt  }
0x7f: {  	_ =	shalt  }
0x80: {  	_ =	shalt  }
0x81: {  	_ =	shalt  }
0x82: {  	_ =	shalt  }
0x83: {  	_ =	shalt  }
0x84: {  	_ =	shalt  }
0x85: {  	_ =	shalt  }
0x86: {  	_ =	shalt  }
0x87: {  	_ =	shalt  }
.Lfunc_end0:
.L_simem_size_0:
called_computation.1_lowered:
.L_overlay_start_0:
0x88: {  	s2 =	sld [smem:$0x3FD9]  }
0x89: {  	s3 =	sld [smem:$0x3FFE];
	_ =	sdelay $0x1  }
0x8a: {  	s1 =	srdreg.scid  }
0x8b: {  	s0 =	sand.u32 $0x1, s1  }
0x8c: {  	s16 =	sshll.u32 s0, $0xA;
	s2 =	sadd.s32 s3, s2  }
0x8d: {  	s2 =	sadd.s32 s2, s16  }
0x8e: {  	[smem:$0x3FB8] =	sst s2  }
0x8f: {  	_ = 	snop  }
0x90: {  	(tm) =	ssettm $0x1  }
0x91: {  	s17 =	sld [smem:$0x3FFB];
	_ =	sdelay $0x3  }
0x92: {  	_ =	strace s17  }
0x93: {  	s2 =	sld [smem:$0x3FFC];
	_ =	sdelay $0x3  }
0x94: {  	_ =	strace s2  }
0x95: {  	s2 =	sld [smem:$0x3FFD];
	_ =	sdelay $0x3  }
0x96: {  	_ =	strace s2  }
0x97: {  	_ =	strace $0x8FFFFFFF  }
0x98: {  	s18 =	sld [smem:$0x3FDB];
	_ =	sdelay $0x1  }
0x99: {  	s19 =	simm.s32 $_scs_section_size  }
0x9a: {  	s4 =	simm.s32 $_size__tile_overlayer_lowered;
	s5 =	simm.s32 $_tile_overlayer_lowered  }
0x9b: {  	s22 =	simm.s32 $0x1BFF;
	s21 =	sshll.u32 s5, $0x1;
	s2 =	sadd.s32 s19, s18  }
0x9c: {  	s6 =	simm.s32 $0x0;
	s20 =	sshll.u32 s4, $0x1;
	s4 =	sadd.s32 s21, s2  }
0x9d: {  	[timem:s6], [sflag:s22] =	dma.local [hbm:s4], s20  }
0x9e: {  	_ =	swait.ge [sflag:s22], s20  }
0x9f: {  	s3 =	ssub.s32 $0x0, s20;
	[sflag:s22] =	ssyncset.done $0x0  }
0xa0: {  	[sflag:s22] =	ssyncadd.s32 s3;
	_ =	sdelay $0x1  }
0xa1: {  	s23 =	simm.s32 $0x1B8B  }
0xa2: {  	_ =	swait.ge [sflag:s23], $0x1  }
0xa3: {  	[sflag:s23] =	ssyncset.done $0x0  }
0xa4: {  	s25 =	simm.s32 $0x1B8E;
	s24 =	sld [smem:$0x3FFE];
	[sflag:s23] =	ssyncadd.s32 $0xFFFFFFFF  }
0xa5: {  	s26 =	simm.s32 $execute0_lowered;
	[smem:$0x3FD2] =	sst s25  }
0xa6: {  	s4 =	sshll.u32 s26, $0x1;
	_ =	strace $0x80000049;
	[dreg:$0x1] =	wrdreg $0xFFFFFFFF  }
0xa7: {  	s28 =	simm.s32 $_size_execute0_lowered;
	s2 =	sadd.s32 s2, s4;
	[dreg:$0x0] =	wrdreg $0x0  }
0xa8: {  	s4 =	sshll.u32 s28, $0x1;
	[dreg:$0x2] =	wrdreg s2  }
0xa9: {  	[dreg:$0x3] =	wrdreg s4  }
0xaa: {  	[dreg:$0x4] =	wrdreg $0xC0  }
0xab: {  	_ =	task [dreg:s6], $0x5FFFF  }
0xac: {  	[dreg:$0x1] =	wrdreg $0xFFFFFFFF  }
0xad: {  	[dreg:$0x0] =	wrdreg $0x60  }
0xae: {  	[dreg:$0x2] =	wrdreg s24  }
0xaf: {  	[dreg:$0x3] =	wrdreg $0x7E000  }
0xb0: {  	[dreg:$0x4] =	wrdreg $0x1B6800  }
0xb1: {  	[dreg:$0x5] =	wrdreg $0x9  }
0xb2: {  	_ =	task.clear_ibuf [dreg:s6], $0x6FFFF;
	_ =	strace $0x90000049  }
0xb3: {  	s29 =	simm.s32 $0x9;
	_ =	strace $0x8000004B  }
0xb4: {  	_ =	swait.ge [sflag:s29], $0x1  }
0xb5: {  	[sflag:s29] =	ssyncadd.s32 $0xFFFFFFFF  }
0xb6: {  	_ =	strace $0x9000004B  }
0xb7: {  	_ =	sfence  }
0xb8: {  	s30 =	sld [smem:$0x0];
	_ =	sdelay $0x2  }
0xb9: {  	s31 =	sshll.u32 s1, $0xD;
	s1 =	sshrl.u32 s1, $0x2  }
0xba: {  	s3 =	sand.u32 $0x4000, s31;
	s1 =	sadd.s32 s1, s30  }
0xbb: {  	s0 =	sor.u32 s3, s0;
	s1 =	sshll.u32 s1, $0x11  }
0xbc: {  	s0 =	sor.u32 s1, s0  }
0xbd: {  	s0 =	sadd.s32 $0x8F2B, s0  }
0xbe: {  	[sflag:s0] =	ssyncadd.remote.s32 $0x1  }
0xbf: {  	_ =	sfence.sel $0xFFFF  }
0xc0: {  	[dreg:$0x0] =	wrdreg $0xFFFFFFFF;
	(pc) =	sbr.abs _section_cstart, $3  }
0xc1: {  	[dreg:$0x1] =	wrdreg $0xFFFFFFFF  }
0xc2: {  	_ =	task.clear_ibuf [dreg:s6], $0x2FFFF;
	_ =	strace $0x9FFFFFFF  }
0xc3: {  	(tm) =	ssettm $0x7FFFFFFF  }
tec
execute0_lowered:
.L_overlay_start_1:
0x0: {  	(tag) =	ssettag $0x1  }
0x1: {  	s2 =	stileid.u32  }
0x2: {  	s6 =	smul.u32 $0x270, s2  }
0x3: {  	s1 =	srdreg.scid;
	s21 =	smul.u32 $0x4E, s2  }
0x4: {  	s0 =	rddreg [dreg:$0x0];
	s4 =	sand.u32 $0x1, s1;
	s24 =	smul.u32 $0x1388, s2  }
0x5: {  	s5 =	sadd.s32 $0x53E200, s0;
	s15 =	smul.u32 $0x2710, s4  }
0x6: {  	s7 =	sadd.s32 $0x4400, s0;
	s8 =	sadd.s32 $0x3E00, s0;
	s14 =	smul.u32 $0x138800, s4  }
0x7: {  	s25 =	sadd.s32 $0x35000, s0;
	s1 =	sshll.u32 s4, $0x4;
	s23 =	smul.u32 $0x13880, s4  }
0x8: {  	s9 =	ssub.s32 $0x2, s4;
	s4 =	smul.u32 $0x27100, s4;
	s1 =	sor.u32 s2, s1  }
0x9: {  	p0 =	sne.s32 s2, $0x0;
	s10 =	sadd.s32 $0x258, s6;
	s3 =	smul.u32 $0x1388, s1  }
0xa: {  	s11 =	sshrl.u32 s9, $0x1;
	s12 =	sshrl.u32 s10, $0x3;
	s13 =	smul.u32 $0x13880, s1  }
0xb: {  	s1 =	ssub.s32 s9, s11;
	s26 =	sadd.s32 s15, s10;
	s28 =	sadd.s32 $0x2700, s15  }
0xc: {  	s4 =	sadd.s32 s4, s25;
	s10 =	sshll.u32 s10, $0x4;
	s29 =	sadd.s32 s8, s12  }
0xd: {  	s16 =	sadd.s32 s7, s12;
	s7 =	sadd.s32 s21, s7;
	s8 =	sadd.s32 s21, s8  }
0xe: {  	s30 =	sshll.u32 s26, $0x4;
	s31 =	sshll.u32 s28, $0x4;
	s28 =	sshrl.u32 s28, $0x3  }
0xf: {  	s1 =	smax.u32 s1, $0x1;
	[dreg:$0x5] =	wrdreg s16;
	s17 =	sadd.s32 s5, s13  }
0x10: {  	s11 =	sadd.s32 $0x28, s3;
	s12 =	sadd.s32 $0x50, s3;
	s13 =	sadd.s32 $0x78, s3  }
0x11: {  	s21 =	sadd.s32 s25, s31;
	s31 =	sadd.s32 $0x42E0, s0;
	[dreg:$0x6] =	wrdreg s17  }
0x12: {  	s18 =	sshll.u32 s11, $0x4;
	s19 =	sshll.u32 s12, $0x4;
	s17 =	sadd.s32 $0xA0, s3  }
0x13: {  	s16 =	sshll.u32 s13, $0x4;
	[dreg:$0xc] =	wrdreg s21;
	s9 =	sadd.s32 s5, s18  }
0x14: {  	s13 =	sshrl.u32 s13, $0x3;
	s20 =	sadd.s32 s5, s19;
	[dreg:$0x7] =	wrdreg s9  }
0x15: {  	s18 =	sshll.u32 s17, $0x4;
	s16 =	sadd.s32 s5, s16;
	[dreg:$0x8] =	wrdreg s20  }
0x16: {  	s19 =	smul.u32 $0x13880, s2;
	[dreg:$0x9] =	wrdreg s16;
	s22 =	sadd.s32 s5, s18  }
0x17: {  	s5 =	sadd.s32 s14, s5;
	s20 =	sadd.s32 s24, s23;
	s14 =	sadd.s32 s25, s30  }
0x18: {  	s23 =	sadd.s32 $0xDE00, s0;
	s25 =	sadd.s32 s6, s15;
	s16 =	rddreg [dreg:$0x1]  }
0x19: {  	s30 =	sadd.s32 $0x4A00, s0;
	s6 =	sshrl.u32 s3, $0x3;
	[dreg:$0xa] =	wrdreg s22  }
0x1a: {  	s15 =	sshrl.u32 s17, $0x3;
	s9 =	sadd.s32 s19, s5;
	[dreg:$0xb] =	wrdreg s14  }
0x1b: {  	s22 =	smul.u32 $0x2700, s2;
	s10 =	sadd.s32 s23, s10;
	s14 =	simm.s32 $0x0  }
0x1c: {  	s5 =	sshrl.u32 s26, $0x3;
	s26 =	sadd.s32 $0x4C00, s0;
	s19 =	rddreg [dreg:$0x2]  }
0x1d: {  	s17 =	sadd.s32 $0xF0, s20;
	s2 =	simm.s32 $0x0;
	[dreg:$0xd] =	wrdreg s10  }
0x1e: {  	[smem:$0x7FF] =	sst s14;
	s5 =	sadd.s32 s26, s5;
	s10 =	sshrl.u32 s11, $0x3  }
0x1f: {  	s11 =	sshrl.u32 s12, $0x3;
	s24 =	sadd.s32 s22, s23;
	[dreg:$0x10] =	wrdreg s5  }
0x20: {  	s18 =	sshrl.u32 s17, $0x3;
	s4 =	sadd.s32 s22, s4;
	[dreg:$0xe] =	wrdreg s24  }
0x21: {  	s17 =	simm.s32 $0x180;
	s5 =	sadd.s32 s26, s28;
	[dreg:$0xf] =	wrdreg s4  }
0x22: {  	s22 =	sadd.s32 $0xA0, s20;
	[dreg:$0x11] =	wrdreg s5;
	s4 =	sshrl.u32 s25, $0x3  }
0x23: {  	s5 =	sadd.s32 $0x34E00, s0;
	_ =	strace $0x8000004A;
	[dreg:$0x13] =	wrdreg s30  }
0x24: {  	s23 =	sshrl.u32 s22, $0x3;
	s24 =	sadd.s32 $0xC8, s20;
	[dreg:$0x14] =	wrdreg s31  }
0x25: {  	s25 =	sadd.s32 $0x78, s20;
	s22 =	simm.s32 $0x100;
	[dreg:$0x15] =	wrdreg s5  }
0x26: {  	s21 =	sadd.s32 s4, s26;
	s4 =	sadd.s32 $0x8E00, s0;
	[dreg:$0x1c] =	wrdreg s1  }
0x27: {  	s0 =	sadd.s32 $0x48E0, s0;
	[dreg:$0x1e] =	wrdreg s24;
	s26 =	sadd.s32 $0x50, s20  }
0x28: {  	s28 =	sshrl.u32 s25, $0x3;
	s20 =	simm.s32 $0x28;
	[dreg:$0x4] =	wrdreg s29  }
0x29: {  	s24 =	simm.s32 $0x5;
	[dreg:$0x16] =	wrdreg s0;
	s0 =	sadd.s32 s4, s6  }
0x2a: {  	s12 =	sadd.s32 s4, s11;
	s30 =	sshrl.u32 s26, $0x3;
	[dreg:$0x12] =	wrdreg s4  }
0x2b: {  	s11 =	simm.s32 $0xB;
	s6 =	simm.s32 $0x1;
	[dreg:$0x17] =	wrdreg s0  }
0x2c: {  	s26 =	simm.s32 $0x7;
	s0 =	sadd.s32 s4, s10;
	[dreg:$0x19] =	wrdreg s12  }
0x2d: {  	s31 =	sadd.s32 s30, s4;
	s10 =	simm.s32 $0x6700;
	[dreg:$0x18] =	wrdreg s0  }
0x2e: {  	s12 =	simm.s32 $0x6780;
	s0 =	sadd.s32 s4, s13;
	[smem:$0x7FD] =	sst s31  }
0x2f: {  	s13 =	simm.s32 $0x4;
	[dreg:$0x1a] =	wrdreg s0;
	s0 =	sadd.s32 s4, s15  }
0x30: {  	s15 =	simm.s32 $0x6;
	[dreg:$0x1b] =	wrdreg s0;
	s0 =	sadd.s32 s18, s4  }
0x31: {  	s18 =	simm.s32 $0x280;
	[dreg:$0x1d] =	wrdreg s0;
	s0 =	sadd.s32 s23, s4  }
0x32: {  	s23 =	simm.s32 $0x6680;
	[dreg:$0x1f] =	wrdreg s0;
	s0 =	sadd.s32 s28, s4  }
0x33: {  	s4 =	simm.s32 $0x200;
	[smem:$0x7FC] =	sst s0;
	s0 =	simm.s32 $0x3  }
.LBB2_1:
0x34: {  	[smem:$0x7FB] =	sst s2  }
0x35: {  	s1 =	rddreg [dreg:$0x13]  }
0x36: {  	[tilespmem:s10], [sflag:$0xB] =	stream.linear.gather [hbm4b:s1+s14], $0x80, $0x38;
	[tilespmem:$0x1B8F8] =	vst v63  }
0x37: {  	_ =	swait.ge [sflag:s11], $0x80  }
0x38: {  	[sflag:s11] =	ssyncset.done $0x0  }
0x39: {  	s3 =	smov.u32 s29;
	s29 =	sadd.s32 $0x0, s8;
	[sflag:s11] =	ssyncadd.s32 $0xFFFFFF80  }
0x3a: {  	[tilespmem:s12], [sflag:$0xB] =	stream.linear.gather [hbm4b:s29+s14], $0x28, $0x38;
	[tilespmem:$0x1B8F8] =	vst v63  }
0x3b: {  	_ =	swait.ge [sflag:s11], $0x28  }
0x3c: {  	[sflag:s11] =	ssyncset.done $0x0  }
0x3d: {  	s30 =	rddreg [dreg:$0xe];
	[sflag:s11] =	ssyncadd.s32 $0xFFFFFFD8  }
0x3e: {  	[tilespmem:s18], [sflag:$0xB] =	stream.linear.gather [hbm4b:s30+s14], $0x1400, $0x38;
	[tilespmem:$0x1B8F8] =	vst v63  }
0x3f: {  	_ =	swait.ge [sflag:s11], $0x1400  }
0x40: {  	[sflag:s11] =	ssyncset.done $0x0  }
0x41: {  	[sflag:s11] =	ssyncadd.s32 $0xFFFFEC00  }
0x42: {  	[spmem:s16] =	stream.indirect.scatter [tilespmem:s18], [sflag:$0xB], $0x80, s12, s20, $0xb8;
	[tilespmem:$0x1B8F8] =	vst v63  }
0x43: {  	_ =	swait.ge [sflag:s11], $0x1400  }
0x44: {  	[sflag:s11] =	ssyncset.done $0x0  }
0x45: {  	s31 =	sadd.s32 $0x0, s7;
	[sflag:s11] =	ssyncadd.s32 $0xFFFFEC00  }
0x46: {  	[tilespmem:s23], [sflag:$0xB] =	stream.linear.gather [hbm4b:s31+s14], $0x28, $0x38;
	[tilespmem:$0x1B8F8] =	vst v63  }
0x47: {  	_ =	swait.ge [sflag:s11], $0x28  }
0x48: {  	[sflag:s11] =	ssyncset.done $0x0  }
0x49: {  	[sflag:s11] =	ssyncadd.s32 $0xFFFFFFD8  }
0x4a: {  	[spmem:s19] =	stream.indirect.scatter [tilespmem:s23], [sflag:$0xB], $0x1, s12, s20, $0xb8;
	[tilespmem:$0x1B8F8] =	vst v63  }
0x4b: {  	s28 =	simm.s32 $0xA;
	_ =	swait.ge [sflag:s11], $0x28  }
0x4c: {  	s1 =	simm.s32 $0x5;
	s25 =	sadd.s32 $0x280, s30;
	[sflag:s11] =	ssyncset.done $0x0  }
.LBB2_2:
0x4d: {  	s29 =	sadd.s32 s1, s8  }
0x4e: {  	[sflag:s11] =	ssyncadd.s32 $0xFFFFFFD8;
	s30 =	smov.u32 s28;
	s31 =	sadd.s32 $0x5, s28  }
0x4f: {  	[tilespmem:s12], [sflag:$0xB] =	stream.linear.gather [hbm4b:s29+s14], $0x28, $0x38;
	[tilespmem:$0x1B8F8] =	vst v63  }
0x50: {  	p1 =	sne.s32 s28, $0x46;
	_ =	swait.ge [sflag:s11], $0x28  }
0x51: {  	[sflag:s11] =	ssyncset.done $0x0  }
0x52: {  	[sflag:s11] =	ssyncadd.s32 $0xFFFFFFD8  }
0x53: {  	[tilespmem:s18], [sflag:$0xB] =	stream.linear.gather [hbm4b:s25+s14], $0x1400, $0x38;
	[tilespmem:$0x1B8F8] =	vst v63  }
0x54: {  	_ =	swait.ge [sflag:s11], $0x1400  }
0x55: {  	[sflag:s11] =	ssyncset.done $0x0  }
0x56: {  	[sflag:s11] =	ssyncadd.s32 $0xFFFFEC00  }
0x57: {  	[spmem:s16] =	stream.indirect.scatter [tilespmem:s18], [sflag:$0xB], $0x80, s12, s20, $0xb8;
	[tilespmem:$0x1B8F8] =	vst v63  }
0x58: {  	_ =	swait.ge [sflag:s11], $0x1400  }
0x59: {  	[sflag:s11] =	ssyncset.done $0x0  }
0x5a: {  	s28 =	sadd.s32 s1, s7;
	s1 =	smov.u32 s30;
	[sflag:s11] =	ssyncadd.s32 $0xFFFFEC00  }
0x5b: {  	[tilespmem:s23], [sflag:$0xB] =	stream.linear.gather [hbm4b:s28+s14], $0x28, $0x38;
	[tilespmem:$0x1B8F8] =	vst v63  }
0x5c: {  	_ =	swait.ge [sflag:s11], $0x28  }
.Ltmp0:
0x5d: {  	[sflag:s11] =	ssyncset.done $0x0;
	(pc) =	sbr.rel @p1 .LBB2_2-.Ltmp0, $4  }
0x5e: {  	[sflag:s11] =	ssyncadd.s32 $0xFFFFFFD8  }
0x5f: {  	[spmem:s19] =	stream.indirect.scatter [tilespmem:s23], [sflag:$0xB], $0x1, s12, s20, $0xb8;
	[tilespmem:$0x1B8F8] =	vst v63  }
0x60: {  	_ =	swait.ge [sflag:s11], $0x28  }
0x61: {  	s25 =	sadd.s32 $0x280, s25;
	s28 =	smov.u32 s31;
	[sflag:s11] =	ssyncset.done $0x0  }
0x62: {  	s28 =	sadd.s32 s1, s8;
	[sflag:s11] =	ssyncadd.s32 $0xFFFFFFD8  }
0x63: {  	[tilespmem:s12], [sflag:$0xB] =	stream.linear.gather [hbm4b:s28+s14], $0x28, $0x38;
	[tilespmem:$0x1B8F8] =	vst v63  }
0x64: {  	_ =	swait.ge [sflag:s11], $0x28  }
0x65: {  	[sflag:s11] =	ssyncset.done $0x0  }
0x66: {  	[sflag:s11] =	ssyncadd.s32 $0xFFFFFFD8  }
0x67: {  	[tilespmem:s18], [sflag:$0xB] =	stream.linear.gather [hbm4b:s25+s14], $0x1400, $0x38;
	[tilespmem:$0x1B8F8] =	vst v63  }
0x68: {  	_ =	swait.ge [sflag:s11], $0x1400  }
0x69: {  	[sflag:s11] =	ssyncset.done $0x0  }
0x6a: {  	[sflag:s11] =	ssyncadd.s32 $0xFFFFEC00  }
0x6b: {  	[spmem:s16] =	stream.indirect.scatter [tilespmem:s18], [sflag:$0xB], $0x80, s12, s20, $0xb8;
	[tilespmem:$0x1B8F8] =	vst v63  }
0x6c: {  	_ =	swait.ge [sflag:s11], $0x1400  }
0x6d: {  	[sflag:s11] =	ssyncset.done $0x0  }
0x6e: {  	s2 =	sadd.s32 s1, s7;
	[sflag:s11] =	ssyncadd.s32 $0xFFFFEC00  }
0x6f: {  	[tilespmem:s23], [sflag:$0xB] =	stream.linear.gather [hbm4b:s2+s14], $0x28, $0x38;
	[tilespmem:$0x1B8F8] =	vst v63  }
0x70: {  	_ =	swait.ge [sflag:s11], $0x28  }
0x71: {  	[sflag:s11] =	ssyncset.done $0x0  }
0x72: {  	[sflag:s11] =	ssyncadd.s32 $0xFFFFFFD8  }
0x73: {  	[spmem:s19] =	stream.indirect.scatter [tilespmem:s23], [sflag:$0xB], $0x1, s12, s20, $0xb8;
	[tilespmem:$0x1B8F8] =	vst v63  }
0x74: {  	_ =	swait.ge [sflag:s11], $0x28  }
0x75: {  	[sflag:s11] =	ssyncset.done $0x0  }
0x76: {  	s2 =	simm.s32 $0x6800;
	[sflag:s11] =	ssyncadd.s32 $0xFFFFFFD8  }
0x77: {  	[tilespmem:s2], [sflag:$0xB] =	stream.linear.gather [hbm4b:s3+s14], $0x18, $0x38;
	[tilespmem:$0x1B8F8] =	vst v63  }
0x78: {  	_ =	swait.ge [sflag:s11], $0x18  }
0x79: {  	[sflag:s11] =	ssyncset.done $0x0  }
0x7a: {  	s25 =	simm.s32 $0x6900;
	s5 =	rddreg [dreg:$0xd];
	[sflag:s11] =	ssyncadd.s32 $0xFFFFFFE8  }
0x7b: {  	[tilespmem:s25], [sflag:$0xB] =	stream.linear.gather [hbm4b:s5+s14], $0xC00, $0x38;
	[tilespmem:$0x1B8F8] =	vst v63  }
0x7c: {  	_ =	swait.ge [sflag:s11], $0xC00  }
0x7d: {  	[sflag:s11] =	ssyncset.done $0x0  }
0x7e: {  	s5 =	simm.s32 $0x18;
	[sflag:s11] =	ssyncadd.s32 $0xFFFFF400  }
0x7f: {  	[spmem:s16] =	stream.indirect.scatter [tilespmem:s25], [sflag:$0xB], $0x80, s2, s5, $0xb8;
	[tilespmem:$0x1B8F8] =	vst v63  }
0x80: {  	_ =	swait.ge [sflag:s11], $0xC00  }
0x81: {  	[sflag:s11] =	ssyncset.done $0x0  }
0x82: {  	s25 =	simm.s32 $0x7D00;
	s3 =	rddreg [dreg:$0x5];
	[sflag:s11] =	ssyncadd.s32 $0xFFFFF400  }
0x83: {  	[tilespmem:s25], [sflag:$0xB] =	stream.linear.gather [hbm4b:s3+s14], $0x18, $0x38;
	[tilespmem:$0x1B8F8] =	vst v63  }
0x84: {  	_ =	swait.ge [sflag:s11], $0x18  }
0x85: {  	[sflag:s11] =	ssyncset.done $0x0  }
0x86: {  	[sflag:s11] =	ssyncadd.s32 $0xFFFFFFE8  }
0x87: {  	[spmem:s19] =	stream.indirect.scatter [tilespmem:s25], [sflag:$0xB], $0x1, s2, s5, $0xb8;
	[tilespmem:$0x1B8F8] =	vst v63  }
0x88: {  	_ =	swait.ge [sflag:s11], $0x18  }
0x89: {  	s1 =	simm.s32 @!p0 $0x0;
	s28 =	simm.s32 @!p0 $0xB;
	[sflag:s11] =	ssyncset.done $0x0  }
0x8a: {  	s25 =	simm.s32 @!p0 $0x6880;
	s2 =	rddreg [dreg:$0x14];
	[sflag:s11] =	ssyncadd.s32 $0xFFFFFFE8  }
0x8b: {  	[tilespmem:s25], [sflag:$0xB] =	stream.linear.gather @!p0 [hbm4b:s2+s1], $0x10, $0x38;
	[tilespmem:$0x1B8F8] =	vst v63  }
0x8c: {  	_ =	swait.ge @!p0 [sflag:s28], $0x10  }
0x8d: {  	[sflag:s28] =	ssyncset.done @!p0 $0x0  }
0x8e: {  	s29 =	simm.s32 @!p0 $0x7500;
	s2 =	rddreg [dreg:$0x15];
	[sflag:s28] =	ssyncadd.s32 @!p0 $0xFFFFFFF0  }
0x8f: {  	[tilespmem:s29], [sflag:$0xB] =	stream.linear.gather @!p0 [hbm4b:s2+s1], $0x800, $0x38;
	[tilespmem:$0x1B8F8] =	vst v63  }
0x90: {  	_ =	swait.ge @!p0 [sflag:s28], $0x800  }
0x91: {  	[sflag:s28] =	ssyncset.done @!p0 $0x0  }
0x92: {  	s30 =	simm.s32 @!p0 $0x10;
	[sflag:s28] =	ssyncadd.s32 @!p0 $0xFFFFF800  }
0x93: {  	[spmem:s16] =	stream.indirect.scatter @!p0 [tilespmem:s29], [sflag:$0xB], $0x80, s25, s30, $0xb8;
	[tilespmem:$0x1B8F8] =	vst v63  }
0x94: {  	_ =	swait.ge @!p0 [sflag:s28], $0x800  }
0x95: {  	[sflag:s28] =	ssyncset.done @!p0 $0x0  }
0x96: {  	s29 =	simm.s32 @!p0 $0x7D80;
	s2 =	rddreg [dreg:$0x16];
	[sflag:s28] =	ssyncadd.s32 @!p0 $0xFFFFF800  }
0x97: {  	[tilespmem:s29], [sflag:$0xB] =	stream.linear.gather @!p0 [hbm4b:s2+s1], $0x10, $0x38;
	[tilespmem:$0x1B8F8] =	vst v63  }
0x98: {  	_ =	swait.ge @!p0 [sflag:s28], $0x10  }
0x99: {  	[sflag:s28] =	ssyncset.done @!p0 $0x0  }
0x9a: {  	[sflag:s28] =	ssyncadd.s32 @!p0 $0xFFFFFFF0  }
0x9b: {  	[spmem:s19] =	stream.indirect.scatter @!p0 [tilespmem:s29], [sflag:$0xB], $0x1, s25, s30, $0xb8;
	[tilespmem:$0x1B8F8] =	vst v63  }
0x9c: {  	_ =	swait.ge @!p0 [sflag:s28], $0x10  }
0x9d: {  	[sflag:s28] =	ssyncset.done @!p0 $0x0  }
0x9e: {  	[sflag:s28] =	ssyncadd.s32 @!p0 $0xFFFFFFF0  }
0x9f: {  	[bflag:$0x0] =	sbarrier.arrive $0xFFFF  }
0xa0: {  	s2 =	rddreg [dreg:$0x17]  }
0xa1: {  	s3 =	rddreg [dreg:$0x6]  }
0xa2: {  	s5 =	rddreg [dreg:$0x18]  }
0xa3: {  	s28 =	sld [smem:$0x7FC]  }
0xa4: {  	s29 =	simm.s32 $0x0;
	s30 =	rddreg [dreg:$0x1f]  }
0xa5: {  	[tilespmem:s29], [sflag:$0x1] =	stream.linear.gather [hbm4b:s2+s29], $0x28, $0x38;
	[tilespmem:$0x1B8F8] =	vst v63  }
0xa6: {  	s31 =	rddreg [dreg:$0x1e]  }
0xa7: {  	[tilespmem:s18], [sflag:$0x1] =	stream.linear.gather [hbm4b:s3+s29], $0x1400, $0x38;
	[tilespmem:$0x1B8F8] =	vst v63  }
0xa8: {  	s25 =	simm.s32 $0x80;
	s1 =	rddreg [dreg:$0x1d]  }
0xa9: {  	[tilespmem:s25], [sflag:$0x2] =	stream.linear.gather [hbm4b:s5+s29], $0x28, $0x38;
	[tilespmem:$0x1B8F8] =	vst v63  }
0xaa: {  	s2 =	rddreg [dreg:$0x7];
	s3 =	simm.s32 $0x1680  }
0xab: {  	[tilespmem:s3], [sflag:$0x2] =	stream.linear.gather [hbm4b:s2+s29], $0x1400, $0x38;
	[tilespmem:$0x1B8F8] =	vst v63  }
0xac: {  	s5 =	rddreg [dreg:$0x19]  }
0xad: {  	[tilespmem:s22], [sflag:$0x3] =	stream.linear.gather [hbm4b:s5+s29], $0x28, $0x38;
	[tilespmem:$0x1B8F8] =	vst v63  }
0xae: {  	s25 =	simm.s32 $0x2A80;
	s22 =	rddreg [dreg:$0x8]  }
0xaf: {  	[tilespmem:s25], [sflag:$0x3] =	stream.linear.gather [hbm4b:s22+s29], $0x1400, $0x38;
	[tilespmem:$0x1B8F8] =	vst v63  }
0xb0: {  	s2 =	rddreg [dreg:$0x1a]  }
0xb1: {  	[tilespmem:s17], [sflag:$0x4] =	stream.linear.gather [hbm4b:s2+s29], $0x28, $0x38;
	[tilespmem:$0x1B8F8] =	vst v63  }
0xb2: {  	s3 =	rddreg [dreg:$0x9];
	s5 =	simm.s32 $0x3E80  }
0xb3: {  	[tilespmem:s5], [sflag:$0x4] =	stream.linear.gather [hbm4b:s3+s29], $0x1400, $0x38;
	[tilespmem:$0x1B8F8] =	vst v63  }
0xb4: {  	s17 =	rddreg [dreg:$0x1b]  }
0xb5: {  	[tilespmem:s4], [sflag:$0x5] =	stream.linear.gather [hbm4b:s17+s29], $0x28, $0x38;
	[tilespmem:$0x1B8F8] =	vst v63  }
0xb6: {  	s22 =	rddreg [dreg:$0xa];
	s25 =	simm.s32 $0x5280  }
0xb7: {  	[tilespmem:s25], [sflag:$0x5] =	stream.linear.gather [hbm4b:s22+s29], $0x1400, $0x38;
	[tilespmem:$0x1B8F8] =	vst v63  }
0xb8: {  	s25 =	sld [smem:$0x7FD]  }
.LBB2_4:
0xb9: {  	_ =	swait.ge [sflag:s6], $0x28  }
0xba: {  	[sflag:s6] =	ssyncset.done $0x0  }
0xbb: {  	[sflag:s6] =	ssyncadd.s32 $0xFFFFFFD8  }
0xbc: {  	_ =	swait.ge [sflag:s6], $0x1400  }
0xbd: {  	[sflag:s6] =	ssyncset.done $0x0  }
0xbe: {  	p1 =	seq.s32 s29, $0x0;
	[sflag:s6] =	ssyncadd.s32 $0xFFFFEC00  }
0xbf: {  	[spmem:s16] =	stream.indirect.scatter.add.f32 [tilespmem:s18], [sflag:$0x6], $0x80, s14, s20, $0xb8;
	[tilespmem:$0x1B8F8] =	vst v63  }
0xc0: {  	s3 =	simm.s32 @p1 $0x2  }
0xc1: {  	[spmem:s19] =	stream.indirect.scatter.add.f32 [tilespmem:s10], [sflag:$0x6], $0x1, s14, s20, $0xb8;
	[tilespmem:$0x1B8F8] =	vst v63  }
0xc2: {  	_ =	swait.ge @p1 [sflag:s3], $0x28  }
0xc3: {  	[sflag:s3] =	ssyncset.done @p1 $0x0  }
0xc4: {  	[sflag:s3] =	ssyncadd.s32 @p1 $0xFFFFFFD8  }
0xc5: {  	_ =	swait.ge @p1 [sflag:s3], $0x1400  }
0xc6: {  	s5 =	simm.s32 @p1 $0x80;
	[sflag:s3] =	ssyncset.done @p1 $0x0  }
0xc7: {  	s22 =	simm.s32 @p1 $0x1680;
	[sflag:s3] =	ssyncadd.s32 @p1 $0xFFFFEC00;
	s3 =	simm.s32 @p1 $0x28  }
0xc8: {  	[spmem:s16] =	stream.indirect.scatter.add.f32 @p1 [tilespmem:s22], [sflag:$0x7], $0x80, s5, s3, $0xb8;
	[tilespmem:$0x1B8F8] =	vst v63  }
0xc9: {  	s22 =	simm.s32 @p1 $0x6700  }
0xca: {  	[spmem:s19] =	stream.indirect.scatter.add.f32 @p1 [tilespmem:s22], [sflag:$0x7], $0x1, s5, s3, $0xb8;
	[tilespmem:$0x1B8F8] =	vst v63  }
0xcb: {  	s3 =	simm.s32 @!p1 $0x8  }
0xcc: {  	_ =	swait.ge @!p1 [sflag:s3], $0x1400  }
0xcd: {  	[sflag:s3] =	ssyncset.done @!p1 $0x0  }
0xce: {  	[sflag:s3] =	ssyncadd.s32 @!p1 $0xFFFFEC00  }
0xcf: {  	_ =	swait.ge @!p1 [sflag:s3], $0x28  }
0xd0: {  	[sflag:s3] =	ssyncset.done @!p1 $0x0  }
0xd1: {  	s5 =	simm.s32 @!p1 $0x100;
	[sflag:s3] =	ssyncadd.s32 @!p1 $0xFFFFFFD8;
	s3 =	simm.s32 @!p1 $0x0  }
0xd2: {  	[tilespmem:s5], [sflag:$0x3] =	stream.linear.gather @!p1 [hbm4b:s25+s3], $0x28, $0x38;
	[tilespmem:$0x1B8F8] =	vst v63  }
0xd3: {  	s5 =	sadd.s32 @!p1 s29, s9  }
0xd4: {  	s17 =	simm.s32 @!p1 $0x2A80;
	s22 =	sadd.s32 @!p1 $0x500, s5  }
0xd5: {  	[tilespmem:s17], [sflag:$0x3] =	stream.linear.gather @!p1 [hbm4b:s22+s3], $0x1400, $0x38;
	[tilespmem:$0x1B8F8] =	vst v63  }
0xd6: {  	s17 =	simm.s32 @!p1 $0x2  }
0xd7: {  	_ =	swait.ge @!p1 [sflag:s17], $0x28  }
0xd8: {  	[sflag:s17] =	ssyncset.done @!p1 $0x0  }
0xd9: {  	[sflag:s17] =	ssyncadd.s32 @!p1 $0xFFFFFFD8  }
0xda: {  	_ =	swait.ge @!p1 [sflag:s17], $0x1400  }
0xdb: {  	s2 =	simm.s32 @!p1 $0x1680;
	[sflag:s17] =	ssyncset.done @!p1 $0x0  }
0xdc: {  	s22 =	simm.s32 @!p1 $0x80;
	[sflag:s17] =	ssyncadd.s32 @!p1 $0xFFFFEC00;
	s17 =	simm.s32 @!p1 $0x28  }
0xdd: {  	[spmem:s16] =	stream.indirect.scatter.add.f32 @!p1 [tilespmem:s2], [sflag:$0x7], $0x80, s22, s17, $0xb8;
	[tilespmem:$0x1B8F8] =	vst v63  }
0xde: {  	s2 =	simm.s32 @!p1 $0x6700  }
0xdf: {  	[spmem:s19] =	stream.indirect.scatter.add.f32 @!p1 [tilespmem:s2], [sflag:$0x7], $0x1, s22, s17, $0xb8;
	[tilespmem:$0x1B8F8] =	vst v63  }
0xe0: {  	s2 =	simm.s32 @!p1 $0x9  }
0xe1: {  	_ =	swait.ge @!p1 [sflag:s2], $0x1400  }
0xe2: {  	[sflag:s2] =	ssyncset.done @!p1 $0x0  }
0xe3: {  	[sflag:s2] =	ssyncadd.s32 @!p1 $0xFFFFEC00  }
0xe4: {  	_ =	swait.ge @!p1 [sflag:s2], $0x28  }
0xe5: {  	[sflag:s2] =	ssyncset.done @!p1 $0x0  }
0xe6: {  	[sflag:s2] =	ssyncadd.s32 @!p1 $0xFFFFFFD8;
	s2 =	simm.s32 @!p1 $0x180  }
0xe7: {  	[tilespmem:s2], [sflag:$0x4] =	stream.linear.gather @!p1 [hbm4b:s28+s3], $0x28, $0x38;
	[tilespmem:$0x1B8F8] =	vst v63  }
0xe8: {  	s17 =	simm.s32 @!p1 $0x3E80;
	s2 =	sadd.s32 @!p1 $0x780, s5  }
0xe9: {  	[tilespmem:s17], [sflag:$0x4] =	stream.linear.gather @!p1 [hbm4b:s2+s3], $0x1400, $0x38;
	[tilespmem:$0x1B8F8] =	vst v63  }
0xea: {  	_ =	swait.ge [sflag:s0], $0x28  }
0xeb: {  	[sflag:s0] =	ssyncset.done $0x0  }
0xec: {  	[sflag:s0] =	ssyncadd.s32 $0xFFFFFFD8  }
0xed: {  	_ =	swait.ge [sflag:s0], $0x1400  }
0xee: {  	[sflag:s0] =	ssyncset.done $0x0  }
0xef: {  	s22 =	simm.s32 $0x2A80;
	s2 =	simm.s32 $0x100;
	[sflag:s0] =	ssyncadd.s32 $0xFFFFEC00  }
0xf0: {  	[spmem:s16] =	stream.indirect.scatter.add.f32 [tilespmem:s22], [sflag:$0x8], $0x80, s2, s20, $0xb8;
	[tilespmem:$0x1B8F8] =	vst v63  }
0xf1: {  	_ = 	snop  }
0xf2: {  	[spmem:s19] =	stream.indirect.scatter.add.f32 [tilespmem:s10], [sflag:$0x8], $0x1, s2, s20, $0xb8;
	[tilespmem:$0x1B8F8] =	vst v63  }
0xf3: {  	s2 =	simm.s32 @!p1 $0xA  }
0xf4: {  	_ =	swait.ge @!p1 [sflag:s2], $0x1400  }
0xf5: {  	[sflag:s2] =	ssyncset.done @!p1 $0x0  }
0xf6: {  	[sflag:s2] =	ssyncadd.s32 @!p1 $0xFFFFEC00  }
0xf7: {  	_ =	swait.ge @!p1 [sflag:s2], $0x28  }
0xf8: {  	[sflag:s2] =	ssyncset.done @!p1 $0x0  }
0xf9: {  	[sflag:s2] =	ssyncadd.s32 @!p1 $0xFFFFFFD8;
	s2 =	simm.s32 @!p1 $0x200  }
0xfa: {  	[tilespmem:s2], [sflag:$0x5] =	stream.linear.gather @!p1 [hbm4b:s30+s3], $0x28, $0x38;
	[tilespmem:$0x1B8F8] =	vst v63  }
0xfb: {  	s2 =	sadd.s32 @!p1 $0xA00, s5;
	s5 =	simm.s32 @!p1 $0x5280  }
0xfc: {  	[tilespmem:s5], [sflag:$0x5] =	stream.linear.gather @!p1 [hbm4b:s2+s3], $0x1400, $0x38;
	[tilespmem:$0x1B8F8] =	vst v63  }
0xfd: {  	_ =	swait.ge [sflag:s13], $0x28  }
0xfe: {  	[sflag:s13] =	ssyncset.done $0x0  }
0xff: {  	[sflag:s13] =	ssyncadd.s32 $0xFFFFFFD8  }
0x100: {  	_ =	swait.ge [sflag:s13], $0x1400  }
0x101: {  	[sflag:s13] =	ssyncset.done $0x0  }
0x102: {  	s17 =	simm.s32 $0x3E80;
	s5 =	simm.s32 $0x180;
	[sflag:s13] =	ssyncadd.s32 $0xFFFFEC00  }
0x103: {  	[spmem:s16] =	stream.indirect.scatter.add.f32 [tilespmem:s17], [sflag:$0x9], $0x80, s5, s20, $0xb8;
	[tilespmem:$0x1B8F8] =	vst v63  }
0x104: {  	_ = 	snop  }
0x105: {  	[spmem:s19] =	stream.indirect.scatter.add.f32 [tilespmem:s10], [sflag:$0x9], $0x1, s5, s20, $0xb8;
	[tilespmem:$0x1B8F8] =	vst v63  }
0x106: {  	_ =	swait.ge [sflag:s15], $0x1400  }
0x107: {  	[sflag:s15] =	ssyncset.done $0x0  }
0x108: {  	[sflag:s15] =	ssyncadd.s32 $0xFFFFEC00  }
0x109: {  	p1 =	seq.s32 s29, $0x12C00;
	_ =	swait.ge [sflag:s15], $0x28  }
0x10a: {  	s2 =	sshrl.u32 @!p1 s31, $0x3;
	[sflag:s15] =	ssyncset.done $0x0;
	s3 =	rddreg [dreg:$0x12]  }
0x10b: {  	[sflag:s15] =	ssyncadd.s32 $0xFFFFFFD8;
	s2 =	sadd.s32 @!p1 s3, s2;
	s3 =	simm.s32 @!p1 $0x0  }
0x10c: {  	[tilespmem:s3], [sflag:$0x1] =	stream.linear.gather @!p1 [hbm4b:s2+s3], $0x28, $0x38;
	[tilespmem:$0x1B8F8] =	vst v63  }
0x10d: {  	s2 =	sadd.s32 @!p1 s29, s9  }
0x10e: {  	s5 =	simm.s32 @!p1 $0x280;
	s2 =	sadd.s32 @!p1 $0xC80, s2  }
0x10f: {  	[tilespmem:s5], [sflag:$0x1] =	stream.linear.gather @!p1 [hbm4b:s2+s3], $0x1400, $0x38;
	[tilespmem:$0x1B8F8] =	vst v63  }
0x110: {  	_ =	swait.ge [sflag:s24], $0x28  }
0x111: {  	[sflag:s24] =	ssyncset.done $0x0  }
0x112: {  	[sflag:s24] =	ssyncadd.s32 $0xFFFFFFD8  }
0x113: {  	_ =	swait.ge [sflag:s24], $0x1400  }
0x114: {  	[sflag:s24] =	ssyncset.done $0x0  }
0x115: {  	s5 =	simm.s32 $0x5280;
	[sflag:s24] =	ssyncadd.s32 $0xFFFFEC00  }
0x116: {  	[spmem:s16] =	stream.indirect.scatter.add.f32 [tilespmem:s5], [sflag:$0xA], $0x80, s4, s20, $0xb8;
	[tilespmem:$0x1B8F8] =	vst v63  }
0x117: {  	_ = 	snop  }
0x118: {  	[spmem:s19] =	stream.indirect.scatter.add.f32 [tilespmem:s10], [sflag:$0xA], $0x1, s4, s20, $0xb8;
	[tilespmem:$0x1B8F8] =	vst v63  }
0x119: {  	_ =	swait.ge [sflag:s26], $0x1400  }
.Ltmp1:
0x11a: {  	[sflag:s26] =	ssyncset.done $0x0;
	(pc) =	sbr.rel @p1 .LBB2_6-.Ltmp1, $4  }
0x11b: {  	[sflag:s26] =	ssyncadd.s32 $0xFFFFEC00  }
0x11c: {  	_ =	swait.ge [sflag:s26], $0x28  }
0x11d: {  	[sflag:s26] =	ssyncset.done $0x0  }
0x11e: {  	s22 =	simm.s32 $0x100;
	s17 =	simm.s32 $0x180;
	[sflag:s26] =	ssyncadd.s32 $0xFFFFFFD8  }
0x11f: {  	s2 =	simm.s32 $0x80;
	s22 =	sadd.s32 s29, s9  }
.Ltmp2:
0x120: {  	s3 =	simm.s32 $0x1680;
	s29 =	sadd.s32 $0xC80, s29;
	(pc) =	sbr.rel .LBB2_4-.Ltmp2, $4  }
0x121: {  	s31 =	sadd.s32 $0xC8, s31;
	s30 =	sadd.s32 $0x19, s30;
	s28 =	sadd.s32 $0x19, s28  }
0x122: {  	[tilespmem:s2], [sflag:$0x2] =	stream.linear.gather [hbm4b:s1+s14], $0x28, $0x38;
	[tilespmem:$0x1B8F8] =	vst v63  }
0x123: {  	s25 =	sadd.s32 $0x19, s25;
	s2 =	sadd.s32 $0xF00, s22;
	s1 =	sadd.s32 $0x19, s1  }
0x124: {  	[tilespmem:s3], [sflag:$0x2] =	stream.linear.gather [hbm4b:s2+s14], $0x1400, $0x38;
	[tilespmem:$0x1B8F8] =	vst v63  }
.LBB2_6:
0x125: {  	s1 =	simm.s32 $0x8  }
0x126: {  	_ =	swait.ge [sflag:s1], $0x1400  }
0x127: {  	[sflag:s1] =	ssyncset.done $0x0  }
0x128: {  	[sflag:s1] =	ssyncadd.s32 $0xFFFFEC00  }
0x129: {  	_ =	swait.ge [sflag:s1], $0x28  }
0x12a: {  	[sflag:s1] =	ssyncset.done $0x0  }
0x12b: {  	s5 =	simm.s32 $0x9;
	[sflag:s1] =	ssyncadd.s32 $0xFFFFFFD8  }
0x12c: {  	_ =	swait.ge [sflag:s5], $0x1400  }
0x12d: {  	[sflag:s5] =	ssyncset.done $0x0  }
0x12e: {  	[sflag:s5] =	ssyncadd.s32 $0xFFFFEC00  }
0x12f: {  	_ =	swait.ge [sflag:s5], $0x28  }
0x130: {  	[sflag:s5] =	ssyncset.done $0x0  }
0x131: {  	s25 =	simm.s32 $0xA;
	[sflag:s5] =	ssyncadd.s32 $0xFFFFFFD8  }
0x132: {  	_ =	swait.ge [sflag:s25], $0x1400  }
0x133: {  	[sflag:s25] =	ssyncset.done $0x0  }
0x134: {  	[sflag:s25] =	ssyncadd.s32 $0xFFFFEC00  }
0x135: {  	_ =	swait.ge [sflag:s25], $0x28  }
0x136: {  	[sflag:s25] =	ssyncset.done $0x0  }
0x137: {  	[sflag:s25] =	ssyncadd.s32 $0xFFFFFFD8  }
0x138: {  	s30 =	sadd.s32 $0x0, s8;
	[bflag:$0x0] =	sbarrier.arrive $0xFFFF  }
0x139: {  	[tilespmem:s12], [sflag:$0xB] =	stream.linear.gather [hbm4b:s30+s14], $0x28, $0x38;
	[tilespmem:$0x1B8F8] =	vst v63  }
0x13a: {  	_ =	swait.ge [sflag:s11], $0x28  }
0x13b: {  	[sflag:s11] =	ssyncset.done $0x0  }
0x13c: {  	[sflag:s11] =	ssyncadd.s32 $0xFFFFFFD8  }
0x13d: {  	[tilespmem:s18], [sflag:$0xB] =	stream.indirect.gather [spmem:s16], $0x80, s12, s20, $0xb8;
	[tilespmem:$0x1B8F8] =	vst v63  }
0x13e: {  	_ =	swait.ge [sflag:s11], $0x1400  }
0x13f: {  	[sflag:s11] =	ssyncset.done $0x0  }
0x140: {  	s2 =	rddreg [dreg:$0xf];
	[sflag:s11] =	ssyncadd.s32 $0xFFFFEC00  }
0x141: {  	[hbm4b:s2+s14] =	stream.linear.scatter [tilespmem:s18], [sflag:$0xB], $0x1400, $0x38;
	[tilespmem:$0x1B8F8] =	vst v63  }
0x142: {  	_ =	swait.ge [sflag:s11], $0x1400  }
0x143: {  	[sflag:s11] =	ssyncset.done $0x0  }
0x144: {  	[sflag:s11] =	ssyncadd.s32 $0xFFFFEC00  }
0x145: {  	[tilespmem:s23], [sflag:$0xB] =	stream.indirect.gather [spmem:s19], $0x1, s12, s20, $0xb8;
	[tilespmem:$0x1B8F8] =	vst v63  }
0x146: {  	_ =	swait.ge [sflag:s11], $0x28  }
0x147: {  	[sflag:s11] =	ssyncset.done $0x0  }
0x148: {  	s31 =	sadd.s32 $0x0, s21;
	[sflag:s11] =	ssyncadd.s32 $0xFFFFFFD8  }
0x149: {  	[hbm4b:s31+s14] =	stream.linear.scatter [tilespmem:s23], [sflag:$0xB], $0x28, $0x38;
	[tilespmem:$0x1B8F8] =	vst v63  }
0x14a: {  	s28 =	simm.s32 $0xA;
	s1 =	simm.s32 $0x5;
	_ =	swait.ge [sflag:s11], $0x28  }
0x14b: {  	s25 =	sadd.s32 $0x280, s2;
	[sflag:s11] =	ssyncset.done $0x0;
	s29 =	rddreg [dreg:$0x4]  }
.LBB2_7:
0x14c: {  	s2 =	sadd.s32 s1, s8  }
0x14d: {  	[sflag:s11] =	ssyncadd.s32 $0xFFFFFFD8;
	s3 =	smov.u32 s28;
	s5 =	sadd.s32 $0x5, s28  }
0x14e: {  	[tilespmem:s12], [sflag:$0xB] =	stream.linear.gather [hbm4b:s2+s14], $0x28, $0x38;
	[tilespmem:$0x1B8F8] =	vst v63  }
0x14f: {  	p1 =	sne.s32 s28, $0x46;
	_ =	swait.ge [sflag:s11], $0x28  }
0x150: {  	[sflag:s11] =	ssyncset.done $0x0  }
0x151: {  	[sflag:s11] =	ssyncadd.s32 $0xFFFFFFD8  }
0x152: {  	[tilespmem:s18], [sflag:$0xB] =	stream.indirect.gather [spmem:s16], $0x80, s12, s20, $0xb8;
	[tilespmem:$0x1B8F8] =	vst v63  }
0x153: {  	_ =	swait.ge [sflag:s11], $0x1400  }
0x154: {  	[sflag:s11] =	ssyncset.done $0x0  }
0x155: {  	[sflag:s11] =	ssyncadd.s32 $0xFFFFEC00  }
0x156: {  	[hbm4b:s25+s14] =	stream.linear.scatter [tilespmem:s18], [sflag:$0xB], $0x1400, $0x38;
	[tilespmem:$0x1B8F8] =	vst v63  }
0x157: {  	_ =	swait.ge [sflag:s11], $0x1400  }
0x158: {  	[sflag:s11] =	ssyncset.done $0x0  }
0x159: {  	[sflag:s11] =	ssyncadd.s32 $0xFFFFEC00  }
0x15a: {  	[tilespmem:s23], [sflag:$0xB] =	stream.indirect.gather [spmem:s19], $0x1, s12, s20, $0xb8;
	[tilespmem:$0x1B8F8] =	vst v63  }
0x15b: {  	_ =	swait.ge [sflag:s11], $0x28  }
.Ltmp3:
0x15c: {  	[sflag:s11] =	ssyncset.done $0x0;
	(pc) =	sbr.rel @p1 .LBB2_7-.Ltmp3, $4  }
0x15d: {  	s2 =	sadd.s32 s1, s21;
	s1 =	smov.u32 s3;
	[sflag:s11] =	ssyncadd.s32 $0xFFFFFFD8  }
0x15e: {  	[hbm4b:s2+s14] =	stream.linear.scatter [tilespmem:s23], [sflag:$0xB], $0x28, $0x38;
	[tilespmem:$0x1B8F8] =	vst v63  }
0x15f: {  	_ =	swait.ge [sflag:s11], $0x28  }
0x160: {  	s28 =	smov.u32 s5;
	s25 =	sadd.s32 $0x280, s25;
	[sflag:s11] =	ssyncset.done $0x0  }
0x161: {  	s2 =	sadd.s32 s1, s8;
	[sflag:s11] =	ssyncadd.s32 $0xFFFFFFD8  }
0x162: {  	[tilespmem:s12], [sflag:$0xB] =	stream.linear.gather [hbm4b:s2+s14], $0x28, $0x38;
	[tilespmem:$0x1B8F8] =	vst v63  }
0x163: {  	_ =	swait.ge [sflag:s11], $0x28  }
0x164: {  	[sflag:s11] =	ssyncset.done $0x0  }
0x165: {  	[sflag:s11] =	ssyncadd.s32 $0xFFFFFFD8  }
0x166: {  	[tilespmem:s18], [sflag:$0xB] =	stream.indirect.gather [spmem:s16], $0x80, s12, s20, $0xb8;
	[tilespmem:$0x1B8F8] =	vst v63  }
0x167: {  	_ =	swait.ge [sflag:s11], $0x1400  }
0x168: {  	[sflag:s11] =	ssyncset.done $0x0  }
0x169: {  	[sflag:s11] =	ssyncadd.s32 $0xFFFFEC00  }
0x16a: {  	[hbm4b:s25+s14] =	stream.linear.scatter [tilespmem:s18], [sflag:$0xB], $0x1400, $0x38;
	[tilespmem:$0x1B8F8] =	vst v63  }
0x16b: {  	_ =	swait.ge [sflag:s11], $0x1400  }
0x16c: {  	[sflag:s11] =	ssyncset.done $0x0  }
0x16d: {  	[sflag:s11] =	ssyncadd.s32 $0xFFFFEC00  }
0x16e: {  	[tilespmem:s23], [sflag:$0xB] =	stream.indirect.gather [spmem:s19], $0x1, s12, s20, $0xb8;
	[tilespmem:$0x1B8F8] =	vst v63  }
0x16f: {  	_ =	swait.ge [sflag:s11], $0x28  }
0x170: {  	[sflag:s11] =	ssyncset.done $0x0  }
0x171: {  	s28 =	sadd.s32 s1, s21;
	[sflag:s11] =	ssyncadd.s32 $0xFFFFFFD8  }
0x172: {  	[hbm4b:s28+s14] =	stream.linear.scatter [tilespmem:s23], [sflag:$0xB], $0x28, $0x38;
	[tilespmem:$0x1B8F8] =	vst v63  }
0x173: {  	_ =	swait.ge [sflag:s11], $0x28  }
0x174: {  	[sflag:s11] =	ssyncset.done $0x0  }
0x175: {  	s30 =	simm.s32 $0x6800;
	[sflag:s11] =	ssyncadd.s32 $0xFFFFFFD8  }
0x176: {  	[tilespmem:s30], [sflag:$0xB] =	stream.linear.gather [hbm4b:s29+s14], $0x18, $0x38;
	[tilespmem:$0x1B8F8] =	vst v63  }
0x177: {  	_ =	swait.ge [sflag:s11], $0x18  }
0x178: {  	[sflag:s11] =	ssyncset.done $0x0  }
0x179: {  	s3 =	simm.s32 $0x6900;
	s5 =	simm.s32 $0x18;
	[sflag:s11] =	ssyncadd.s32 $0xFFFFFFE8  }
0x17a: {  	[tilespmem:s3], [sflag:$0xB] =	stream.indirect.gather [spmem:s16], $0x80, s30, s5, $0xb8;
	[tilespmem:$0x1B8F8] =	vst v63  }
0x17b: {  	_ =	swait.ge [sflag:s11], $0xC00  }
0x17c: {  	[sflag:s11] =	ssyncset.done $0x0  }
0x17d: {  	s31 =	rddreg [dreg:$0xb];
	[sflag:s11] =	ssyncadd.s32 $0xFFFFF400  }
0x17e: {  	[hbm4b:s31+s14] =	stream.linear.scatter [tilespmem:s3], [sflag:$0xB], $0xC00, $0x38;
	[tilespmem:$0x1B8F8] =	vst v63  }
0x17f: {  	_ =	swait.ge [sflag:s11], $0xC00  }
0x180: {  	[sflag:s11] =	ssyncset.done $0x0  }
0x181: {  	s25 =	simm.s32 $0x7D00;
	[sflag:s11] =	ssyncadd.s32 $0xFFFFF400  }
0x182: {  	[tilespmem:s25], [sflag:$0xB] =	stream.indirect.gather [spmem:s19], $0x1, s30, s5, $0xb8;
	[tilespmem:$0x1B8F8] =	vst v63  }
0x183: {  	_ =	swait.ge [sflag:s11], $0x18  }
0x184: {  	[sflag:s11] =	ssyncset.done $0x0  }
0x185: {  	s28 =	rddreg [dreg:$0x10];
	[sflag:s11] =	ssyncadd.s32 $0xFFFFFFE8  }
0x186: {  	[hbm4b:s28+s14] =	stream.linear.scatter [tilespmem:s25], [sflag:$0xB], $0x18, $0x38;
	[tilespmem:$0x1B8F8] =	vst v63  }
0x187: {  	_ =	swait.ge [sflag:s11], $0x18  }
0x188: {  	s1 =	simm.s32 @!p0 $0x0;
	[sflag:s11] =	ssyncset.done $0x0  }
0x189: {  	s2 =	simm.s32 @!p0 $0x6880;
	s3 =	rddreg [dreg:$0x14];
	[sflag:s11] =	ssyncadd.s32 $0xFFFFFFE8  }
0x18a: {  	[tilespmem:s2], [sflag:$0xB] =	stream.linear.gather @!p0 [hbm4b:s3+s1], $0x10, $0x38;
	[tilespmem:$0x1B8F8] =	vst v63  }
0x18b: {  	s3 =	simm.s32 @!p0 $0xB  }
0x18c: {  	_ =	swait.ge @!p0 [sflag:s3], $0x10  }
0x18d: {  	[sflag:s3] =	ssyncset.done @!p0 $0x0  }
0x18e: {  	s5 =	simm.s32 @!p0 $0x10;
	s28 =	simm.s32 @!p0 $0x7500;
	[sflag:s3] =	ssyncadd.s32 @!p0 $0xFFFFFFF0  }
0x18f: {  	[tilespmem:s28], [sflag:$0xB] =	stream.indirect.gather @!p0 [spmem:s16], $0x80, s2, s5, $0xb8;
	[tilespmem:$0x1B8F8] =	vst v63  }
0x190: {  	_ =	swait.ge @!p0 [sflag:s3], $0x800  }
0x191: {  	[sflag:s3] =	ssyncset.done @!p0 $0x0  }
0x192: {  	s25 =	rddreg [dreg:$0xc];
	[sflag:s3] =	ssyncadd.s32 @!p0 $0xFFFFF800  }
0x193: {  	[hbm4b:s25+s1] =	stream.linear.scatter @!p0 [tilespmem:s28], [sflag:$0xB], $0x800, $0x38;
	[tilespmem:$0x1B8F8] =	vst v63  }
0x194: {  	_ =	swait.ge @!p0 [sflag:s3], $0x800  }
0x195: {  	[sflag:s3] =	ssyncset.done @!p0 $0x0  }
0x196: {  	s25 =	simm.s32 @!p0 $0x7D80;
	[sflag:s3] =	ssyncadd.s32 @!p0 $0xFFFFF800  }
0x197: {  	[tilespmem:s25], [sflag:$0xB] =	stream.indirect.gather @!p0 [spmem:s19], $0x1, s2, s5, $0xb8;
	[tilespmem:$0x1B8F8] =	vst v63  }
0x198: {  	_ =	swait.ge @!p0 [sflag:s3], $0x10  }
0x199: {  	[sflag:s3] =	ssyncset.done @!p0 $0x0  }
0x19a: {  	s2 =	rddreg [dreg:$0x11];
	[sflag:s3] =	ssyncadd.s32 @!p0 $0xFFFFFFF0  }
0x19b: {  	[hbm4b:s2+s1] =	stream.linear.scatter @!p0 [tilespmem:s25], [sflag:$0xB], $0x10, $0x38;
	[tilespmem:$0x1B8F8] =	vst v63  }
0x19c: {  	_ =	swait.ge @!p0 [sflag:s3], $0x10  }
0x19d: {  	s30 =	sld [smem:$0x7FB];
	_ =	sdelay $0x2  }
0x19e: {  	s31 =	rddreg [dreg:$0x1c];
	s2 =	sadd.s32 $0x1, s30  }
0x19f: {  	p1 =	sne.s32 s2, s31  }
.Ltmp4:
0x1a0: {  	_ = 	snop;
	(pc) =	sbr.rel @p1 .LBB2_1-.Ltmp4, $3  }
0x1a1: {  	_ =	sdelay $0x1  }
0x1a2: {  	[sflag:s3] =	ssyncset.done @!p0 $0x0  }
0x1a3: {  	[sflag:s3] =	ssyncadd.s32 @!p0 $0xFFFFFFF0  }
0x1a4: {  	_ =	sfence.sel $0x180000  }
0x1a5: {  	[bflag:$0x0] =	sbarrier.arrive $0xFFFF  }
0x1a6: {  	_ =	strace $0x9000004A  }
0x1a7: {  	[bflag:$0x2] =	sbarrier.arrive $0xFFFF  }
0x1a8: {  	s0 =	rddreg [dreg:$0x3]  }
0x1a9: {  	s0 =	sadd.s32 @!p0 $0x100000, s0  }
0x1aa: {  	[sflag:s0] =	ssyncadd.tile.s32 @!p0 $0x1;
	_ =	shalt  }
.Lfunc_end2:
_tile_overlayer_lowered:
.L_overlay_start_2:
0x1ab: {  	(tag) =	ssettag $0x2  }
0x1ac: {  	s0 =	rddreg [dreg:$0x0];
	s2 =	stileid.u32  }
0x1ad: {  	s1 =	rddreg [dreg:$0x1];
	p0 =	sne.s32 s2, $0x0  }
0x1ae: {  	s3 =	rddreg [dreg:$0x2];
	[bflag:$0x3] =	sbarrier.arrive $0xFFFF;
	s2 =	simm.s32 @!p0 $0x1C0B  }
0x1af: {  	[timem:s3], [sflag:s2] =	dma.local @!p0 [hbm:s0], s1  }
0x1b0: {  	s0 =	simm.s32 @!p0 $0xB  }
0x1b1: {  	_ =	swait.ge @!p0 [sflag:s0], s1  }
0x1b2: {  	s1 =	ssub.s32 @!p0 $0x0, s1;
	[sflag:s0] =	ssyncset.done @!p0 $0x0  }
0x1b3: {  	[sflag:s0] =	ssyncadd.s32 @!p0 s1  }
0x1b4: {  	[bflag:$0x3] =	sbarrier.arrive $0xFFFF  }
0x1b5: {  	_ =	shalt  }

// kernel: kernel.7.cloned.1.call-start
scs
__scs_entry_jumppad:
0x0: {  	(pc) =	sbr.rel $0x88, $3  }
0x1: {  	(tag) =	ssettag $0x0;
	lr =	simm.s32 $0x1  }
0x2: {  	[smem:$0x3F91] =	sst lr;
	_ =	strace $0xD0000000  }
0x3: {  	_ = 	snop  }
0x4: {  	_ = 	snop  }
0x5: {  	_ = 	snop  }
0x6: {  	_ = 	snop  }
0x7: {  	_ = 	snop  }
__scs_overlays_trampoline_lowered:
0x8: {  	[smem:$0x3FA0] =	sst s0  }
0x9: {  	[smem:$0x3FA1] =	sst s1  }
0xa: {  	[smem:$0x3FA2] =	sst s2  }
0xb: {  	[smem:$0x3FA3] =	sst s3  }
0xc: {  	[smem:$0x3FA4] =	sst s4  }
0xd: {  	[smem:$0x3FA5] =	sst s5  }
0xe: {  	[smem:$0x3FA6] =	sst s6  }
0xf: {  	[smem:$0x3FA7] =	sst s7  }
0x10: {  	[smem:$0x3FA8] =	sst s8  }
0x11: {  	[smem:$0x3FA9] =	sst s9;
	s0 =	simm.s32 @!p0 $0x0  }
0x12: {  	s1 =	sld [smem:$0x3F8F];
	s0 =	simm.s32 @p0 $0x1  }
0x13: {  	[smem:$0x3FAA] =	sst s0;
	s0 =	simm.s32 @!p1 $0x0  }
0x14: {  	s2 =	sld [smem:$0x3F8E];
	s0 =	simm.s32 @p1 $0x1  }
0x15: {  	[smem:$0x3FAB] =	sst s0;
	s0 =	simm.s32 @!p2 $0x0  }
0x16: {  	s3 =	sld [smem:$0x3FDB];
	s0 =	simm.s32 @p2 $0x1  }
0x17: {  	s4 =	simm.s32 $0x1BF5;
	[smem:$0x3FAD] =	sst s0  }
0x18: {  	s0 =	sld [smem:$0x3F90];
	_ =	swait.ge [sflag:s4], $0x0  }
0x19: {  	s7 =	sld [smem:$0x3F91]  }
0x1a: {  	s8 =	sadd.s32 $0xFFFFE003, lr  }
0x1b: {  	s9 =	sadd.s32 $0xFFFFFEF7, lr;
	s5 =	simm.s32 $0xFFFFFFFF;
	p2 =	slt.u32 s8, $0xFFFFF086  }
0x1c: {  	p1 =	slt.u32 s9, $0xF7A;
	s5 =	simm.s32 @!p2 $0x0  }
0x1d: {  	s5 =	simm.s32 @p1 $0x1;
	p0 =	seq.s32 s7, s2  }
0x1e: {  	s7 =	smul.u32 @!p0 $0xF7A, s2;
	p2 =	seq.s32 @!p0 s5, $0x0  }
0x1f: {  	s9 =	smul.u32 $0xF7A, s1;
	s8 =	simm.s32 @!p0 $0x1BF5;
	p2 =	por !p2, p0  }
0x20: {  	[sflag:s8] =	ssyncset.s32 @!p0 $0xFFFFF086;
	s6 =	sadd.s32 @!p0 s3, s7;
	s7 =	simm.s32 @!p0 $0x108  }
0x21: {  	s3 =	sadd.s32 s3, s9;
	s6 =	sadd.s32 @!p0 $0x88, s6;
	s7 =	simm.s32 @p2 $0x1082  }
0x22: {  	[simem:s7], [sflag:s8] =	dma.local @!p0 [hbm:s6], $0xF7A  }
0x23: {  	s9 =	sor.u32 $0xD0000000, s2;
	s6 =	simm.s32 $0x108;
	_ =	swait.ge @!p0 [sflag:s8], $0x0  }
0x24: {  	s3 =	sadd.s32 $0x88, s3;
	s6 =	simm.s32 @!p1 $0x1082;
	[sflag:s4] =	ssyncset.s32 $0xFFFFF086  }
0x25: {  	[simem:s6], [sflag:s4] =	dma.local [hbm:s3], $0xF7A  }
0x26: {  	[smem:$0x3F91] =	sst s1;
	(tag) =	ssettag s2;
	_ =	strace s9  }
0x27: {  	s1 =	sld [smem:$0x3FA1]  }
0x28: {  	s2 =	sld [smem:$0x3FA2]  }
0x29: {  	s4 =	sld [smem:$0x3FA4]  }
0x2a: {  	p0 =	seq.s32 s5, $0x0;
	s5 =	sld [smem:$0x3FA5]  }
0x2b: {  	s6 =	sld [smem:$0x3FA6]  }
0x2c: {  	s7 =	sld [smem:$0x3FA7]  }
0x2d: {  	s3 =	simm.s32 $0x108;
	s8 =	sld [smem:$0x3FA8]  }
0x2e: {  	s3 =	simm.s32 @!p0 $0x1082;
	s9 =	sld [smem:$0x3FA9]  }
0x2f: {  	lr =	sadd.s32 s0, s3;
	s0 =	sld [smem:$0x3FA0]  }
0x30: {  	s3 =	sld [smem:$0x3FA3]  }
0x31: {  	[smem:$0x3FAC] =	sst s10  }
0x32: {  	s10 =	sld [smem:$0x3FAA];
	_ =	sdelay $0x3  }
0x33: {  	p0 =	seq.s32 s10, $0x1;
	s10 =	sld [smem:$0x3FAC];
	_ =	sdelay $0x3  }
0x34: {  	[smem:$0x3FAC] =	sst s10  }
0x35: {  	s10 =	sld [smem:$0x3FAB];
	_ =	sdelay $0x3  }
0x36: {  	p1 =	seq.s32 s10, $0x1;
	s10 =	sld [smem:$0x3FAC];
	_ =	sdelay $0x3  }
0x37: {  	[smem:$0x3FAC] =	sst s10  }
0x38: {  	s10 =	sld [smem:$0x3FAD]  }
0x39: {  	_ = 	snop;
	(pc) =	sbr.ind lr, $3  }
0x3a: {  	_ = 	snop  }
0x3b: {  	_ = 	snop  }
0x3c: {  	p2 =	seq.s32 s10, $0x1;
	s10 =	sld [smem:$0x3FAC]  }
0x3d: {  	_ =	shalt  }
0x3e: {  	_ =	shalt  }
0x3f: {  	_ =	shalt  }
0x40: {  	_ =	shalt  }
0x41: {  	_ =	shalt  }
0x42: {  	_ =	shalt  }
0x43: {  	_ =	shalt  }
0x44: {  	_ =	shalt  }
0x45: {  	_ =	shalt  }
0x46: {  	_ =	shalt  }
0x47: {  	_ =	shalt  }
0x48: {  	_ =	shalt  }
0x49: {  	_ =	shalt  }
0x4a: {  	_ =	shalt  }
0x4b: {  	_ =	shalt  }
0x4c: {  	_ =	shalt  }
0x4d: {  	_ =	shalt  }
0x4e: {  	_ =	shalt  }
0x4f: {  	_ =	shalt  }
0x50: {  	_ =	shalt  }
0x51: {  	_ =	shalt  }
0x52: {  	_ =	shalt  }
0x53: {  	_ =	shalt  }
0x54: {  	_ =	shalt  }
0x55: {  	_ =	shalt  }
0x56: {  	_ =	shalt  }
0x57: {  	_ =	shalt  }
0x58: {  	_ =	shalt  }
0x59: {  	_ =	shalt  }
0x5a: {  	_ =	shalt  }
0x5b: {  	_ =	shalt  }
0x5c: {  	_ =	shalt  }
0x5d: {  	_ =	shalt  }
0x5e: {  	_ =	shalt  }
0x5f: {  	_ =	shalt  }
0x60: {  	_ =	shalt  }
0x61: {  	_ =	shalt  }
0x62: {  	_ =	shalt  }
0x63: {  	_ =	shalt  }
0x64: {  	_ =	shalt  }
0x65: {  	_ =	shalt  }
0x66: {  	_ =	shalt  }
0x67: {  	_ =	shalt  }
0x68: {  	_ =	shalt  }
0x69: {  	_ =	shalt  }
0x6a: {  	_ =	shalt  }
0x6b: {  	_ =	shalt  }
0x6c: {  	_ =	shalt  }
0x6d: {  	_ =	shalt  }
0x6e: {  	_ =	shalt  }
0x6f: {  	_ =	shalt  }
0x70: {  	_ =	shalt  }
0x71: {  	_ =	shalt  }
0x72: {  	_ =	shalt  }
0x73: {  	_ =	shalt  }
0x74: {  	_ =	shalt  }
0x75: {  	_ =	shalt  }
0x76: {  	_ =	shalt  }
0x77: {  	_ =	shalt  }
0x78: {  	_ =	shalt  }
0x79: {  	_ =	shalt  }
0x7a: {  	_ =	shalt  }
0x7b: {  	_ =	shalt  }
0x7c: {  	_ =	shalt  }
0x7d: {  	_ =	shalt  }
0x7e: {  	_ =	shalt  }
0x7f: {  	_ =	shalt  }
0x80: {  	_ =	shalt  }
0x81: {  	_ =	shalt  }
0x82: {  	_ =	shalt  }
0x83: {  	_ =	shalt  }
0x84: {  	_ =	shalt  }
0x85: {  	_ =	shalt  }
0x86: {  	_ =	shalt  }
0x87: {  	_ =	shalt  }
.Lfunc_end0:
.L_simem_size_0:
called_computation_lowered:
.L_overlay_start_0:
0x88: {  	s2 =	sld [smem:$0x3FD9]  }
0x89: {  	s3 =	sld [smem:$0x3FFE];
	_ =	sdelay $0x1  }
0x8a: {  	s1 =	srdreg.scid  }
0x8b: {  	s0 =	sand.u32 $0x1, s1  }
0x8c: {  	s16 =	sshll.u32 s0, $0xA;
	s2 =	sadd.s32 s3, s2  }
0x8d: {  	s2 =	sadd.s32 s2, s16  }
0x8e: {  	[smem:$0x3FB8] =	sst s2  }
0x8f: {  	_ = 	snop  }
0x90: {  	(tm) =	ssettm $0x1  }
0x91: {  	s17 =	sld [smem:$0x3FFB];
	_ =	sdelay $0x3  }
0x92: {  	_ =	strace s17  }
0x93: {  	s2 =	sld [smem:$0x3FFC];
	_ =	sdelay $0x3  }
0x94: {  	_ =	strace s2  }
0x95: {  	s2 =	sld [smem:$0x3FFD];
	_ =	sdelay $0x3  }
0x96: {  	_ =	strace s2  }
0x97: {  	_ =	strace $0x8FFFFFFF  }
0x98: {  	s18 =	sld [smem:$0x3FDB];
	_ =	sdelay $0x1  }
0x99: {  	s19 =	simm.s32 $_scs_section_size  }
0x9a: {  	s4 =	simm.s32 $_size__tile_overlayer_lowered;
	s5 =	simm.s32 $_tile_overlayer_lowered  }
0x9b: {  	s22 =	simm.s32 $0x1BFF;
	s21 =	sshll.u32 s5, $0x1;
	s2 =	sadd.s32 s19, s18  }
0x9c: {  	s6 =	simm.s32 $0x0;
	s20 =	sshll.u32 s4, $0x1;
	s4 =	sadd.s32 s21, s2  }
0x9d: {  	[timem:s6], [sflag:s22] =	dma.local [hbm:s4], s20  }
0x9e: {  	_ =	swait.ge [sflag:s22], s20  }
0x9f: {  	s3 =	ssub.s32 $0x0, s20;
	[sflag:s22] =	ssyncset.done $0x0  }
0xa0: {  	[sflag:s22] =	ssyncadd.s32 s3;
	_ =	sdelay $0x1  }
0xa1: {  	s23 =	simm.s32 $0x1B8B  }
0xa2: {  	_ =	swait.ge [sflag:s23], $0x1  }
0xa3: {  	[sflag:s23] =	ssyncset.done $0x0  }
0xa4: {  	s25 =	simm.s32 $0x1B8E;
	s24 =	sld [smem:$0x3FFE];
	[sflag:s23] =	ssyncadd.s32 $0xFFFFFFFF  }
0xa5: {  	s26 =	simm.s32 $execute0_lowered;
	[smem:$0x3FD2] =	sst s25  }
0xa6: {  	s4 =	sshll.u32 s26, $0x1;
	_ =	strace $0x80000046;
	[dreg:$0x1] =	wrdreg $0xFFFFFFFF  }
0xa7: {  	s28 =	simm.s32 $_size_execute0_lowered;
	s2 =	sadd.s32 s2, s4;
	[dreg:$0x0] =	wrdreg $0x0  }
0xa8: {  	s4 =	sshll.u32 s28, $0x1;
	[dreg:$0x2] =	wrdreg s2  }
0xa9: {  	[dreg:$0x3] =	wrdreg s4  }
0xaa: {  	[dreg:$0x4] =	wrdreg $0xC0  }
0xab: {  	_ =	task [dreg:s6], $0x5FFFF  }
0xac: {  	[dreg:$0x1] =	wrdreg $0xFFFFFFFF  }
0xad: {  	[dreg:$0x0] =	wrdreg $0x60  }
0xae: {  	[dreg:$0x2] =	wrdreg s24  }
0xaf: {  	[dreg:$0x3] =	wrdreg $0x9  }
0xb0: {  	_ =	task.clear_ibuf [dreg:s6], $0x4FFFF;
	_ =	strace $0x90000046  }
0xb1: {  	s29 =	simm.s32 $0x9;
	_ =	strace $0x80000048  }
0xb2: {  	_ =	swait.ge [sflag:s29], $0x1  }
0xb3: {  	[sflag:s29] =	ssyncadd.s32 $0xFFFFFFFF  }
0xb4: {  	_ =	strace $0x90000048  }
0xb5: {  	_ =	sfence  }
0xb6: {  	s30 =	sld [smem:$0x0];
	_ =	sdelay $0x2  }
0xb7: {  	s31 =	sshll.u32 s1, $0xD;
	s1 =	sshrl.u32 s1, $0x2  }
0xb8: {  	s3 =	sand.u32 $0x4000, s31;
	s1 =	sadd.s32 s1, s30  }
0xb9: {  	s0 =	sor.u32 s3, s0;
	s1 =	sshll.u32 s1, $0x11  }
0xba: {  	s0 =	sor.u32 s1, s0  }
0xbb: {  	s0 =	sadd.s32 $0x8F2B, s0  }
0xbc: {  	[sflag:s0] =	ssyncadd.remote.s32 $0x1  }
0xbd: {  	_ =	sfence.sel $0xFFFF  }
0xbe: {  	[dreg:$0x0] =	wrdreg $0xFFFFFFFF;
	(pc) =	sbr.abs _section_cstart, $3  }
0xbf: {  	[dreg:$0x1] =	wrdreg $0xFFFFFFFF  }
0xc0: {  	_ =	task.clear_ibuf [dreg:s6], $0x2FFFF;
	_ =	strace $0x9FFFFFFF  }
0xc1: {  	(tm) =	ssettm $0x7FFFFFFF  }
tec
execute0_lowered:
.L_overlay_start_1:
0x0: {  	(tag) =	ssettag $0x1  }
0x1: {  	s0 =	rddreg [dreg:$0x0]  }
0x2: {  	s1 =	srdreg.scid;
	s2 =	simm.s32 $0x0;
	s14 =	stileid.u32  }
0x3: {  	s28 =	simm.s32 $0x3;
	s30 =	simm.s32 $0x6;
	s29 =	simm.s32 $0xD  }
0x4: {  	s1 =	sand.u32 $0x1, s1;
	[smem:$0x7FF] =	sst s2;
	s3 =	sadd.s32 $0xDE00, s0  }
0x5: {  	s21 =	sadd.s32 $0x8E00, s0;
	s12 =	sadd.s32 $0x3E00, s0;
	s26 =	smul.u32 $0x13880, s14  }
0x6: {  	s8 =	sadd.s32 $0x5C200, s0;
	s9 =	sadd.s32 $0x2CD200, s0;
	s31 =	smul.u32 $0x1388, s14  }
0x7: {  	s4 =	sshll.u32 s1, $0x4;
	_ =	strace $0x80000047;
	s11 =	smul.u32 $0x138800, s1  }
0x8: {  	s6 =	ssub.s32 $0x2, s1;
	s1 =	smul.u32 $0x13880, s1;
	[dreg:$0x1b] =	wrdreg s21  }
0x9: {  	s5 =	sor.u32 s14, s4;
	s16 =	sshrl.u32 s6, $0x1;
	s13 =	sadd.s32 s11, s8  }
0xa: {  	s4 =	sadd.s32 $0x35000, s0;
	s0 =	ssub.s32 s6, s16;
	s13 =	sadd.s32 s26, s13  }
0xb: {  	s15 =	smul.u32 $0x1388, s5;
	s0 =	smax.u32 s0, $0x1;
	[dreg:$0x19] =	wrdreg s13  }
0xc: {  	s5 =	smul.u32 $0x9C400, s5;
	s11 =	sadd.s32 s11, s9;
	[dreg:$0x14] =	wrdreg s0  }
0xd: {  	s1 =	sadd.s32 s31, s1;
	s18 =	sadd.s32 s26, s11;
	[dreg:$0x2] =	wrdreg s15  }
0xe: {  	s11 =	simm.s32 $0x300;
	s7 =	sadd.s32 $0x28, s15;
	[dreg:$0x1a] =	wrdreg s18  }
0xf: {  	s17 =	sshrl.u32 s15, $0x3;
	s26 =	sadd.s32 $0xC8, s15;
	[dreg:$0x3] =	wrdreg s7  }
0x10: {  	s24 =	sadd.s32 $0x78, s15;
	s31 =	sadd.s32 $0xF0, s15;
	[dreg:$0x16] =	wrdreg s26  }
0x11: {  	s5 =	sshrl.u32 s5, $0x3;
	s10 =	sadd.s32 s21, s17;
	[dreg:$0x17] =	wrdreg s31  }
0x12: {  	s7 =	sshrl.u32 s7, $0x3;
	s19 =	sadd.s32 s12, s17;
	[dreg:$0x4] =	wrdreg s10  }
0x13: {  	s15 =	simm.s32 $0x4;
	[dreg:$0x5] =	wrdreg s19;
	s20 =	sadd.s32 s21, s7  }
0x14: {  	s22 =	sadd.s32 $0xA, s17;
	s7 =	sadd.s32 s12, s7;
	[dreg:$0x6] =	wrdreg s20  }
0x15: {  	s25 =	sshrl.u32 s24, $0x3;
	s23 =	sadd.s32 s21, s22;
	[dreg:$0x7] =	wrdreg s7  }
0x16: {  	s6 =	sadd.s32 $0x14, s17;
	s13 =	sadd.s32 s21, s25;
	[dreg:$0x8] =	wrdreg s23  }
0x17: {  	s14 =	sadd.s32 $0x13100, s5;
	s16 =	sadd.s32 s21, s6;
	[dreg:$0xa] =	wrdreg s13  }
0x18: {  	s24 =	sadd.s32 $0xA0, s1;
	s6 =	sadd.s32 s12, s6;
	[dreg:$0xc] =	wrdreg s16  }
0x19: {  	s17 =	sadd.s32 s8, s14;
	s19 =	sadd.s32 s9, s14;
	[dreg:$0xd] =	wrdreg s6  }
0x1a: {  	s0 =	sshrl.u32 s24, $0x3;
	s24 =	simm.s32 $0x28;
	[dreg:$0xe] =	wrdreg s17  }
0x1b: {  	s10 =	simm.s32 $0xE;
	s7 =	sadd.s32 s12, s22;
	[dreg:$0xf] =	wrdreg s19  }
0x1c: {  	s20 =	sadd.s32 $0x13380, s5;
	s5 =	sadd.s32 $0x13600, s5;
	[dreg:$0x15] =	wrdreg s0  }
0x1d: {  	s17 =	simm.s32 $0x180;
	s13 =	simm.s32 $0x400;
	s19 =	simm.s32 $0x5  }
0x1e: {  	s16 =	simm.s32 $0x9;
	[dreg:$0x9] =	wrdreg s7;
	s7 =	sadd.s32 s12, s25  }
0x1f: {  	s22 =	sadd.s32 s8, s20;
	s6 =	sadd.s32 s9, s20;
	[dreg:$0xb] =	wrdreg s7  }
0x20: {  	s23 =	sadd.s32 s8, s5;
	s5 =	sadd.s32 s9, s5;
	[dreg:$0x10] =	wrdreg s22  }
.Ltmp0:
0x21: {  	s25 =	sadd.s32 $0x78, s1;
	[dreg:$0x11] =	wrdreg s6;
	(pc) =	sbr.rel .LBB2_1-.Ltmp0, $4  }
0x22: {  	s1 =	sadd.s32 $0x50, s1;
	s20 =	simm.s32 $0xF;
	[dreg:$0x12] =	wrdreg s23  }
0x23: {  	[dreg:$0x13] =	wrdreg s5;
	s0 =	sshrl.u32 s25, $0x3;
	s1 =	sshrl.u32 s1, $0x3  }
0x24: {  	s23 =	simm.s32 $0x2;
	s22 =	simm.s32 $0x7;
	s6 =	simm.s32 $0xA  }
0x25: {  	s7 =	simm.s32 $0x0;
	[dreg:$0x18] =	wrdreg s0;
	s0 =	simm.s32 $0x80  }
.LBB2_7:
0x26: {  	s0 =	simm.s32 $0x8  }
0x27: {  	_ =	swait.ge [sflag:s0], $0x1400  }
0x28: {  	[sflag:s0] =	ssyncset.done $0x0  }
0x29: {  	[sflag:s0] =	ssyncadd.s32 $0xFFFFEC00  }
0x2a: {  	_ =	swait.ge [sflag:s0], $0x1400  }
0x2b: {  	[sflag:s0] =	ssyncset.done $0x0  }
0x2c: {  	s7 =	simm.s32 $0x2D00;
	s5 =	rddreg [dreg:$0xe];
	[sflag:s0] =	ssyncadd.s32 $0xFFFFEC00  }
0x2d: {  	[hbm4b:s5+s2] =	stream.linear.scatter [tilespmem:s7], [sflag:$0xD], $0x1400, $0x38;
	[tilespmem:$0xCD00] =	vst v63  }
0x2e: {  	s13 =	simm.s32 $0x9100;
	s11 =	rddreg [dreg:$0xf]  }
0x2f: {  	[hbm4b:s11+s2] =	stream.linear.scatter [tilespmem:s13], [sflag:$0xD], $0x1400, $0x38;
	[tilespmem:$0xCD00] =	vst v63  }
0x30: {  	_ =	swait.ge [sflag:s16], $0x1400  }
0x31: {  	[sflag:s16] =	ssyncset.done $0x0  }
0x32: {  	[sflag:s16] =	ssyncadd.s32 $0xFFFFEC00  }
0x33: {  	_ =	swait.ge [sflag:s16], $0x1400  }
0x34: {  	[sflag:s16] =	ssyncset.done $0x0  }
0x35: {  	s25 =	simm.s32 $0x4100;
	s14 =	rddreg [dreg:$0x10];
	[sflag:s16] =	ssyncadd.s32 $0xFFFFEC00  }
0x36: {  	[hbm4b:s14+s2] =	stream.linear.scatter [tilespmem:s25], [sflag:$0xE], $0x1400, $0x38;
	[tilespmem:$0xCD00] =	vst v63  }
0x37: {  	s31 =	simm.s32 $0xA500;
	s26 =	rddreg [dreg:$0x11]  }
0x38: {  	[hbm4b:s26+s2] =	stream.linear.scatter [tilespmem:s31], [sflag:$0xE], $0x1400, $0x38;
	[tilespmem:$0xCD00] =	vst v63  }
0x39: {  	_ =	swait.ge [sflag:s6], $0x1400  }
0x3a: {  	[sflag:s6] =	ssyncset.done $0x0  }
0x3b: {  	[sflag:s6] =	ssyncadd.s32 $0xFFFFEC00  }
0x3c: {  	_ =	swait.ge [sflag:s6], $0x1400  }
0x3d: {  	[sflag:s6] =	ssyncset.done $0x0  }
0x3e: {  	s11 =	simm.s32 $0x5500;
	s7 =	rddreg [dreg:$0x12];
	[sflag:s6] =	ssyncadd.s32 $0xFFFFEC00  }
0x3f: {  	[hbm4b:s7+s2] =	stream.linear.scatter [tilespmem:s11], [sflag:$0xF], $0x1400, $0x38;
	[tilespmem:$0xCD00] =	vst v63  }
0x40: {  	s14 =	simm.s32 $0xB900;
	s25 =	simm.s32 $0xB;
	s13 =	rddreg [dreg:$0x13]  }
0x41: {  	[hbm4b:s13+s2] =	stream.linear.scatter [tilespmem:s14], [sflag:$0xF], $0x1400, $0x38;
	[tilespmem:$0xCD00] =	vst v63  }
0x42: {  	_ =	swait.ge [sflag:s25], $0x1400  }
0x43: {  	[sflag:s25] =	ssyncset.done $0x0  }
0x44: {  	[sflag:s25] =	ssyncadd.s32 $0xFFFFEC00  }
0x45: {  	_ =	swait.ge [sflag:s25], $0x1400  }
0x46: {  	[sflag:s25] =	ssyncset.done $0x0  }
0x47: {  	s26 =	simm.s32 $0xC;
	[sflag:s25] =	ssyncadd.s32 $0xFFFFEC00  }
0x48: {  	_ =	swait.ge [sflag:s26], $0x1400  }
0x49: {  	[sflag:s26] =	ssyncset.done $0x0  }
0x4a: {  	[sflag:s26] =	ssyncadd.s32 $0xFFFFEC00  }
0x4b: {  	_ =	swait.ge [sflag:s26], $0x1400  }
0x4c: {  	[sflag:s26] =	ssyncset.done $0x0  }
0x4d: {  	[sflag:s26] =	ssyncadd.s32 $0xFFFFEC00  }
0x4e: {  	_ =	swait.ge [sflag:s29], $0x1400  }
0x4f: {  	[sflag:s29] =	ssyncset.done $0x0  }
0x50: {  	[sflag:s29] =	ssyncadd.s32 $0xFFFFEC00  }
0x51: {  	_ =	swait.ge [sflag:s29], $0x1400  }
0x52: {  	[sflag:s29] =	ssyncset.done $0x0  }
0x53: {  	[sflag:s29] =	ssyncadd.s32 $0xFFFFEC00  }
0x54: {  	_ =	swait.ge [sflag:s10], $0x1400  }
0x55: {  	[sflag:s10] =	ssyncset.done $0x0  }
0x56: {  	[sflag:s10] =	ssyncadd.s32 $0xFFFFEC00  }
0x57: {  	_ =	swait.ge [sflag:s10], $0x1400  }
0x58: {  	[sflag:s10] =	ssyncset.done $0x0  }
0x59: {  	[sflag:s10] =	ssyncadd.s32 $0xFFFFEC00  }
0x5a: {  	_ =	swait.ge [sflag:s20], $0x1400  }
0x5b: {  	[sflag:s20] =	ssyncset.done $0x0  }
0x5c: {  	[sflag:s20] =	ssyncadd.s32 $0xFFFFEC00  }
0x5d: {  	_ =	swait.ge [sflag:s20], $0x1400  }
0x5e: {  	s7 =	rddreg [dreg:$0x1c]  }
0x5f: {  	s31 =	rddreg [dreg:$0x14];
	s7 =	sadd.s32 $0x1, s7  }
0x60: {  	p0 =	sne.s32 s7, s31  }
.Ltmp1:
0x61: {  	_ = 	snop;
	(pc) =	sbr.rel @!p0 .LBB2_8-.Ltmp1, $3  }
0x62: {  	_ =	sdelay $0x1  }
0x63: {  	s0 =	simm.s32 $0x80;
	[sflag:s20] =	ssyncset.done $0x0  }
0x64: {  	s11 =	simm.s32 $0x300;
	s13 =	simm.s32 $0x400;
	[sflag:s20] =	ssyncadd.s32 $0xFFFFEC00  }
.LBB2_1:
0x65: {  	[dreg:$0x1c] =	wrdreg s7  }
0x66: {  	s5 =	rddreg [dreg:$0x4]  }
0x67: {  	s26 =	rddreg [dreg:$0x5]  }
0x68: {  	[tilespmem:s2], [sflag:$0x1] =	stream.linear.gather [hbm4b:s5+s2], $0x28, $0x38;
	[tilespmem:$0xCD00] =	vst v63  }
0x69: {  	s31 =	simm.s32 $0x280;
	s14 =	rddreg [dreg:$0x6]  }
0x6a: {  	[tilespmem:s31], [sflag:$0x1] =	stream.linear.gather [hbm4b:s26+s2], $0x28, $0x38;
	[tilespmem:$0xCD00] =	vst v63  }
0x6b: {  	s25 =	rddreg [dreg:$0x7]  }
0x6c: {  	[tilespmem:s0], [sflag:$0x2] =	stream.linear.gather [hbm4b:s14+s2], $0x28, $0x38;
	[tilespmem:$0xCD00] =	vst v63  }
0x6d: {  	s26 =	rddreg [dreg:$0x8]  }
0x6e: {  	[tilespmem:s11], [sflag:$0x2] =	stream.linear.gather [hbm4b:s25+s2], $0x28, $0x38;
	[tilespmem:$0xCD00] =	vst v63  }
0x6f: {  	s31 =	simm.s32 $0x100;
	s0 =	rddreg [dreg:$0x9]  }
0x70: {  	[tilespmem:s31], [sflag:$0x3] =	stream.linear.gather [hbm4b:s26+s2], $0x28, $0x38;
	[tilespmem:$0xCD00] =	vst v63  }
0x71: {  	s7 =	simm.s32 $0x380;
	s14 =	rddreg [dreg:$0xb]  }
0x72: {  	[tilespmem:s7], [sflag:$0x3] =	stream.linear.gather [hbm4b:s0+s2], $0x28, $0x38;
	[tilespmem:$0xCD00] =	vst v63  }
0x73: {  	s5 =	smov.u32 s21;
	s11 =	rddreg [dreg:$0xa]  }
0x74: {  	[tilespmem:s17], [sflag:$0x4] =	stream.linear.gather [hbm4b:s11+s2], $0x28, $0x38;
	[tilespmem:$0xCD00] =	vst v63  }
0x75: {  	s25 =	simm.s32 $0x200;
	s26 =	rddreg [dreg:$0xd];
	s31 =	simm.s32 $0x480  }
0x76: {  	[tilespmem:s13], [sflag:$0x4] =	stream.linear.gather [hbm4b:s14+s2], $0x28, $0x38;
	[tilespmem:$0xCD00] =	vst v63  }
0x77: {  	s7 =	smov.u32 s12;
	s0 =	simm.s32 $0x80;
	s17 =	rddreg [dreg:$0xc]  }
0x78: {  	[tilespmem:s25], [sflag:$0x5] =	stream.linear.gather [hbm4b:s17+s2], $0x28, $0x38;
	[tilespmem:$0xCD00] =	vst v63  }
0x79: {  	s11 =	simm.s32 $0x0;
	s14 =	simm.s32 $0x0;
	s17 =	simm.s32 $0x300  }
0x7a: {  	[tilespmem:s31], [sflag:$0x5] =	stream.linear.gather [hbm4b:s26+s2], $0x28, $0x38;
	[tilespmem:$0xCD00] =	vst v63  }
.LBB2_2:
0x7b: {  	p0 =	seq.s32 s11, $0x0  }
0x7c: {  	s13 =	simm.s32 @p0 $0x1  }
0x7d: {  	_ =	swait.ge @p0 [sflag:s13], $0x28  }
0x7e: {  	[sflag:s13] =	ssyncset.done @p0 $0x0  }
0x7f: {  	[sflag:s13] =	ssyncadd.s32 @p0 $0xFFFFFFD8  }
0x80: {  	_ =	swait.ge @p0 [sflag:s13], $0x28  }
0x81: {  	s25 =	simm.s32 @p0 $0x0;
	[sflag:s13] =	ssyncset.done @p0 $0x0  }
0x82: {  	s26 =	simm.s32 @p0 $0x500;
	[sflag:s13] =	ssyncadd.s32 @p0 $0xFFFFFFD8;
	s13 =	simm.s32 @p0 $0x28  }
0x83: {  	[tilespmem:s26], [sflag:$0x6] =	stream.indirect.gather @p0 [hbm4b:s3+s13], $0x80, s25, s13, $0xb8;
	[tilespmem:$0xCD00] =	vst v63  }
0x84: {  	s25 =	simm.s32 @p0 $0x280;
	s26 =	simm.s32 @p0 $0x6900  }
0x85: {  	[tilespmem:s26], [sflag:$0x6] =	stream.indirect.gather @p0 [hbm4b:s4+s13], $0x80, s25, s13, $0xb8;
	[tilespmem:$0xCD00] =	vst v63  }
0x86: {  	s13 =	simm.s32 @!p0 $0xB  }
0x87: {  	_ =	swait.ge @!p0 [sflag:s13], $0x1400  }
0x88: {  	[sflag:s13] =	ssyncset.done @!p0 $0x0  }
0x89: {  	[sflag:s13] =	ssyncadd.s32 @!p0 $0xFFFFEC00  }
0x8a: {  	_ =	swait.ge @!p0 [sflag:s13], $0x1400  }
0x8b: {  	[sflag:s13] =	ssyncset.done @!p0 $0x0  }
0x8c: {  	[sflag:s13] =	ssyncadd.s32 @!p0 $0xFFFFEC00;
	s13 =	simm.s32 @!p0 $0x1  }
0x8d: {  	_ =	swait.ge @!p0 [sflag:s13], $0x28  }
0x8e: {  	[sflag:s13] =	ssyncset.done @!p0 $0x0  }
0x8f: {  	[sflag:s13] =	ssyncadd.s32 @!p0 $0xFFFFFFD8  }
0x90: {  	_ =	swait.ge @!p0 [sflag:s13], $0x28  }
0x91: {  	s25 =	simm.s32 @!p0 $0x0;
	[sflag:s13] =	ssyncset.done @!p0 $0x0  }
0x92: {  	s26 =	simm.s32 @!p0 $0x500;
	[sflag:s13] =	ssyncadd.s32 @!p0 $0xFFFFFFD8;
	s13 =	simm.s32 @!p0 $0x28  }
0x93: {  	[tilespmem:s26], [sflag:$0x6] =	stream.indirect.gather @!p0 [hbm4b:s3+s13], $0x80, s25, s13, $0xb8;
	[tilespmem:$0xCD00] =	vst v63  }
0x94: {  	s31 =	simm.s32 @!p0 $0x6900;
	s26 =	simm.s32 @!p0 $0x280  }
0x95: {  	[tilespmem:s31], [sflag:$0x6] =	stream.indirect.gather @!p0 [hbm4b:s4+s13], $0x80, s26, s13, $0xb8;
	[tilespmem:$0xCD00] =	vst v63  }
0x96: {  	s13 =	simm.s32 @!p0 $0x8  }
0x97: {  	_ =	swait.ge @!p0 [sflag:s13], $0x1400  }
0x98: {  	[sflag:s13] =	ssyncset.done @!p0 $0x0  }
0x99: {  	[sflag:s13] =	ssyncadd.s32 @!p0 $0xFFFFEC00  }
0x9a: {  	_ =	swait.ge @!p0 [sflag:s13], $0x1400  }
0x9b: {  	s31 =	rddreg [dreg:$0x19]  }
0x9c: {  	[sflag:s13] =	ssyncset.done @!p0 $0x0;
	s26 =	sadd.s32 @!p0 s11, s31  }
0x9d: {  	[sflag:s13] =	ssyncadd.s32 @!p0 $0xFFFFEC00;
	s13 =	sadd.s32 @!p0 $0xFFFFF880, s26;
	s26 =	simm.s32 @!p0 $0x2D00  }
0x9e: {  	[hbm4b:s13+s25] =	stream.linear.scatter @!p0 [tilespmem:s26], [sflag:$0xD], $0x1400, $0x38;
	[tilespmem:$0xCD00] =	vst v63  }
0x9f: {  	s13 =	sadd.s32 @!p0 s11, s18  }
0xa0: {  	s26 =	simm.s32 @!p0 $0x9100;
	s13 =	sadd.s32 @!p0 $0xFFFFF880, s13  }
0xa1: {  	[hbm4b:s13+s25] =	stream.linear.scatter @!p0 [tilespmem:s26], [sflag:$0xD], $0x1400, $0x38;
	[tilespmem:$0xCD00] =	vst v63  }
0xa2: {  	s13 =	sadd.s32 @!p0 s5, s1;
	s26 =	simm.s32 @!p0 $0x100  }
0xa3: {  	[tilespmem:s26], [sflag:$0x3] =	stream.linear.gather @!p0 [hbm4b:s13+s25], $0x28, $0x38;
	[tilespmem:$0xCD00] =	vst v63  }
0xa4: {  	s13 =	sadd.s32 @!p0 s7, s1;
	s26 =	simm.s32 @!p0 $0x380  }
0xa5: {  	[tilespmem:s26], [sflag:$0x3] =	stream.linear.gather @!p0 [hbm4b:s13+s25], $0x28, $0x38;
	[tilespmem:$0xCD00] =	vst v63  }
0xa6: {  	s13 =	simm.s32 @!p0 $0xC  }
0xa7: {  	_ =	swait.ge @!p0 [sflag:s13], $0x1400  }
0xa8: {  	[sflag:s13] =	ssyncset.done @!p0 $0x0  }
0xa9: {  	[sflag:s13] =	ssyncadd.s32 @!p0 $0xFFFFEC00  }
0xaa: {  	_ =	swait.ge @!p0 [sflag:s13], $0x1400  }
0xab: {  	[sflag:s13] =	ssyncset.done @!p0 $0x0  }
0xac: {  	[sflag:s13] =	ssyncadd.s32 @!p0 $0xFFFFEC00  }
0xad: {  	_ =	swait.ge [sflag:s23], $0x28  }
0xae: {  	[sflag:s23] =	ssyncset.done $0x0  }
0xaf: {  	[sflag:s23] =	ssyncadd.s32 $0xFFFFFFD8  }
0xb0: {  	_ =	swait.ge [sflag:s23], $0x28  }
.Ltmp2:
0xb1: {  	[sflag:s23] =	ssyncset.done $0x0;
	(pc) =	sbr.rel @p0 .LBB2_4-.Ltmp2, $4  }
0xb2: {  	s25 =	simm.s32 $0x1900;
	[sflag:s23] =	ssyncadd.s32 $0xFFFFFFD8  }
0xb3: {  	[tilespmem:s25], [sflag:$0x7] =	stream.indirect.gather [hbm4b:s3+s24], $0x80, s0, s24, $0xb8;
	[tilespmem:$0xCD00] =	vst v63  }
0xb4: {  	s21 =	smov.u32 s8;
	s26 =	simm.s32 $0x7D00  }
0xb5: {  	[tilespmem:s26], [sflag:$0x7] =	stream.indirect.gather [hbm4b:s4+s24], $0x80, s17, s24, $0xb8;
	[tilespmem:$0xCD00] =	vst v63  }
0xb6: {  	_ =	swait.ge [sflag:s16], $0x1400  }
0xb7: {  	[sflag:s16] =	ssyncset.done $0x0  }
0xb8: {  	[sflag:s16] =	ssyncadd.s32 $0xFFFFEC00  }
0xb9: {  	_ =	swait.ge [sflag:s16], $0x1400  }
0xba: {  	s0 =	smov.u32 s18;
	s13 =	sadd.s32 s11, s31;
	[sflag:s16] =	ssyncset.done $0x0  }
0xbb: {  	s18 =	simm.s32 $0x4100;
	s25 =	sadd.s32 $0xFFFFFB00, s13;
	[sflag:s16] =	ssyncadd.s32 $0xFFFFEC00  }
0xbc: {  	[hbm4b:s25+s2] =	stream.linear.scatter [tilespmem:s18], [sflag:$0xE], $0x1400, $0x38;
	[tilespmem:$0xCD00] =	vst v63  }
0xbd: {  	s25 =	sadd.s32 s11, s0  }
0xbe: {  	s8 =	simm.s32 $0xA500;
	s0 =	rddreg [dreg:$0x18];
	s26 =	sadd.s32 $0xFFFFFB00, s25  }
0xbf: {  	[hbm4b:s26+s2] =	stream.linear.scatter [tilespmem:s8], [sflag:$0xE], $0x1400, $0x38;
	[tilespmem:$0xCD00] =	vst v63  }
0xc0: {  	s17 =	simm.s32 $0x180;
	s31 =	sadd.s32 s5, s0  }
0xc1: {  	[tilespmem:s17], [sflag:$0x4] =	stream.linear.gather [hbm4b:s31+s2], $0x28, $0x38;
	[tilespmem:$0xCD00] =	vst v63  }
0xc2: {  	s0 =	sadd.s32 s7, s0;
	s31 =	simm.s32 $0x400  }
0xc3: {  	[tilespmem:s31], [sflag:$0x4] =	stream.linear.gather [hbm4b:s0+s2], $0x28, $0x38;
	[tilespmem:$0xCD00] =	vst v63  }
0xc4: {  	_ =	swait.ge [sflag:s29], $0x1400  }
0xc5: {  	[sflag:s29] =	ssyncset.done $0x0  }
0xc6: {  	[sflag:s29] =	ssyncadd.s32 $0xFFFFEC00  }
0xc7: {  	_ =	swait.ge [sflag:s29], $0x1400  }
0xc8: {  	[sflag:s29] =	ssyncset.done $0x0  }
0xc9: {  	[sflag:s29] =	ssyncadd.s32 $0xFFFFEC00  }
0xca: {  	_ =	swait.ge [sflag:s28], $0x28  }
0xcb: {  	[sflag:s28] =	ssyncset.done $0x0  }
0xcc: {  	[sflag:s28] =	ssyncadd.s32 $0xFFFFFFD8  }
0xcd: {  	_ =	swait.ge [sflag:s28], $0x28  }
0xce: {  	[sflag:s28] =	ssyncset.done $0x0  }
0xcf: {  	s0 =	simm.s32 $0x100;
	s31 =	simm.s32 $0x2D00;
	[sflag:s28] =	ssyncadd.s32 $0xFFFFFFD8  }
0xd0: {  	[tilespmem:s31], [sflag:$0x8] =	stream.indirect.gather [hbm4b:s3+s24], $0x80, s0, s24, $0xb8;
	[tilespmem:$0xCD00] =	vst v63  }
0xd1: {  	s0 =	simm.s32 $0x380;
	s31 =	simm.s32 $0x9100  }
0xd2: {  	[tilespmem:s31], [sflag:$0x8] =	stream.indirect.gather [hbm4b:s4+s24], $0x80, s0, s24, $0xb8;
	[tilespmem:$0xCD00] =	vst v63  }
0xd3: {  	_ =	swait.ge [sflag:s6], $0x1400  }
0xd4: {  	[sflag:s6] =	ssyncset.done $0x0  }
0xd5: {  	[sflag:s6] =	ssyncadd.s32 $0xFFFFEC00  }
0xd6: {  	_ =	swait.ge [sflag:s6], $0x1400  }
0xd7: {  	[sflag:s6] =	ssyncset.done $0x0  }
0xd8: {  	s13 =	sadd.s32 $0xFFFFFD80, s13;
	s31 =	simm.s32 $0x5500;
	[sflag:s6] =	ssyncadd.s32 $0xFFFFEC00  }
0xd9: {  	[hbm4b:s13+s2] =	stream.linear.scatter [tilespmem:s31], [sflag:$0xF], $0x1400, $0x38;
	[tilespmem:$0xCD00] =	vst v63  }
0xda: {  	s25 =	sadd.s32 $0xFFFFFD80, s25;
	s31 =	simm.s32 $0xB900  }
0xdb: {  	[hbm4b:s25+s2] =	stream.linear.scatter [tilespmem:s31], [sflag:$0xF], $0x1400, $0x38;
	[tilespmem:$0xCD00] =	vst v63  }
0xdc: {  	s25 =	rddreg [dreg:$0x15]  }
0xdd: {  	s31 =	simm.s32 $0x200;
	s0 =	sadd.s32 s5, s25  }
0xde: {  	[tilespmem:s31], [sflag:$0x5] =	stream.linear.gather [hbm4b:s0+s2], $0x28, $0x38;
	[tilespmem:$0xCD00] =	vst v63  }
0xdf: {  	s25 =	sadd.s32 s7, s25;
	s31 =	simm.s32 $0x480  }
0xe0: {  	[tilespmem:s31], [sflag:$0x5] =	stream.linear.gather [hbm4b:s25+s2], $0x28, $0x38;
	[tilespmem:$0xCD00] =	vst v63  }
0xe1: {  	_ =	swait.ge [sflag:s10], $0x1400  }
.Ltmp3:
0xe2: {  	[sflag:s10] =	ssyncset.done $0x0;
	(pc) =	sbr.rel .LBB2_5-.Ltmp3, $4  }
0xe3: {  	[sflag:s10] =	ssyncadd.s32 $0xFFFFEC00  }
0xe4: {  	_ =	swait.ge [sflag:s10], $0x1400  }
0xe5: {  	[sflag:s10] =	ssyncset.done $0x0  }
0xe6: {  	s26 =	simm.s32 $0x400;
	s13 =	smov.u32 s14;
	[sflag:s10] =	ssyncadd.s32 $0xFFFFEC00  }
.LBB2_4:
0xe7: {  	_ =	swait.ge [sflag:s28], $0x28  }
0xe8: {  	[sflag:s28] =	ssyncset.done $0x0  }
0xe9: {  	[sflag:s28] =	ssyncadd.s32 $0xFFFFFFD8  }
0xea: {  	_ =	swait.ge [sflag:s28], $0x28  }
0xeb: {  	s0 =	simm.s32 $0x100;
	[sflag:s28] =	ssyncset.done $0x0  }
0xec: {  	s13 =	simm.s32 $0x2D00;
	s26 =	simm.s32 $0x380;
	[sflag:s28] =	ssyncadd.s32 $0xFFFFFFD8  }
0xed: {  	[tilespmem:s13], [sflag:$0x8] =	stream.indirect.gather [hbm4b:s3+s24], $0x80, s0, s24, $0xb8;
	[tilespmem:$0xCD00] =	vst v63  }
0xee: {  	s31 =	simm.s32 $0x9100;
	s17 =	simm.s32 $0x180;
	s18 =	simm.s32 $0x4100  }
0xef: {  	[tilespmem:s31], [sflag:$0x8] =	stream.indirect.gather [hbm4b:s4+s24], $0x80, s26, s24, $0xb8;
	[tilespmem:$0xCD00] =	vst v63  }
0xf0: {  	s8 =	simm.s32 $0xA500;
	s13 =	simm.s32 $0x0;
	s26 =	simm.s32 $0x400  }
.LBB2_5:
0xf1: {  	_ =	swait.ge [sflag:s15], $0x28  }
0xf2: {  	[sflag:s15] =	ssyncset.done $0x0  }
0xf3: {  	[sflag:s15] =	ssyncadd.s32 $0xFFFFFFD8  }
0xf4: {  	_ =	swait.ge [sflag:s15], $0x28  }
0xf5: {  	[sflag:s15] =	ssyncset.done $0x0  }
0xf6: {  	[sflag:s15] =	ssyncadd.s32 $0xFFFFFFD8  }
0xf7: {  	[tilespmem:s18], [sflag:$0x9] =	stream.indirect.gather [hbm4b:s3+s24], $0x80, s17, s24, $0xb8;
	[tilespmem:$0xCD00] =	vst v63  }
0xf8: {  	_ = 	snop  }
0xf9: {  	[tilespmem:s8], [sflag:$0x9] =	stream.indirect.gather [hbm4b:s4+s24], $0x80, s26, s24, $0xb8;
	[tilespmem:$0xCD00] =	vst v63  }
0xfa: {  	_ =	swait.ge [sflag:s30], $0x1400  }
0xfb: {  	[sflag:s30] =	ssyncset.done $0x0  }
0xfc: {  	[sflag:s30] =	ssyncadd.s32 $0xFFFFEC00  }
0xfd: {  	_ =	swait.ge [sflag:s30], $0x1400  }
0xfe: {  	s25 =	rddreg [dreg:$0x2]  }
0xff: {  	s25 =	sadd.s32 s25, s13  }
0x100: {  	[sflag:s30] =	ssyncset.done $0x0;
	s25 =	sshll.u32 s25, $0x4  }
0x101: {  	s0 =	simm.s32 $0x500;
	[sflag:s30] =	ssyncadd.s32 $0xFFFFEC00;
	s18 =	sadd.s32 s21, s25  }
0x102: {  	[hbm4b:s18+s2] =	stream.linear.scatter [tilespmem:s0], [sflag:$0xB], $0x1400, $0x38;
	[tilespmem:$0xCD00] =	vst v63  }
0x103: {  	s8 =	smov.u32 s21;
	s25 =	sadd.s32 s9, s25;
	s21 =	simm.s32 $0x6900  }
0x104: {  	[hbm4b:s25+s2] =	stream.linear.scatter [tilespmem:s21], [sflag:$0xB], $0x1400, $0x38;
	[tilespmem:$0xCD00] =	vst v63  }
0x105: {  	p0 =	seq.s32 s11, $0x12C00;
	s25 =	rddreg [dreg:$0x16]  }
0x106: {  	s25 =	sadd.s32 @!p0 s13, s25  }
0x107: {  	s21 =	rddreg [dreg:$0x1b];
	s25 =	sshrl.u32 @!p0 s25, $0x3  }
0x108: {  	s31 =	simm.s32 @!p0 $0x0;
	p1 =	seq.s32 @!p0 s11, $0x0;
	s26 =	sadd.s32 @!p0 s21, s25  }
0x109: {  	[tilespmem:s31], [sflag:$0x1] =	stream.linear.gather @!p0 [hbm4b:s26+s31], $0x28, $0x38;
	[tilespmem:$0xCD00] =	vst v63  }
0x10a: {  	p1 =	por p0, !p1;
	s25 =	sadd.s32 @!p0 s12, s25;
	s26 =	simm.s32 @!p0 $0x280  }
0x10b: {  	[tilespmem:s26], [sflag:$0x1] =	stream.linear.gather @!p0 [hbm4b:s25+s31], $0x28, $0x38;
	[tilespmem:$0xCD00] =	vst v63  }
0x10c: {  	_ =	swait.ge @p1 [sflag:s20], $0x1400  }
0x10d: {  	[sflag:s20] =	ssyncset.done @p1 $0x0  }
0x10e: {  	[sflag:s20] =	ssyncadd.s32 @p1 $0xFFFFEC00  }
0x10f: {  	_ =	swait.ge @p1 [sflag:s20], $0x1400  }
0x110: {  	[sflag:s20] =	ssyncset.done @p1 $0x0  }
0x111: {  	[sflag:s20] =	ssyncadd.s32 @p1 $0xFFFFEC00  }
0x112: {  	_ =	swait.ge [sflag:s19], $0x28  }
0x113: {  	[sflag:s19] =	ssyncset.done $0x0  }
0x114: {  	[sflag:s19] =	ssyncadd.s32 $0xFFFFFFD8  }
0x115: {  	_ =	swait.ge [sflag:s19], $0x28  }
0x116: {  	[sflag:s19] =	ssyncset.done $0x0  }
0x117: {  	s26 =	simm.s32 $0x200;
	s31 =	simm.s32 $0x5500;
	[sflag:s19] =	ssyncadd.s32 $0xFFFFFFD8  }
0x118: {  	[tilespmem:s31], [sflag:$0xA] =	stream.indirect.gather [hbm4b:s3+s24], $0x80, s26, s24, $0xb8;
	[tilespmem:$0xCD00] =	vst v63  }
0x119: {  	s25 =	simm.s32 $0x480;
	s26 =	simm.s32 $0xB900  }
0x11a: {  	[tilespmem:s26], [sflag:$0xA] =	stream.indirect.gather [hbm4b:s4+s24], $0x80, s25, s24, $0xb8;
	[tilespmem:$0xCD00] =	vst v63  }
0x11b: {  	_ =	swait.ge [sflag:s22], $0x1400  }
0x11c: {  	[sflag:s22] =	ssyncset.done $0x0  }
0x11d: {  	[sflag:s22] =	ssyncadd.s32 $0xFFFFEC00  }
0x11e: {  	_ =	swait.ge [sflag:s22], $0x1400  }
0x11f: {  	s31 =	rddreg [dreg:$0x3]  }
0x120: {  	s25 =	sadd.s32 s13, s31  }
.Ltmp4:
0x121: {  	[sflag:s22] =	ssyncset.done $0x0;
	s25 =	sshll.u32 s25, $0x4;
	(pc) =	sbr.rel @p0 .LBB2_7-.Ltmp4, $4  }
0x122: {  	s18 =	simm.s32 $0x1900;
	[sflag:s22] =	ssyncadd.s32 $0xFFFFEC00;
	s0 =	sadd.s32 s8, s25  }
0x123: {  	[hbm4b:s0+s2] =	stream.linear.scatter [tilespmem:s18], [sflag:$0xC], $0x1400, $0x38;
	[tilespmem:$0xCD00] =	vst v63  }
0x124: {  	s31 =	simm.s32 $0x7D00;
	s25 =	sadd.s32 s9, s25;
	s18 =	rddreg [dreg:$0x1a]  }
0x125: {  	[hbm4b:s25+s2] =	stream.linear.scatter [tilespmem:s31], [sflag:$0xC], $0x1400, $0x38;
	[tilespmem:$0xCD00] =	vst v63  }
0x126: {  	s25 =	rddreg [dreg:$0x17]  }
0x127: {  	s0 =	simm.s32 $0x80;
	s13 =	sadd.s32 s13, s25  }
.Ltmp5:
0x128: {  	s17 =	simm.s32 $0x300;
	s13 =	sshrl.u32 s13, $0x3;
	(pc) =	sbr.rel .LBB2_2-.Ltmp5, $4  }
0x129: {  	s14 =	sadd.s32 $0xC8, s14;
	s11 =	sadd.s32 $0xC80, s11;
	s31 =	sadd.s32 s21, s13  }
0x12a: {  	[tilespmem:s0], [sflag:$0x2] =	stream.linear.gather [hbm4b:s31+s2], $0x28, $0x38;
	[tilespmem:$0xCD00] =	vst v63  }
0x12b: {  	s7 =	sadd.s32 $0x19, s7;
	s5 =	sadd.s32 $0x19, s5;
	s13 =	sadd.s32 s12, s13  }
0x12c: {  	[tilespmem:s17], [sflag:$0x2] =	stream.linear.gather [hbm4b:s13+s2], $0x28, $0x38;
	[tilespmem:$0xCD00] =	vst v63  }
.LBB2_8:
0x12d: {  	_ =	sfence.sel $0x180000  }
0x12e: {  	[bflag:$0x0] =	sbarrier.arrive $0xFFFF  }
0x12f: {  	_ =	strace $0x90000047  }
0x130: {  	s0 =	stileid.u32;
	[bflag:$0x2] =	sbarrier.arrive $0xFFFF  }
0x131: {  	p0 =	sne.s32 s0, $0x0;
	s0 =	rddreg [dreg:$0x1]  }
0x132: {  	s0 =	sadd.s32 @!p0 $0x100000, s0  }
0x133: {  	[sflag:s0] =	ssyncadd.tile.s32 @!p0 $0x1;
	_ =	shalt  }
.Lfunc_end2:
_tile_overlayer_lowered:
.L_overlay_start_2:
0x134: {  	(tag) =	ssettag $0x2  }
0x135: {  	s0 =	rddreg [dreg:$0x0];
	s2 =	stileid.u32  }
0x136: {  	s1 =	rddreg [dreg:$0x1];
	p0 =	sne.s32 s2, $0x0  }
0x137: {  	s3 =	rddreg [dreg:$0x2];
	[bflag:$0x3] =	sbarrier.arrive $0xFFFF;
	s2 =	simm.s32 @!p0 $0x1C10  }
0x138: {  	[timem:s3], [sflag:s2] =	dma.local @!p0 [hbm:s0], s1  }
0x139: {  	s0 =	simm.s32 @!p0 $0x10  }
0x13a: {  	_ =	swait.ge @!p0 [sflag:s0], s1  }
0x13b: {  	s1 =	ssub.s32 @!p0 $0x0, s1;
	[sflag:s0] =	ssyncset.done @!p0 $0x0  }
0x13c: {  	[sflag:s0] =	ssyncadd.s32 @!p0 s1  }
0x13d: {  	[bflag:$0x3] =	sbarrier.arrive $0xFFFF  }
0x13e: {  	_ =	shalt  }

</sc_bundles>
